<compile_context>
chip_gen: v7x
topology: tpu7x:2x2x1
jax: 0.10.2.dev20260603
libtpu: 0.0.44.dev20260713+nightly
codegen_flags: <defaults>
</compile_context>

<pallas_src>
import functools
import jax
import jax.numpy as jnp
from jax import lax
from jax.experimental import pallas as pl
from jax.experimental.pallas import tpu as pltpu
from jax.experimental.pallas import tpu_sc as plsc

T, D, E, K, I, SI = 2048, 1024, 64, 2, 512, 1024
BM = 128
NBLK = 96
P = NBLK * BM
TK = T * K

try:
    _SC = plsc.get_sparse_core_info()
    NC, NS, L = _SC.num_cores, _SC.num_subcores, _SC.num_lanes
except Exception:
    NC, NS, L = 2, 16, 16
NW = NC * NS
_MESH = dict(core_axis_name="c", subcore_axis_name="s")
_SC_PARAMS = pltpu.CompilerParams(needs_layout_passes=False)


def _wid():
    return lax.axis_index("s") * NC + lax.axis_index("c")


_SLOT_W = P // NW
_G_CHUNK = 16
_G_DEPTH = 6


def _sc_dispatch(posf, wtsf, x):
    nch = _SLOT_W // _G_CHUNK

    @functools.partial(
        pl.kernel,
        mesh=plsc.VectorSubcoreMesh(**_MESH),
        compiler_params=_SC_PARAMS,
        out_type=(jax.ShapeDtypeStruct((P,), jnp.float32),
                  jax.ShapeDtypeStruct((P, D), jnp.float32)),
        scratch_types=[
            pltpu.VMEM((TK,), jnp.int32),
            pltpu.VMEM((TK,), jnp.float32),
            pltpu.VMEM((_SLOT_W,), jnp.int32),
            pltpu.VMEM((_SLOT_W,), jnp.float32),
            pltpu.SemaphoreType.DMA,
        ] + [pltpu.VMEM((_G_CHUNK, D), jnp.float32)] * _G_DEPTH
          + [pltpu.SemaphoreType.DMA] * (2 * _G_DEPTH),
    )
    def k(pos_h, wts_h, x_h, wts_out, xg_out,
          pos_v, wts_v, idx_v, wtsb, wssem, *rest):
        bufs = rest[:_G_DEPTH]
        gsem = rest[_G_DEPTH:2 * _G_DEPTH]
        wsem = rest[2 * _G_DEPTH:3 * _G_DEPTH]
        base = _wid() * _SLOT_W
        pltpu.sync_copy(pos_h, pos_v)
        pltpu.sync_copy(wts_h, wts_v)
        lane = lax.broadcasted_iota(jnp.int32, (L,), 0)
        zf = jnp.zeros((L,), jnp.float32)

        def zbody(i, c):
            idx_v[pl.ds(i * L, L)] = (base + i * L + lane) & (T - 1)
            wtsb[pl.ds(i * L, L)] = zf
            return c
        lax.fori_loop(0, _SLOT_W // L, zbody, 0)

        def sbody(i, c):
            s = pl.ds(i * L, L)
            pos = pos_v[s] - base
            w = wts_v[s]
            tok = lax.shift_right_logical(i * L + lane, 1)
            m = (pos >= 0) & (pos < _SLOT_W)
            plsc.store_scatter(idx_v, [pos], tok, mask=m)
            plsc.store_scatter(wtsb, [pos], w, mask=m)
            return c
        lax.fori_loop(0, TK // L, sbody, 0)
        wsh = pltpu.async_copy(wtsb, wts_out.at[pl.ds(base, _SLOT_W)], wssem)

        def gath(i, b):
            return pltpu.async_copy(
                x_h.at[idx_v.at[pl.ds(i * _G_CHUNK, _G_CHUNK)]],
                bufs[b], gsem[b])

        gh = [gath(i, i) for i in range(_G_DEPTH)]
        wh = [None] * _G_DEPTH
        for i in range(nch):
            b = i % _G_DEPTH
            gh[b].wait()
            wh[b] = pltpu.async_copy(
                bufs[b], xg_out.at[pl.ds(base + i * _G_CHUNK, _G_CHUNK)],
                wsem[b])
            if i + _G_DEPTH < nch:
                wh[b].wait()
                gh[b] = gath(i + _G_DEPTH, b)
        for i in range(nch - _G_DEPTH, nch):
            if wh[i % _G_DEPTH] is not None:
                wh[i % _G_DEPTH].wait()
        wsh.wait()

    return k(posf, wtsf, x)


_C_CHUNK = 32


def _sc_combine(z, o_all, pos0, pos1):
    tok_w = T // NW

    @functools.partial(
        pl.kernel,
        mesh=plsc.VectorSubcoreMesh(**_MESH),
        compiler_params=_SC_PARAMS,
        out_type=jax.ShapeDtypeStruct((T, D), jnp.float32),
        scratch_types=[
            pltpu.VMEM((_C_CHUNK,), jnp.int32),
            pltpu.VMEM((_C_CHUNK,), jnp.int32),
            pltpu.VMEM((_C_CHUNK, D), jnp.float32),
            pltpu.VMEM((_C_CHUNK, D), jnp.float32),
            pltpu.VMEM((_C_CHUNK, D), jnp.float32),
            pltpu.SemaphoreType.DMA,
        ],
    )
    def k(z_h, o_h, p0_h, p1_h, y_h, i0_v, i1_v, bz, b0, b1, sem):
        base = _wid() * tok_w

        def body(c, carry):
            off = base + c * _C_CHUNK
            pltpu.sync_copy(p0_h.at[pl.ds(off, _C_CHUNK)], i0_v)
            pltpu.sync_copy(p1_h.at[pl.ds(off, _C_CHUNK)], i1_v)
            pltpu.sync_copy(z_h.at[pl.ds(off, _C_CHUNK)], bz)
            pltpu.async_copy(o_h.at[i0_v], b0, sem).wait()
            pltpu.async_copy(o_h.at[i1_v], b1, sem).wait()

            def radd(r, cc):
                def ladd(j, ccc):
                    for u in range(4):
                        s = pl.ds((4 * j + u) * L, L)
                        bz[r, s] = bz[r, s] + b0[r, s] + b1[r, s]
                    return ccc
                return lax.fori_loop(0, D // (4 * L), ladd, cc)
            lax.fori_loop(0, _C_CHUNK, radd, 0)
            pltpu.sync_copy(bz, y_h.at[pl.ds(off, _C_CHUNK)])
            return carry
        lax.fori_loop(0, tok_w // _C_CHUNK, body, 0)

    return k(z, o_all, pos0, pos1)


def _gate_route_body(x_ref, wg_ref, bg_ref,
                     wts_ref, pos_ref, blk_e_ref, nblk_ref):
    x = x_ref[...]
    logits = lax.dot_general(x, wg_ref[...], (((1,), (1,)), ((), ())),
                             preferred_element_type=jnp.float32)
    logits = logits + bg_ref[...][None, :]
    m = jnp.max(logits, axis=1, keepdims=True)
    ex = jnp.exp(logits - m)
    scores = ex / jnp.sum(ex, axis=1, keepdims=True)

    col = lax.broadcasted_iota(jnp.int32, (T, E), 1)
    m1 = jnp.max(scores, axis=1, keepdims=True)
    a1 = jnp.min(jnp.where(scores == m1, col, E), axis=1, keepdims=True)
    sc2 = jnp.where(col == a1, -jnp.inf, scores)
    m2 = jnp.max(sc2, axis=1, keepdims=True)
    a2 = jnp.min(jnp.where(sc2 == m2, col, E), axis=1, keepdims=True)

    oh0 = (col == a1).astype(jnp.float32)
    oh1 = (col == a2).astype(jnp.float32)
    ohs = oh0 + oh1

    CH = 128
    tril = (lax.broadcasted_iota(jnp.int32, (CH, CH), 0) >=
            lax.broadcasted_iota(jnp.int32, (CH, CH), 1)).astype(jnp.float32)
    cum_chunks = []
    off_run = jnp.zeros((1, E), jnp.float32)
    for c in range(T // CH):
        blk = lax.slice(ohs, (c * CH, 0), ((c + 1) * CH, E))
        pre = lax.dot_general(tril, blk, (((1,), (0,)), ((), ())),
                              preferred_element_type=jnp.float32)
        cum_chunks.append(pre + off_run)
        off_run = off_run + pre[CH - 1:CH, :]
    cum = jnp.concatenate(cum_chunks, axis=0)
    counts = off_run
    cum_ex = cum - ohs
    rank0 = jnp.sum(cum_ex * oh0, axis=1, keepdims=True)
    rank1 = jnp.sum(cum_ex * oh1, axis=1, keepdims=True)

    nblk_e = jnp.ceil(counts / BM)
    tri = (lax.broadcasted_iota(jnp.int32, (E, E), 0) <
           lax.broadcasted_iota(jnp.int32, (E, E), 1)).astype(jnp.float32)
    blk_start = lax.dot_general(nblk_e, tri, (((1,), (0,)), ((), ())),
                                preferred_element_type=jnp.float32)
    off = blk_start * BM

    pos0 = jnp.sum(off * oh0, axis=1, keepdims=True) + rank0
    pos1 = jnp.sum(off * oh1, axis=1, keepdims=True) + rank1

    wts_ref[...] = jnp.concatenate([m1, m2], axis=1)
    pos_ref[...] = jnp.concatenate([pos0, pos1], axis=1).astype(jnp.int32)

    brow = lax.broadcasted_iota(jnp.int32, (NBLK, E), 0).astype(jnp.float32)
    blk_e_ref[...] = (jnp.sum((blk_start >= 0) & (blk_start <= brow),
                              axis=1).astype(jnp.int32) - 1)
    nblk_ref[...] = jnp.sum(nblk_e, axis=1).astype(jnp.int32)


def _gate_route(x, Wg, bg):
    return pl.pallas_call(
        _gate_route_body,
        out_shape=(
            jax.ShapeDtypeStruct((T, K), jnp.float32),
            jax.ShapeDtypeStruct((T, K), jnp.int32),
            jax.ShapeDtypeStruct((NBLK,), jnp.int32),
            jax.ShapeDtypeStruct((1,), jnp.int32),
        ),
    )(x, Wg, bg)


def _expert_body(blk_e, nblk_tot, xg_ref, w1_ref, b1_ref, w3_ref, b3_ref,
                 w2_ref, b2_ref, wts_ref, out_ref):
    b = pl.program_id(0)

    @pl.when(b < nblk_tot[0])
    def _():
        xb = xg_ref[...].astype(jnp.bfloat16)
        h1 = lax.dot_general(xb, w1_ref[0].astype(jnp.bfloat16),
                             (((1,), (1,)), ((), ())),
                             preferred_element_type=jnp.float32)
        h1 = h1 + b1_ref[0]
        h3 = lax.dot_general(xb, w3_ref[0].astype(jnp.bfloat16),
                             (((1,), (1,)), ((), ())),
                             preferred_element_type=jnp.float32)
        h3 = h3 + b3_ref[0]
        h = (h1 * jax.nn.sigmoid(h1) * h3).astype(jnp.bfloat16)
        o = lax.dot_general(h, w2_ref[0].astype(jnp.bfloat16),
                            (((1,), (1,)), ((), ())),
                            preferred_element_type=jnp.float32)
        o = o + b2_ref[0]
        w = jnp.transpose(wts_ref[0])
        out_ref[...] = o * w

    @pl.when(b >= nblk_tot[0])
    def _():
        out_ref[...] = jnp.zeros_like(out_ref)


def _expert_mlp(blk_e, nblk_tot, xg, W1, b1, W3, b3, W2, b2, wts_blk):
    grid_spec = pltpu.PrefetchScalarGridSpec(
        num_scalar_prefetch=2,
        grid=(NBLK,),
        in_specs=[
            pl.BlockSpec((BM, D),
                         lambda b, be, nb: (jnp.minimum(b, nb[0]), 0)),
            pl.BlockSpec((1, I, D), lambda b, be, nb: (be[b], 0, 0)),
            pl.BlockSpec((1, 1, I), lambda b, be, nb: (be[b], 0, 0)),
            pl.BlockSpec((1, I, D), lambda b, be, nb: (be[b], 0, 0)),
            pl.BlockSpec((1, 1, I), lambda b, be, nb: (be[b], 0, 0)),
            pl.BlockSpec((1, D, I), lambda b, be, nb: (be[b], 0, 0)),
            pl.BlockSpec((1, 1, D), lambda b, be, nb: (be[b], 0, 0)),
            pl.BlockSpec((1, 1, BM),
                         lambda b, be, nb: (jnp.minimum(b, nb[0]), 0, 0)),
        ],
        out_specs=pl.BlockSpec(
            (BM, D), lambda b, be, nb: (jnp.minimum(b, nb[0]), 0)),
    )
    return pl.pallas_call(
        _expert_body,
        grid_spec=grid_spec,
        out_shape=jax.ShapeDtypeStruct((P, D), jnp.float32),
    )(blk_e, nblk_tot, xg, W1, b1, W3, b3, W2, b2, wts_blk)


def _shared_body(x_ref, w1_ref, b1_ref, w3_ref, b3_ref, w2_ref, b2_ref, z_ref):
    xb = x_ref[...].astype(jnp.bfloat16)
    h1 = lax.dot_general(xb, w1_ref[...], (((1,), (1,)), ((), ())),
                         preferred_element_type=jnp.float32) + b1_ref[...]
    h3 = lax.dot_general(xb, w3_ref[...], (((1,), (1,)), ((), ())),
                         preferred_element_type=jnp.float32) + b3_ref[...]
    h = (h1 * jax.nn.sigmoid(h1) * h3).astype(jnp.bfloat16)
    z_ref[...] = lax.dot_general(h, w2_ref[...], (((1,), (1,)), ((), ())),
                                 preferred_element_type=jnp.float32) + b2_ref[...]


def _shared_mlp(x, Ws1, bs1, Ws3, bs3, Ws2, bs2):
    BT = 512
    return pl.pallas_call(
        _shared_body,
        grid=(T // BT,),
        in_specs=[
            pl.BlockSpec((BT, D), lambda i: (i, 0)),
            pl.BlockSpec((SI, D), lambda i: (0, 0)),
            pl.BlockSpec((1, SI), lambda i: (0, 0)),
            pl.BlockSpec((SI, D), lambda i: (0, 0)),
            pl.BlockSpec((1, SI), lambda i: (0, 0)),
            pl.BlockSpec((D, SI), lambda i: (0, 0)),
            pl.BlockSpec((1, D), lambda i: (0, 0)),
        ],
        out_specs=pl.BlockSpec((BT, D), lambda i: (i, 0)),
        out_shape=jax.ShapeDtypeStruct((T, D), jnp.float32),
    )(x, Ws1, bs1, Ws3, bs3, Ws2, bs2)


def kernel(x, Wg, bg, W1, b1, W3, b3, W2, b2, Ws1, bs1, Ws3, bs3, Ws2, bs2):
    wts_tk, pos_tk, blk_e, nblk_tot = _gate_route(x, Wg, bg)

    posf = pos_tk.reshape(-1)
    wtsf = wts_tk.reshape(-1)
    wts_slot, xg = _sc_dispatch(posf, wtsf, x)

    o_all = _expert_mlp(blk_e, nblk_tot, xg,
                        W1, b1.reshape(E, 1, I),
                        W3, b3.reshape(E, 1, I),
                        W2, b2.reshape(E, 1, D),
                        wts_slot.reshape(NBLK, 1, BM))
    z = _shared_mlp(x, Ws1.astype(jnp.bfloat16), bs1.reshape(1, SI),
                    Ws3.astype(jnp.bfloat16), bs3.reshape(1, SI),
                    Ws2.astype(jnp.bfloat16), bs2.reshape(1, D))

    y = _sc_combine(z, o_all, pos_tk[:, 0], pos_tk[:, 1])
    return y

# --- scband reference (transcript-rebuilt; emitter-appended) ---
"""Pipeline reference for scband-mo-e-78168404787630 (READ-ONLY COPY).

The authoritative reference and input builder live on the scoring server;
editing this copy changes nothing except your own understanding.
"""

import jax, jax.numpy as jnp
import numpy as np

T, D, E, K, I, SI = 2048, 1024, 64, 2, 512, 1024
ROUTE_SCALE = 1.0


def setup_inputs(seed: int = 0) -> dict:
    key = jax.random.key(seed)
    ks = jax.random.split(key, 16)
    s = 0.02
    return {
        "x": jax.random.normal(ks[0], (T, D), dtype=jnp.float32),
        "Wg": jax.random.normal(ks[1], (E, D), dtype=jnp.float32) * s,
        "bg": jnp.zeros((E,), dtype=jnp.float32),
        "W1": jax.random.normal(ks[2], (E, I, D), dtype=jnp.float32) * s,
        "b1": jnp.zeros((E, I), dtype=jnp.float32),
        "W3": jax.random.normal(ks[3], (E, I, D), dtype=jnp.float32) * s,
        "b3": jnp.zeros((E, I), dtype=jnp.float32),
        "W2": jax.random.normal(ks[4], (E, D, I), dtype=jnp.float32) * s,
        "b2": jnp.zeros((E, D), dtype=jnp.float32),
        "Ws1": jax.random.normal(ks[5], (SI, D), dtype=jnp.float32) * s,
        "bs1": jnp.zeros((SI,), dtype=jnp.float32),
        "Ws3": jax.random.normal(ks[6], (SI, D), dtype=jnp.float32) * s,
        "bs3": jnp.zeros((SI,), dtype=jnp.float32),
        "Ws2": jax.random.normal(ks[7], (D, SI), dtype=jnp.float32) * s,
        "bs2": jnp.zeros((D,), dtype=jnp.float32),
    }


def reference(x, Wg, bg, W1, b1, W3, b3, W2, b2, Ws1, bs1, Ws3, bs3, Ws2, bs2):
    # Gate: softmax scores, top-k routing (n_expert_groups == 1 -> no group masking)
    logits = x @ Wg.T + bg
    scores = jax.nn.softmax(logits.astype(jnp.float32), axis=-1)
    _, indices = jax.lax.top_k(scores, K)                 # [T, K]
    weights = jnp.take_along_axis(scores, indices, axis=1)  # gather from original_scores
    weights = (weights * ROUTE_SCALE).astype(x.dtype)
    # Routed experts (fixed-shape masked routing)
    y = jnp.zeros_like(x)
    for i in range(E):
        w_i = jnp.sum(
            jnp.where(indices == i, weights, jnp.zeros_like(weights)), axis=1
        )  # [T], zero for tokens not routed to expert i
        h = jax.nn.silu(x @ W1[i].T + b1[i]) * (x @ W3[i].T + b3[i])
        out_i = h @ W2[i].T + b2[i]
        y = y + out_i * w_i[:, None]
    # Shared experts MLP (inter = n_shared_experts * moe_inter_dim)
    z = (jax.nn.silu(x @ Ws1.T + bs1) * (x @ Ws3.T + bs3)) @ Ws2.T + bs2
    return y + z

if __name__ == "__main__":
    import jax
    _d = setup_inputs()
    print(jax.jit(kernel)(*tuple(_d.values())))

</pallas_src>

<mosaic_0001>
#map = affine_map<(d0, d1) -> (0)>
#map1 = affine_map<(d0, d1) -> (0, 0)>
module attributes {stable_mosaic.version = 14 : i64} {
  func.func @k(%arg0: i32, %arg1: i32, %arg2: memref<4096xi32, #tpu.memory_space<hbm>>, %arg3: memref<4096xf32, #tpu.memory_space<hbm>>, %arg4: memref<2048x1024xf32, #tpu.memory_space<hbm>>, %arg5: memref<12288xf32, #tpu.memory_space<hbm>>, %arg6: memref<12288x1024xf32, #tpu.memory_space<hbm>>, %arg7: memref<4096xi32, #tpu.memory_space<vmem>>, %arg8: memref<4096xf32, #tpu.memory_space<vmem>>, %arg9: memref<384xi32, #tpu.memory_space<vmem>>, %arg10: memref<384xf32, #tpu.memory_space<vmem>>, %arg11: memref<!tpu.dma_semaphore, #tpu.memory_space<semaphore_mem>>, %arg12: memref<16x1024xf32, #tpu.memory_space<vmem>>, %arg13: memref<16x1024xf32, #tpu.memory_space<vmem>>, %arg14: memref<16x1024xf32, #tpu.memory_space<vmem>>, %arg15: memref<16x1024xf32, #tpu.memory_space<vmem>>, %arg16: memref<16x1024xf32, #tpu.memory_space<vmem>>, %arg17: memref<16x1024xf32, #tpu.memory_space<vmem>>, %arg18: memref<!tpu.dma_semaphore, #tpu.memory_space<semaphore_mem>>, %arg19: memref<!tpu.dma_semaphore, #tpu.memory_space<semaphore_mem>>, %arg20: memref<!tpu.dma_semaphore, #tpu.memory_space<semaphore_mem>>, %arg21: memref<!tpu.dma_semaphore, #tpu.memory_space<semaphore_mem>>, %arg22: memref<!tpu.dma_semaphore, #tpu.memory_space<semaphore_mem>>, %arg23: memref<!tpu.dma_semaphore, #tpu.memory_space<semaphore_mem>>, %arg24: memref<!tpu.dma_semaphore, #tpu.memory_space<semaphore_mem>>, %arg25: memref<!tpu.dma_semaphore, #tpu.memory_space<semaphore_mem>>, %arg26: memref<!tpu.dma_semaphore, #tpu.memory_space<semaphore_mem>>, %arg27: memref<!tpu.dma_semaphore, #tpu.memory_space<semaphore_mem>>, %arg28: memref<!tpu.dma_semaphore, #tpu.memory_space<semaphore_mem>>, %arg29: memref<!tpu.dma_semaphore, #tpu.memory_space<semaphore_mem>>) attributes {dimension_semantics = [#tpu.dimension_semantics<core_parallel>, #tpu.dimension_semantics<subcore_parallel>], iteration_bounds = array<i64: 2, 16>, scalar_prefetch = 0 : i64, scratch_operands = 23 : i64, tpu.core_type = #tpu.core_type<sc_vector_subcore>, window_params = [{transform_indices = #map}, {transform_indices = #map}, {transform_indices = #map1}, {transform_indices = #map}, {transform_indices = #map1}]} {
    %mul3A = arith.constant 2 : i32
    %mul3A_0 = arith.muli %arg1, %mul3A : i32
    %add3A = arith.addi %mul3A_0, %arg0 : i32
    %mul3A_1 = arith.constant 384 : i32
    %mul3A_2 = arith.muli %add3A, %mul3A_1 : i32
    "tpu.region"() ({
      %run_scoped3A = tpu.sem_alloc : memref<!tpu.dma_semaphore, #tpu.memory_space<semaphore_mem>>
      tpu.enqueue_dma source(%arg2 : memref<4096xi32, #tpu.memory_space<hbm>>) target(%arg7 : memref<4096xi32, #tpu.memory_space<vmem>>) target_semaphore(%run_scoped3A : memref<!tpu.dma_semaphore, #tpu.memory_space<semaphore_mem>>)
      tpu.wait_dma2 semaphore(%run_scoped3A : memref<!tpu.dma_semaphore, #tpu.memory_space<semaphore_mem>>) src(%arg2 : memref<4096xi32, #tpu.memory_space<hbm>>) dst(%arg7 : memref<4096xi32, #tpu.memory_space<vmem>>)
      tpu.yield
    }) : () -> ()
    "tpu.region"() ({
      %run_scoped3A = tpu.sem_alloc : memref<!tpu.dma_semaphore, #tpu.memory_space<semaphore_mem>>
      tpu.enqueue_dma source(%arg3 : memref<4096xf32, #tpu.memory_space<hbm>>) target(%arg8 : memref<4096xf32, #tpu.memory_space<vmem>>) target_semaphore(%run_scoped3A : memref<!tpu.dma_semaphore, #tpu.memory_space<semaphore_mem>>)
      tpu.wait_dma2 semaphore(%run_scoped3A : memref<!tpu.dma_semaphore, #tpu.memory_space<semaphore_mem>>) src(%arg3 : memref<4096xf32, #tpu.memory_space<hbm>>) dst(%arg8 : memref<4096xf32, #tpu.memory_space<vmem>>)
      tpu.yield
    }) : () -> ()
    %iota3A = tpu.iota {dimensions = array<i32: 0>} : vector<16xi32>
    %broadcast_in_dim3A = arith.constant 0.000000e+00 : f32
    %broadcast_in_dim3A_3 = vector.broadcast %broadcast_in_dim3A : f32 to vector<16xf32>
    %scan3A = arith.constant 0 : i32
    %scan3A_4 = arith.constant 0 : i32
    %scan3A_5 = arith.constant 24 : i32
    %scan3A_6 = arith.addi %scan3A_4, %scan3A_5 : i32
    %scan3A_7 = arith.constant 1 : i32
    scf.for %scan3A_497 = %scan3A_4 to %scan3A_6 step %scan3A_7  : i32 {
      %mul3A_498 = arith.constant 16 : i32
      %mul3A_499 = arith.muli %scan3A_497, %mul3A_498 : i32
      %add3A_500 = arith.addi %mul3A_2, %mul3A_499 : i32
      %add3A_501 = vector.broadcast %add3A_500 : i32 to vector<16xi32>
      %add3A_502 = arith.addi %add3A_501, %iota3A : vector<16xi32>
      %and3A = arith.constant 2047 : i32
      %and3A_503 = vector.broadcast %and3A : i32 to vector<16xi32>
      %and3A_504 = arith.andi %add3A_502, %and3A_503 : vector<16xi32>
      %mul3A_505 = arith.constant 16 : i32
      %mul3A_506 = arith.muli %scan3A_497, %mul3A_505 : i32
      %swap3A = arith.index_cast %mul3A_506 : i32 to index
      %swap3A_507 = tpu.vector_load %arg9[%swap3A] {strides = array<i32>} : memref<384xi32, #tpu.memory_space<vmem>>, vector<16xi32>,
      tpu.vector_store %arg9[%swap3A], %and3A_504 {strides = array<i32>} : memref<384xi32, #tpu.memory_space<vmem>>, vector<16xi32>,
      %mul3A_508 = arith.constant 16 : i32
      %mul3A_509 = arith.muli %scan3A_497, %mul3A_508 : i32
      %swap3A_510 = arith.index_cast %mul3A_509 : i32 to index
      %swap3A_511 = tpu.vector_load %arg10[%swap3A_510] {strides = array<i32>} : memref<384xf32, #tpu.memory_space<vmem>>, vector<16xf32>,
      tpu.vector_store %arg10[%swap3A_510], %broadcast_in_dim3A_3 {strides = array<i32>} : memref<384xf32, #tpu.memory_space<vmem>>, vector<16xf32>,
    }
    %scan3A_8 = arith.constant 24 : i32
    %scan3A_9 = arith.constant 0 : i32
    %scan3A_10 = arith.constant 0 : i32
    %scan3A_11 = arith.constant 256 : i32
    %scan3A_12 = arith.addi %scan3A_10, %scan3A_11 : i32
    %scan3A_13 = arith.constant 1 : i32
    scf.for %scan3A_497 = %scan3A_10 to %scan3A_12 step %scan3A_13  : i32 {
      %mul3A_498 = arith.constant 16 : i32
      %mul3A_499 = arith.muli %scan3A_497, %mul3A_498 : i32
      %get3A = arith.index_cast %mul3A_499 : i32 to index
      %get3A_500 = tpu.vector_load %arg7[%get3A] {strides = array<i32>} : memref<4096xi32, #tpu.memory_space<vmem>>, vector<16xi32>,
      %sub3A = vector.broadcast %mul3A_2 : i32 to vector<16xi32>
      %sub3A_501 = arith.subi %get3A_500, %sub3A : vector<16xi32>
      %get3A_502 = arith.index_cast %mul3A_499 : i32 to index
      %get3A_503 = tpu.vector_load %arg8[%get3A_502] {strides = array<i32>} : memref<4096xf32, #tpu.memory_space<vmem>>, vector<16xf32>,
      %mul3A_504 = arith.constant 16 : i32
      %mul3A_505 = arith.muli %scan3A_497, %mul3A_504 : i32
      %add3A_506 = vector.broadcast %mul3A_505 : i32 to vector<16xi32>
      %add3A_507 = arith.addi %add3A_506, %iota3A : vector<16xi32>
      %shift_right_logical3A = arith.constant 1 : i32
      %shift_right_logical3A_508 = vector.broadcast %shift_right_logical3A : i32 to vector<16xi32>
      %shift_right_logical3A_509 = arith.shrui %add3A_507, %shift_right_logical3A_508 : vector<16xi32>
      %ge3A = arith.constant 0 : i32
      %ge3A_510 = vector.broadcast %ge3A : i32 to vector<16xi32>
      %ge3A_511 = arith.cmpi sge, %sub3A_501, %ge3A_510 : vector<16xi32>
      %lt3A = arith.constant 384 : i32
      %lt3A_512 = vector.broadcast %lt3A : i32 to vector<16xi32>
      %lt3A_513 = arith.cmpi slt, %sub3A_501, %lt3A_512 : vector<16xi32>
      %and3A = arith.andi %ge3A_511, %lt3A_513 : vector<16xi1>
      tpu.vector_store_idx %arg9[%sub3A_501], %shift_right_logical3A_509 masked %and3A : memref<384xi32, #tpu.memory_space<vmem>>[vector<16xi32>], vector<16xi32>, vector<16xi1>
      tpu.vector_store_idx %arg10[%sub3A_501], %get3A_503 masked %and3A : memref<384xf32, #tpu.memory_space<vmem>>[vector<16xi32>], vector<16xf32>, vector<16xi1>
    }
    %scan3A_14 = arith.constant 256 : i32
    %dma_start3A = tpu.memref_slice %arg5[%mul3A_2] : memref<12288xf32, #tpu.memory_space<hbm>> -> memref<384xf32, #tpu.memory_space<hbm>>
    %dma_start3A_15 = tpu.memref_slice %arg5[%mul3A_2] : memref<12288xf32, #tpu.memory_space<hbm>> -> memref<384xf32, #tpu.memory_space<hbm>>
    tpu.enqueue_dma source(%arg10 : memref<384xf32, #tpu.memory_space<vmem>>) target(%dma_start3A_15 : memref<384xf32, #tpu.memory_space<hbm>>) target_semaphore(%arg11 : memref<!tpu.dma_semaphore, #tpu.memory_space<semaphore_mem>>)
    %dma_start3A_16 = arith.constant 0 : i32
    %dma_start3A_17 = tpu.memref_slice %arg9[%dma_start3A_16] : memref<384xi32, #tpu.memory_space<vmem>> -> memref<16xi32, #tpu.memory_space<vmem>>
    %dma_start3A_18 = arith.constant 0 : i32
    %dma_start3A_19 = arith.constant 0 : i32
    %dma_start3A_20 = tpu.memref_slice %arg4[%dma_start3A_18, %dma_start3A_19] : memref<2048x1024xf32, #tpu.memory_space<hbm>> -> memref<2048x1024xf32, #tpu.memory_space<hbm>>
    tpu.enqueue_indirect_dma source(%dma_start3A_20 : memref<2048x1024xf32, #tpu.memory_space<hbm>>) target(%arg12 : memref<16x1024xf32, #tpu.memory_space<vmem>>) offsets(%dma_start3A_17 : memref<16xi32, #tpu.memory_space<vmem>>) semaphore(%arg18 : memref<!tpu.dma_semaphore, #tpu.memory_space<semaphore_mem>>)
    %dma_start3A_21 = arith.constant 16 : i32
    %dma_start3A_22 = tpu.memref_slice %arg9[%dma_start3A_21] : memref<384xi32, #tpu.memory_space<vmem>> -> memref<16xi32, #tpu.memory_space<vmem>>
    %dma_start3A_23 = arith.constant 0 : i32
    %dma_start3A_24 = arith.constant 0 : i32
    %dma_start3A_25 = tpu.memref_slice %arg4[%dma_start3A_23, %dma_start3A_24] : memref<2048x1024xf32, #tpu.memory_space<hbm>> -> memref<2048x1024xf32, #tpu.memory_space<hbm>>
    tpu.enqueue_indirect_dma source(%dma_start3A_25 : memref<2048x1024xf32, #tpu.memory_space<hbm>>) target(%arg13 : memref<16x1024xf32, #tpu.memory_space<vmem>>) offsets(%dma_start3A_22 : memref<16xi32, #tpu.memory_space<vmem>>) semaphore(%arg19 : memref<!tpu.dma_semaphore, #tpu.memory_space<semaphore_mem>>)
    %dma_start3A_26 = arith.constant 32 : i32
    %dma_start3A_27 = tpu.memref_slice %arg9[%dma_start3A_26] : memref<384xi32, #tpu.memory_space<vmem>> -> memref<16xi32, #tpu.memory_space<vmem>>
    %dma_start3A_28 = arith.constant 0 : i32
    %dma_start3A_29 = arith.constant 0 : i32
    %dma_start3A_30 = tpu.memref_slice %arg4[%dma_start3A_28, %dma_start3A_29] : memref<2048x1024xf32, #tpu.memory_space<hbm>> -> memref<2048x1024xf32, #tpu.memory_space<hbm>>
    tpu.enqueue_indirect_dma source(%dma_start3A_30 : memref<2048x1024xf32, #tpu.memory_space<hbm>>) target(%arg14 : memref<16x1024xf32, #tpu.memory_space<vmem>>) offsets(%dma_start3A_27 : memref<16xi32, #tpu.memory_space<vmem>>) semaphore(%arg20 : memref<!tpu.dma_semaphore, #tpu.memory_space<semaphore_mem>>)
    %dma_start3A_31 = arith.constant 48 : i32
    %dma_start3A_32 = tpu.memref_slice %arg9[%dma_start3A_31] : memref<384xi32, #tpu.memory_space<vmem>> -> memref<16xi32, #tpu.memory_space<vmem>>
    %dma_start3A_33 = arith.constant 0 : i32
    %dma_start3A_34 = arith.constant 0 : i32
    %dma_start3A_35 = tpu.memref_slice %arg4[%dma_start3A_33, %dma_start3A_34] : memref<2048x1024xf32, #tpu.memory_space<hbm>> -> memref<2048x1024xf32, #tpu.memory_space<hbm>>
    tpu.enqueue_indirect_dma source(%dma_start3A_35 : memref<2048x1024xf32, #tpu.memory_space<hbm>>) target(%arg15 : memref<16x1024xf32, #tpu.memory_space<vmem>>) offsets(%dma_start3A_32 : memref<16xi32, #tpu.memory_space<vmem>>) semaphore(%arg21 : memref<!tpu.dma_semaphore, #tpu.memory_space<semaphore_mem>>)
    %dma_start3A_36 = arith.constant 64 : i32
    %dma_start3A_37 = tpu.memref_slice %arg9[%dma_start3A_36] : memref<384xi32, #tpu.memory_space<vmem>> -> memref<16xi32, #tpu.memory_space<vmem>>
    %dma_start3A_38 = arith.constant 0 : i32
    %dma_start3A_39 = arith.constant 0 : i32
    %dma_start3A_40 = tpu.memref_slice %arg4[%dma_start3A_38, %dma_start3A_39] : memref<2048x1024xf32, #tpu.memory_space<hbm>> -> memref<2048x1024xf32, #tpu.memory_space<hbm>>
    tpu.enqueue_indirect_dma source(%dma_start3A_40 : memref<2048x1024xf32, #tpu.memory_space<hbm>>) target(%arg16 : memref<16x1024xf32, #tpu.memory_space<vmem>>) offsets(%dma_start3A_37 : memref<16xi32, #tpu.memory_space<vmem>>) semaphore(%arg22 : memref<!tpu.dma_semaphore, #tpu.memory_space<semaphore_mem>>)
    %dma_start3A_41 = arith.constant 80 : i32
    %dma_start3A_42 = tpu.memref_slice %arg9[%dma_start3A_41] : memref<384xi32, #tpu.memory_space<vmem>> -> memref<16xi32, #tpu.memory_space<vmem>>
    %dma_start3A_43 = arith.constant 0 : i32
    %dma_start3A_44 = arith.constant 0 : i32
    %dma_start3A_45 = tpu.memref_slice %arg4[%dma_start3A_43, %dma_start3A_44] : memref<2048x1024xf32, #tpu.memory_space<hbm>> -> memref<2048x1024xf32, #tpu.memory_space<hbm>>
    tpu.enqueue_indirect_dma source(%dma_start3A_45 : memref<2048x1024xf32, #tpu.memory_space<hbm>>) target(%arg17 : memref<16x1024xf32, #tpu.memory_space<vmem>>) offsets(%dma_start3A_42 : memref<16xi32, #tpu.memory_space<vmem>>) semaphore(%arg23 : memref<!tpu.dma_semaphore, #tpu.memory_space<semaphore_mem>>)
    %dma_wait3A = arith.constant 0 : i32
    %dma_wait3A_46 = tpu.memref_slice %arg9[%dma_wait3A] : memref<384xi32, #tpu.memory_space<vmem>> -> memref<16xi32, #tpu.memory_space<vmem>>
    %dma_wait3A_47 = arith.constant 0 : i32
    %dma_wait3A_48 = arith.constant 0 : i32
    %dma_wait3A_49 = tpu.memref_slice %arg4[%dma_wait3A_47, %dma_wait3A_48] : memref<2048x1024xf32, #tpu.memory_space<hbm>> -> memref<2048x1024xf32, #tpu.memory_space<hbm>>
    tpu.wait_indirect_dma semaphore(%arg18 : memref<!tpu.dma_semaphore, #tpu.memory_space<semaphore_mem>>) src(%dma_wait3A_49 : memref<2048x1024xf32, #tpu.memory_space<hbm>>) dst(%arg12 : memref<16x1024xf32, #tpu.memory_space<vmem>>)
    %add3A_50 = arith.constant 0 : i32
    %add3A_51 = arith.addi %mul3A_2, %add3A_50 : i32
    %dma_start3A_52 = arith.constant 0 : i32
    %dma_start3A_53 = tpu.memref_slice %arg6[%add3A_51, %dma_start3A_52] : memref<12288x1024xf32, #tpu.memory_space<hbm>> -> memref<16x1024xf32, #tpu.memory_space<hbm>>
    %dma_start3A_54 = arith.constant 0 : i32
    %dma_start3A_55 = tpu.memref_slice %arg6[%add3A_51, %dma_start3A_54] : memref<12288x1024xf32, #tpu.memory_space<hbm>> -> memref<16x1024xf32, #tpu.memory_space<hbm>>
    tpu.enqueue_dma source(%arg12 : memref<16x1024xf32, #tpu.memory_space<vmem>>) target(%dma_start3A_55 : memref<16x1024xf32, #tpu.memory_space<hbm>>) target_semaphore(%arg24 : memref<!tpu.dma_semaphore, #tpu.memory_space<semaphore_mem>>)
    %dma_wait3A_56 = arith.constant 0 : i32
    %dma_wait3A_57 = tpu.memref_slice %arg6[%add3A_51, %dma_wait3A_56] : memref<12288x1024xf32, #tpu.memory_space<hbm>> -> memref<16x1024xf32, #tpu.memory_space<hbm>>
    %dma_wait3A_58 = arith.constant 0 : i32
    %dma_wait3A_59 = tpu.memref_slice %arg6[%add3A_51, %dma_wait3A_58] : memref<12288x1024xf32, #tpu.memory_space<hbm>> -> memref<16x1024xf32, #tpu.memory_space<hbm>>
    tpu.wait_dma2 semaphore(%arg24 : memref<!tpu.dma_semaphore, #tpu.memory_space<semaphore_mem>>) src(%arg12 : memref<16x1024xf32, #tpu.memory_space<vmem>>) dst(%dma_wait3A_59 : memref<16x1024xf32, #tpu.memory_space<hbm>>)
    %dma_start3A_60 = arith.constant 96 : i32
    %dma_start3A_61 = tpu.memref_slice %arg9[%dma_start3A_60] : memref<384xi32, #tpu.memory_space<vmem>> -> memref<16xi32, #tpu.memory_space<vmem>>
    %dma_start3A_62 = arith.constant 0 : i32
    %dma_start3A_63 = arith.constant 0 : i32
    %dma_start3A_64 = tpu.memref_slice %arg4[%dma_start3A_62, %dma_start3A_63] : memref<2048x1024xf32, #tpu.memory_space<hbm>> -> memref<2048x1024xf32, #tpu.memory_space<hbm>>
    tpu.enqueue_indirect_dma source(%dma_start3A_64 : memref<2048x1024xf32, #tpu.memory_space<hbm>>) target(%arg12 : memref<16x1024xf32, #tpu.memory_space<vmem>>) offsets(%dma_start3A_61 : memref<16xi32, #tpu.memory_space<vmem>>) semaphore(%arg18 : memref<!tpu.dma_semaphore, #tpu.memory_space<semaphore_mem>>)
    %dma_wait3A_65 = arith.constant 16 : i32
    %dma_wait3A_66 = tpu.memref_slice %arg9[%dma_wait3A_65] : memref<384xi32, #tpu.memory_space<vmem>> -> memref<16xi32, #tpu.memory_space<vmem>>
    %dma_wait3A_67 = arith.constant 0 : i32
    %dma_wait3A_68 = arith.constant 0 : i32
    %dma_wait3A_69 = tpu.memref_slice %arg4[%dma_wait3A_67, %dma_wait3A_68] : memref<2048x1024xf32, #tpu.memory_space<hbm>> -> memref<2048x1024xf32, #tpu.memory_space<hbm>>
    tpu.wait_indirect_dma semaphore(%arg19 : memref<!tpu.dma_semaphore, #tpu.memory_space<semaphore_mem>>) src(%dma_wait3A_69 : memref<2048x1024xf32, #tpu.memory_space<hbm>>) dst(%arg13 : memref<16x1024xf32, #tpu.memory_space<vmem>>)
    %add3A_70 = arith.constant 16 : i32
    %add3A_71 = arith.addi %mul3A_2, %add3A_70 : i32
    %dma_start3A_72 = arith.constant 0 : i32
    %dma_start3A_73 = tpu.memref_slice %arg6[%add3A_71, %dma_start3A_72] : memref<12288x1024xf32, #tpu.memory_space<hbm>> -> memref<16x1024xf32, #tpu.memory_space<hbm>>
    %dma_start3A_74 = arith.constant 0 : i32
    %dma_start3A_75 = tpu.memref_slice %arg6[%add3A_71, %dma_start3A_74] : memref<12288x1024xf32, #tpu.memory_space<hbm>> -> memref<16x1024xf32, #tpu.memory_space<hbm>>
    tpu.enqueue_dma source(%arg13 : memref<16x1024xf32, #tpu.memory_space<vmem>>) target(%dma_start3A_75 : memref<16x1024xf32, #tpu.memory_space<hbm>>) target_semaphore(%arg25 : memref<!tpu.dma_semaphore, #tpu.memory_space<semaphore_mem>>)
    %dma_wait3A_76 = arith.constant 0 : i32
    %dma_wait3A_77 = tpu.memref_slice %arg6[%add3A_71, %dma_wait3A_76] : memref<12288x1024xf32, #tpu.memory_space<hbm>> -> memref<16x1024xf32, #tpu.memory_space<hbm>>
    %dma_wait3A_78 = arith.constant 0 : i32
    %dma_wait3A_79 = tpu.memref_slice %arg6[%add3A_71, %dma_wait3A_78] : memref<12288x1024xf32, #tpu.memory_space<hbm>> -> memref<16x1024xf32, #tpu.memory_space<hbm>>
    tpu.wait_dma2 semaphore(%arg25 : memref<!tpu.dma_semaphore, #tpu.memory_space<semaphore_mem>>) src(%arg13 : memref<16x1024xf32, #tpu.memory_space<vmem>>) dst(%dma_wait3A_79 : memref<16x1024xf32, #tpu.memory_space<hbm>>)
    %dma_start3A_80 = arith.constant 112 : i32
    %dma_start3A_81 = tpu.memref_slice %arg9[%dma_start3A_80] : memref<384xi32, #tpu.memory_space<vmem>> -> memref<16xi32, #tpu.memory_space<vmem>>
    %dma_start3A_82 = arith.constant 0 : i32
    %dma_start3A_83 = arith.constant 0 : i32
    %dma_start3A_84 = tpu.memref_slice %arg4[%dma_start3A_82, %dma_start3A_83] : memref<2048x1024xf32, #tpu.memory_space<hbm>> -> memref<2048x1024xf32, #tpu.memory_space<hbm>>
    tpu.enqueue_indirect_dma source(%dma_start3A_84 : memref<2048x1024xf32, #tpu.memory_space<hbm>>) target(%arg13 : memref<16x1024xf32, #tpu.memory_space<vmem>>) offsets(%dma_start3A_81 : memref<16xi32, #tpu.memory_space<vmem>>) semaphore(%arg19 : memref<!tpu.dma_semaphore, #tpu.memory_space<semaphore_mem>>)
    %dma_wait3A_85 = arith.constant 32 : i32
    %dma_wait3A_86 = tpu.memref_slice %arg9[%dma_wait3A_85] : memref<384xi32, #tpu.memory_space<vmem>> -> memref<16xi32, #tpu.memory_space<vmem>>
    %dma_wait3A_87 = arith.constant 0 : i32
    %dma_wait3A_88 = arith.constant 0 : i32
    %dma_wait3A_89 = tpu.memref_slice %arg4[%dma_wait3A_87, %dma_wait3A_88] : memref<2048x1024xf32, #tpu.memory_space<hbm>> -> memref<2048x1024xf32, #tpu.memory_space<hbm>>
    tpu.wait_indirect_dma semaphore(%arg20 : memref<!tpu.dma_semaphore, #tpu.memory_space<semaphore_mem>>) src(%dma_wait3A_89 : memref<2048x1024xf32, #tpu.memory_space<hbm>>) dst(%arg14 : memref<16x1024xf32, #tpu.memory_space<vmem>>)
    %add3A_90 = arith.constant 32 : i32
    %add3A_91 = arith.addi %mul3A_2, %add3A_90 : i32
    %dma_start3A_92 = arith.constant 0 : i32
    %dma_start3A_93 = tpu.memref_slice %arg6[%add3A_91, %dma_start3A_92] : memref<12288x1024xf32, #tpu.memory_space<hbm>> -> memref<16x1024xf32, #tpu.memory_space<hbm>>
    %dma_start3A_94 = arith.constant 0 : i32
    %dma_start3A_95 = tpu.memref_slice %arg6[%add3A_91, %dma_start3A_94] : memref<12288x1024xf32, #tpu.memory_space<hbm>> -> memref<16x1024xf32, #tpu.memory_space<hbm>>
    tpu.enqueue_dma source(%arg14 : memref<16x1024xf32, #tpu.memory_space<vmem>>) target(%dma_start3A_95 : memref<16x1024xf32, #tpu.memory_space<hbm>>) target_semaphore(%arg26 : memref<!tpu.dma_semaphore, #tpu.memory_space<semaphore_mem>>)
    %dma_wait3A_96 = arith.constant 0 : i32
    %dma_wait3A_97 = tpu.memref_slice %arg6[%add3A_91, %dma_wait3A_96] : memref<12288x1024xf32, #tpu.memory_space<hbm>> -> memref<16x1024xf32, #tpu.memory_space<hbm>>
    %dma_wait3A_98 = arith.constant 0 : i32
    %dma_wait3A_99 = tpu.memref_slice %arg6[%add3A_91, %dma_wait3A_98] : memref<12288x1024xf32, #tpu.memory_space<hbm>> -> memref<16x1024xf32, #tpu.memory_space<hbm>>
    tpu.wait_dma2 semaphore(%arg26 : memref<!tpu.dma_semaphore, #tpu.memory_space<semaphore_mem>>) src(%arg14 : memref<16x1024xf32, #tpu.memory_space<vmem>>) dst(%dma_wait3A_99 : memref<16x1024xf32, #tpu.memory_space<hbm>>)
    %dma_start3A_100 = arith.constant 128 : i32
    %dma_start3A_101 = tpu.memref_slice %arg9[%dma_start3A_100] : memref<384xi32, #tpu.memory_space<vmem>> -> memref<16xi32, #tpu.memory_space<vmem>>
    %dma_start3A_102 = arith.constant 0 : i32
    %dma_start3A_103 = arith.constant 0 : i32
    %dma_start3A_104 = tpu.memref_slice %arg4[%dma_start3A_102, %dma_start3A_103] : memref<2048x1024xf32, #tpu.memory_space<hbm>> -> memref<2048x1024xf32, #tpu.memory_space<hbm>>
    tpu.enqueue_indirect_dma source(%dma_start3A_104 : memref<2048x1024xf32, #tpu.memory_space<hbm>>) target(%arg14 : memref<16x1024xf32, #tpu.memory_space<vmem>>) offsets(%dma_start3A_101 : memref<16xi32, #tpu.memory_space<vmem>>) semaphore(%arg20 : memref<!tpu.dma_semaphore, #tpu.memory_space<semaphore_mem>>)
    %dma_wait3A_105 = arith.constant 48 : i32
    %dma_wait3A_106 = tpu.memref_slice %arg9[%dma_wait3A_105] : memref<384xi32, #tpu.memory_space<vmem>> -> memref<16xi32, #tpu.memory_space<vmem>>
    %dma_wait3A_107 = arith.constant 0 : i32
    %dma_wait3A_108 = arith.constant 0 : i32
    %dma_wait3A_109 = tpu.memref_slice %arg4[%dma_wait3A_107, %dma_wait3A_108] : memref<2048x1024xf32, #tpu.memory_space<hbm>> -> memref<2048x1024xf32, #tpu.memory_space<hbm>>
    tpu.wait_indirect_dma semaphore(%arg21 : memref<!tpu.dma_semaphore, #tpu.memory_space<semaphore_mem>>) src(%dma_wait3A_109 : memref<2048x1024xf32, #tpu.memory_space<hbm>>) dst(%arg15 : memref<16x1024xf32, #tpu.memory_space<vmem>>)
    %add3A_110 = arith.constant 48 : i32
    %add3A_111 = arith.addi %mul3A_2, %add3A_110 : i32
    %dma_start3A_112 = arith.constant 0 : i32
    %dma_start3A_113 = tpu.memref_slice %arg6[%add3A_111, %dma_start3A_112] : memref<12288x1024xf32, #tpu.memory_space<hbm>> -> memref<16x1024xf32, #tpu.memory_space<hbm>>
    %dma_start3A_114 = arith.constant 0 : i32
    %dma_start3A_115 = tpu.memref_slice %arg6[%add3A_111, %dma_start3A_114] : memref<12288x1024xf32, #tpu.memory_space<hbm>> -> memref<16x1024xf32, #tpu.memory_space<hbm>>
    tpu.enqueue_dma source(%arg15 : memref<16x1024xf32, #tpu.memory_space<vmem>>) target(%dma_start3A_115 : memref<16x1024xf32, #tpu.memory_space<hbm>>) target_semaphore(%arg27 : memref<!tpu.dma_semaphore, #tpu.memory_space<semaphore_mem>>)
    %dma_wait3A_116 = arith.constant 0 : i32
    %dma_wait3A_117 = tpu.memref_slice %arg6[%add3A_111, %dma_wait3A_116] : memref<12288x1024xf32, #tpu.memory_space<hbm>> -> memref<16x1024xf32, #tpu.memory_space<hbm>>
    %dma_wait3A_118 = arith.constant 0 : i32
    %dma_wait3A_119 = tpu.memref_slice %arg6[%add3A_111, %dma_wait3A_118] : memref<12288x1024xf32, #tpu.memory_space<hbm>> -> memref<16x1024xf32, #tpu.memory_space<hbm>>
    tpu.wait_dma2 semaphore(%arg27 : memref<!tpu.dma_semaphore, #tpu.memory_space<semaphore_mem>>) src(%arg15 : memref<16x1024xf32, #tpu.memory_space<vmem>>) dst(%dma_wait3A_119 : memref<16x1024xf32, #tpu.memory_space<hbm>>)
    %dma_start3A_120 = arith.constant 144 : i32
    %dma_start3A_121 = tpu.memref_slice %arg9[%dma_start3A_120] : memref<384xi32, #tpu.memory_space<vmem>> -> memref<16xi32, #tpu.memory_space<vmem>>
    %dma_start3A_122 = arith.constant 0 : i32
    %dma_start3A_123 = arith.constant 0 : i32
    %dma_start3A_124 = tpu.memref_slice %arg4[%dma_start3A_122, %dma_start3A_123] : memref<2048x1024xf32, #tpu.memory_space<hbm>> -> memref<2048x1024xf32, #tpu.memory_space<hbm>>
    tpu.enqueue_indirect_dma source(%dma_start3A_124 : memref<2048x1024xf32, #tpu.memory_space<hbm>>) target(%arg15 : memref<16x1024xf32, #tpu.memory_space<vmem>>) offsets(%dma_start3A_121 : memref<16xi32, #tpu.memory_space<vmem>>) semaphore(%arg21 : memref<!tpu.dma_semaphore, #tpu.memory_space<semaphore_mem>>)
    %dma_wait3A_125 = arith.constant 64 : i32
    %dma_wait3A_126 = tpu.memref_slice %arg9[%dma_wait3A_125] : memref<384xi32, #tpu.memory_space<vmem>> -> memref<16xi32, #tpu.memory_space<vmem>>
    %dma_wait3A_127 = arith.constant 0 : i32
    %dma_wait3A_128 = arith.constant 0 : i32
    %dma_wait3A_129 = tpu.memref_slice %arg4[%dma_wait3A_127, %dma_wait3A_128] : memref<2048x1024xf32, #tpu.memory_space<hbm>> -> memref<2048x1024xf32, #tpu.memory_space<hbm>>
    tpu.wait_indirect_dma semaphore(%arg22 : memref<!tpu.dma_semaphore, #tpu.memory_space<semaphore_mem>>) src(%dma_wait3A_129 : memref<2048x1024xf32, #tpu.memory_space<hbm>>) dst(%arg16 : memref<16x1024xf32, #tpu.memory_space<vmem>>)
    %add3A_130 = arith.constant 64 : i32
    %add3A_131 = arith.addi %mul3A_2, %add3A_130 : i32
    %dma_start3A_132 = arith.constant 0 : i32
    %dma_start3A_133 = tpu.memref_slice %arg6[%add3A_131, %dma_start3A_132] : memref<12288x1024xf32, #tpu.memory_space<hbm>> -> memref<16x1024xf32, #tpu.memory_space<hbm>>
    %dma_start3A_134 = arith.constant 0 : i32
    %dma_start3A_135 = tpu.memref_slice %arg6[%add3A_131, %dma_start3A_134] : memref<12288x1024xf32, #tpu.memory_space<hbm>> -> memref<16x1024xf32, #tpu.memory_space<hbm>>
    tpu.enqueue_dma source(%arg16 : memref<16x1024xf32, #tpu.memory_space<vmem>>) target(%dma_start3A_135 : memref<16x1024xf32, #tpu.memory_space<hbm>>) target_semaphore(%arg28 : memref<!tpu.dma_semaphore, #tpu.memory_space<semaphore_mem>>)
    %dma_wait3A_136 = arith.constant 0 : i32
    %dma_wait3A_137 = tpu.memref_slice %arg6[%add3A_131, %dma_wait3A_136] : memref<12288x1024xf32, #tpu.memory_space<hbm>> -> memref<16x1024xf32, #tpu.memory_space<hbm>>
    %dma_wait3A_138 = arith.constant 0 : i32
    %dma_wait3A_139 = tpu.memref_slice %arg6[%add3A_131, %dma_wait3A_138] : memref<12288x1024xf32, #tpu.memory_space<hbm>> -> memref<16x1024xf32, #tpu.memory_space<hbm>>
    tpu.wait_dma2 semaphore(%arg28 : memref<!tpu.dma_semaphore, #tpu.memory_space<semaphore_mem>>) src(%arg16 : memref<16x1024xf32, #tpu.memory_space<vmem>>) dst(%dma_wait3A_139 : memref<16x1024xf32, #tpu.memory_space<hbm>>)
    %dma_start3A_140 = arith.constant 160 : i32
    %dma_start3A_141 = tpu.memref_slice %arg9[%dma_start3A_140] : memref<384xi32, #tpu.memory_space<vmem>> -> memref<16xi32, #tpu.memory_space<vmem>>
    %dma_start3A_142 = arith.constant 0 : i32
    %dma_start3A_143 = arith.constant 0 : i32
    %dma_start3A_144 = tpu.memref_slice %arg4[%dma_start3A_142, %dma_start3A_143] : memref<2048x1024xf32, #tpu.memory_space<hbm>> -> memref<2048x1024xf32, #tpu.memory_space<hbm>>
    tpu.enqueue_indirect_dma source(%dma_start3A_144 : memref<2048x1024xf32, #tpu.memory_space<hbm>>) target(%arg16 : memref<16x1024xf32, #tpu.memory_space<vmem>>) offsets(%dma_start3A_141 : memref<16xi32, #tpu.memory_space<vmem>>) semaphore(%arg22 : memref<!tpu.dma_semaphore, #tpu.memory_space<semaphore_mem>>)
    %dma_wait3A_145 = arith.constant 80 : i32
    %dma_wait3A_146 = tpu.memref_slice %arg9[%dma_wait3A_145] : memref<384xi32, #tpu.memory_space<vmem>> -> memref<16xi32, #tpu.memory_space<vmem>>
    %dma_wait3A_147 = arith.constant 0 : i32
    %dma_wait3A_148 = arith.constant 0 : i32
    %dma_wait3A_149 = tpu.memref_slice %arg4[%dma_wait3A_147, %dma_wait3A_148] : memref<2048x1024xf32, #tpu.memory_space<hbm>> -> memref<2048x1024xf32, #tpu.memory_space<hbm>>
    tpu.wait_indirect_dma semaphore(%arg23 : memref<!tpu.dma_semaphore, #tpu.memory_space<semaphore_mem>>) src(%dma_wait3A_149 : memref<2048x1024xf32, #tpu.memory_space<hbm>>) dst(%arg17 : memref<16x1024xf32, #tpu.memory_space<vmem>>)
    %add3A_150 = arith.constant 80 : i32
    %add3A_151 = arith.addi %mul3A_2, %add3A_150 : i32
    %dma_start3A_152 = arith.constant 0 : i32
    %dma_start3A_153 = tpu.memref_slice %arg6[%add3A_151, %dma_start3A_152] : memref<12288x1024xf32, #tpu.memory_space<hbm>> -> memref<16x1024xf32, #tpu.memory_space<hbm>>
    %dma_start3A_154 = arith.constant 0 : i32
    %dma_start3A_155 = tpu.memref_slice %arg6[%add3A_151, %dma_start3A_154] : memref<12288x1024xf32, #tpu.memory_space<hbm>> -> memref<16x1024xf32, #tpu.memory_space<hbm>>
    tpu.enqueue_dma source(%arg17 : memref<16x1024xf32, #tpu.memory_space<vmem>>) target(%dma_start3A_155 : memref<16x1024xf32, #tpu.memory_space<hbm>>) target_semaphore(%arg29 : memref<!tpu.dma_semaphore, #tpu.memory_space<semaphore_mem>>)
    %dma_wait3A_156 = arith.constant 0 : i32
    %dma_wait3A_157 = tpu.memref_slice %arg6[%add3A_151, %dma_wait3A_156] : memref<12288x1024xf32, #tpu.memory_space<hbm>> -> memref<16x1024xf32, #tpu.memory_space<hbm>>
    %dma_wait3A_158 = arith.constant 0 : i32
    %dma_wait3A_159 = tpu.memref_slice %arg6[%add3A_151, %dma_wait3A_158] : memref<12288x1024xf32, #tpu.memory_space<hbm>> -> memref<16x1024xf32, #tpu.memory_space<hbm>>
    tpu.wait_dma2 semaphore(%arg29 : memref<!tpu.dma_semaphore, #tpu.memory_space<semaphore_mem>>) src(%arg17 : memref<16x1024xf32, #tpu.memory_space<vmem>>) dst(%dma_wait3A_159 : memref<16x1024xf32, #tpu.memory_space<hbm>>)
    %dma_start3A_160 = arith.constant 176 : i32
    %dma_start3A_161 = tpu.memref_slice %arg9[%dma_start3A_160] : memref<384xi32, #tpu.memory_space<vmem>> -> memref<16xi32, #tpu.memory_space<vmem>>
    %dma_start3A_162 = arith.constant 0 : i32
    %dma_start3A_163 = arith.constant 0 : i32
    %dma_start3A_164 = tpu.memref_slice %arg4[%dma_start3A_162, %dma_start3A_163] : memref<2048x1024xf32, #tpu.memory_space<hbm>> -> memref<2048x1024xf32, #tpu.memory_space<hbm>>
    tpu.enqueue_indirect_dma source(%dma_start3A_164 : memref<2048x1024xf32, #tpu.memory_space<hbm>>) target(%arg17 : memref<16x1024xf32, #tpu.memory_space<vmem>>) offsets(%dma_start3A_161 : memref<16xi32, #tpu.memory_space<vmem>>) semaphore(%arg23 : memref<!tpu.dma_semaphore, #tpu.memory_space<semaphore_mem>>)
    %dma_wait3A_165 = arith.constant 96 : i32
    %dma_wait3A_166 = tpu.memref_slice %arg9[%dma_wait3A_165] : memref<384xi32, #tpu.memory_space<vmem>> -> memref<16xi32, #tpu.memory_space<vmem>>
    %dma_wait3A_167 = arith.constant 0 : i32
    %dma_wait3A_168 = arith.constant 0 : i32
    %dma_wait3A_169 = tpu.memref_slice %arg4[%dma_wait3A_167, %dma_wait3A_168] : memref<2048x1024xf32, #tpu.memory_space<hbm>> -> memref<2048x1024xf32, #tpu.memory_space<hbm>>
    tpu.wait_indirect_dma semaphore(%arg18 : memref<!tpu.dma_semaphore, #tpu.memory_space<semaphore_mem>>) src(%dma_wait3A_169 : memref<2048x1024xf32, #tpu.memory_space<hbm>>) dst(%arg12 : memref<16x1024xf32, #tpu.memory_space<vmem>>)
    %add3A_170 = arith.constant 96 : i32
    %add3A_171 = arith.addi %mul3A_2, %add3A_170 : i32
    %dma_start3A_172 = arith.constant 0 : i32
    %dma_start3A_173 = tpu.memref_slice %arg6[%add3A_171, %dma_start3A_172] : memref<12288x1024xf32, #tpu.memory_space<hbm>> -> memref<16x1024xf32, #tpu.memory_space<hbm>>
    %dma_start3A_174 = arith.constant 0 : i32
    %dma_start3A_175 = tpu.memref_slice %arg6[%add3A_171, %dma_start3A_174] : memref<12288x1024xf32, #tpu.memory_space<hbm>> -> memref<16x1024xf32, #tpu.memory_space<hbm>>
    tpu.enqueue_dma source(%arg12 : memref<16x1024xf32, #tpu.memory_space<vmem>>) target(%dma_start3A_175 : memref<16x1024xf32, #tpu.memory_space<hbm>>) target_semaphore(%arg24 : memref<!tpu.dma_semaphore, #tpu.memory_space<semaphore_mem>>)
    %dma_wait3A_176 = arith.constant 0 : i32
    %dma_wait3A_177 = tpu.memref_slice %arg6[%add3A_171, %dma_wait3A_176] : memref<12288x1024xf32, #tpu.memory_space<hbm>> -> memref<16x1024xf32, #tpu.memory_space<hbm>>
    %dma_wait3A_178 = arith.constant 0 : i32
    %dma_wait3A_179 = tpu.memref_slice %arg6[%add3A_171, %dma_wait3A_178] : memref<12288x1024xf32, #tpu.memory_space<hbm>> -> memref<16x1024xf32, #tpu.memory_space<hbm>>
    tpu.wait_dma2 semaphore(%arg24 : memref<!tpu.dma_semaphore, #tpu.memory_space<semaphore_mem>>) src(%arg12 : memref<16x1024xf32, #tpu.memory_space<vmem>>) dst(%dma_wait3A_179 : memref<16x1024xf32, #tpu.memory_space<hbm>>)
    %dma_start3A_180 = arith.constant 192 : i32
    %dma_start3A_181 = tpu.memref_slice %arg9[%dma_start3A_180] : memref<384xi32, #tpu.memory_space<vmem>> -> memref<16xi32, #tpu.memory_space<vmem>>
    %dma_start3A_182 = arith.constant 0 : i32
    %dma_start3A_183 = arith.constant 0 : i32
    %dma_start3A_184 = tpu.memref_slice %arg4[%dma_start3A_182, %dma_start3A_183] : memref<2048x1024xf32, #tpu.memory_space<hbm>> -> memref<2048x1024xf32, #tpu.memory_space<hbm>>
    tpu.enqueue_indirect_dma source(%dma_start3A_184 : memref<2048x1024xf32, #tpu.memory_space<hbm>>) target(%arg12 : memref<16x1024xf32, #tpu.memory_space<vmem>>) offsets(%dma_start3A_181 : memref<16xi32, #tpu.memory_space<vmem>>) semaphore(%arg18 : memref<!tpu.dma_semaphore, #tpu.memory_space<semaphore_mem>>)
    %dma_wait3A_185 = arith.constant 112 : i32
    %dma_wait3A_186 = tpu.memref_slice %arg9[%dma_wait3A_185] : memref<384xi32, #tpu.memory_space<vmem>> -> memref<16xi32, #tpu.memory_space<vmem>>
    %dma_wait3A_187 = arith.constant 0 : i32
    %dma_wait3A_188 = arith.constant 0 : i32
    %dma_wait3A_189 = tpu.memref_slice %arg4[%dma_wait3A_187, %dma_wait3A_188] : memref<2048x1024xf32, #tpu.memory_space<hbm>> -> memref<2048x1024xf32, #tpu.memory_space<hbm>>
    tpu.wait_indirect_dma semaphore(%arg19 : memref<!tpu.dma_semaphore, #tpu.memory_space<semaphore_mem>>) src(%dma_wait3A_189 : memref<2048x1024xf32, #tpu.memory_space<hbm>>) dst(%arg13 : memref<16x1024xf32, #tpu.memory_space<vmem>>)
    %add3A_190 = arith.constant 112 : i32
    %add3A_191 = arith.addi %mul3A_2, %add3A_190 : i32
    %dma_start3A_192 = arith.constant 0 : i32
    %dma_start3A_193 = tpu.memref_slice %arg6[%add3A_191, %dma_start3A_192] : memref<12288x1024xf32, #tpu.memory_space<hbm>> -> memref<16x1024xf32, #tpu.memory_space<hbm>>
    %dma_start3A_194 = arith.constant 0 : i32
    %dma_start3A_195 = tpu.memref_slice %arg6[%add3A_191, %dma_start3A_194] : memref<12288x1024xf32, #tpu.memory_space<hbm>> -> memref<16x1024xf32, #tpu.memory_space<hbm>>
    tpu.enqueue_dma source(%arg13 : memref<16x1024xf32, #tpu.memory_space<vmem>>) target(%dma_start3A_195 : memref<16x1024xf32, #tpu.memory_space<hbm>>) target_semaphore(%arg25 : memref<!tpu.dma_semaphore, #tpu.memory_space<semaphore_mem>>)
    %dma_wait3A_196 = arith.constant 0 : i32
    %dma_wait3A_197 = tpu.memref_slice %arg6[%add3A_191, %dma_wait3A_196] : memref<12288x1024xf32, #tpu.memory_space<hbm>> -> memref<16x1024xf32, #tpu.memory_space<hbm>>
    %dma_wait3A_198 = arith.constant 0 : i32
    %dma_wait3A_199 = tpu.memref_slice %arg6[%add3A_191, %dma_wait3A_198] : memref<12288x1024xf32, #tpu.memory_space<hbm>> -> memref<16x1024xf32, #tpu.memory_space<hbm>>
    tpu.wait_dma2 semaphore(%arg25 : memref<!tpu.dma_semaphore, #tpu.memory_space<semaphore_mem>>) src(%arg13 : memref<16x1024xf32, #tpu.memory_space<vmem>>) dst(%dma_wait3A_199 : memref<16x1024xf32, #tpu.memory_space<hbm>>)
    %dma_start3A_200 = arith.constant 208 : i32
    %dma_start3A_201 = tpu.memref_slice %arg9[%dma_start3A_200] : memref<384xi32, #tpu.memory_space<vmem>> -> memref<16xi32, #tpu.memory_space<vmem>>
    %dma_start3A_202 = arith.constant 0 : i32
    %dma_start3A_203 = arith.constant 0 : i32
    %dma_start3A_204 = tpu.memref_slice %arg4[%dma_start3A_202, %dma_start3A_203] : memref<2048x1024xf32, #tpu.memory_space<hbm>> -> memref<2048x1024xf32, #tpu.memory_space<hbm>>
    tpu.enqueue_indirect_dma source(%dma_start3A_204 : memref<2048x1024xf32, #tpu.memory_space<hbm>>) target(%arg13 : memref<16x1024xf32, #tpu.memory_space<vmem>>) offsets(%dma_start3A_201 : memref<16xi32, #tpu.memory_space<vmem>>) semaphore(%arg19 : memref<!tpu.dma_semaphore, #tpu.memory_space<semaphore_mem>>)
    %dma_wait3A_205 = arith.constant 128 : i32
    %dma_wait3A_206 = tpu.memref_slice %arg9[%dma_wait3A_205] : memref<384xi32, #tpu.memory_space<vmem>> -> memref<16xi32, #tpu.memory_space<vmem>>
    %dma_wait3A_207 = arith.constant 0 : i32
    %dma_wait3A_208 = arith.constant 0 : i32
    %dma_wait3A_209 = tpu.memref_slice %arg4[%dma_wait3A_207, %dma_wait3A_208] : memref<2048x1024xf32, #tpu.memory_space<hbm>> -> memref<2048x1024xf32, #tpu.memory_space<hbm>>
    tpu.wait_indirect_dma semaphore(%arg20 : memref<!tpu.dma_semaphore, #tpu.memory_space<semaphore_mem>>) src(%dma_wait3A_209 : memref<2048x1024xf32, #tpu.memory_space<hbm>>) dst(%arg14 : memref<16x1024xf32, #tpu.memory_space<vmem>>)
    %add3A_210 = arith.constant 128 : i32
    %add3A_211 = arith.addi %mul3A_2, %add3A_210 : i32
    %dma_start3A_212 = arith.constant 0 : i32
    %dma_start3A_213 = tpu.memref_slice %arg6[%add3A_211, %dma_start3A_212] : memref<12288x1024xf32, #tpu.memory_space<hbm>> -> memref<16x1024xf32, #tpu.memory_space<hbm>>
    %dma_start3A_214 = arith.constant 0 : i32
    %dma_start3A_215 = tpu.memref_slice %arg6[%add3A_211, %dma_start3A_214] : memref<12288x1024xf32, #tpu.memory_space<hbm>> -> memref<16x1024xf32, #tpu.memory_space<hbm>>
    tpu.enqueue_dma source(%arg14 : memref<16x1024xf32, #tpu.memory_space<vmem>>) target(%dma_start3A_215 : memref<16x1024xf32, #tpu.memory_space<hbm>>) target_semaphore(%arg26 : memref<!tpu.dma_semaphore, #tpu.memory_space<semaphore_mem>>)
    %dma_wait3A_216 = arith.constant 0 : i32
    %dma_wait3A_217 = tpu.memref_slice %arg6[%add3A_211, %dma_wait3A_216] : memref<12288x1024xf32, #tpu.memory_space<hbm>> -> memref<16x1024xf32, #tpu.memory_space<hbm>>
    %dma_wait3A_218 = arith.constant 0 : i32
    %dma_wait3A_219 = tpu.memref_slice %arg6[%add3A_211, %dma_wait3A_218] : memref<12288x1024xf32, #tpu.memory_space<hbm>> -> memref<16x1024xf32, #tpu.memory_space<hbm>>
    tpu.wait_dma2 semaphore(%arg26 : memref<!tpu.dma_semaphore, #tpu.memory_space<semaphore_mem>>) src(%arg14 : memref<16x1024xf32, #tpu.memory_space<vmem>>) dst(%dma_wait3A_219 : memref<16x1024xf32, #tpu.memory_space<hbm>>)
    %dma_start3A_220 = arith.constant 224 : i32
    %dma_start3A_221 = tpu.memref_slice %arg9[%dma_start3A_220] : memref<384xi32, #tpu.memory_space<vmem>> -> memref<16xi32, #tpu.memory_space<vmem>>
    %dma_start3A_222 = arith.constant 0 : i32
    %dma_start3A_223 = arith.constant 0 : i32
    %dma_start3A_224 = tpu.memref_slice %arg4[%dma_start3A_222, %dma_start3A_223] : memref<2048x1024xf32, #tpu.memory_space<hbm>> -> memref<2048x1024xf32, #tpu.memory_space<hbm>>
    tpu.enqueue_indirect_dma source(%dma_start3A_224 : memref<2048x1024xf32, #tpu.memory_space<hbm>>) target(%arg14 : memref<16x1024xf32, #tpu.memory_space<vmem>>) offsets(%dma_start3A_221 : memref<16xi32, #tpu.memory_space<vmem>>) semaphore(%arg20 : memref<!tpu.dma_semaphore, #tpu.memory_space<semaphore_mem>>)
    %dma_wait3A_225 = arith.constant 144 : i32
    %dma_wait3A_226 = tpu.memref_slice %arg9[%dma_wait3A_225] : memref<384xi32, #tpu.memory_space<vmem>> -> memref<16xi32, #tpu.memory_space<vmem>>
    %dma_wait3A_227 = arith.constant 0 : i32
    %dma_wait3A_228 = arith.constant 0 : i32
    %dma_wait3A_229 = tpu.memref_slice %arg4[%dma_wait3A_227, %dma_wait3A_228] : memref<2048x1024xf32, #tpu.memory_space<hbm>> -> memref<2048x1024xf32, #tpu.memory_space<hbm>>
    tpu.wait_indirect_dma semaphore(%arg21 : memref<!tpu.dma_semaphore, #tpu.memory_space<semaphore_mem>>) src(%dma_wait3A_229 : memref<2048x1024xf32, #tpu.memory_space<hbm>>) dst(%arg15 : memref<16x1024xf32, #tpu.memory_space<vmem>>)
    %add3A_230 = arith.constant 144 : i32
    %add3A_231 = arith.addi %mul3A_2, %add3A_230 : i32
    %dma_start3A_232 = arith.constant 0 : i32
    %dma_start3A_233 = tpu.memref_slice %arg6[%add3A_231, %dma_start3A_232] : memref<12288x1024xf32, #tpu.memory_space<hbm>> -> memref<16x1024xf32, #tpu.memory_space<hbm>>
    %dma_start3A_234 = arith.constant 0 : i32
    %dma_start3A_235 = tpu.memref_slice %arg6[%add3A_231, %dma_start3A_234] : memref<12288x1024xf32, #tpu.memory_space<hbm>> -> memref<16x1024xf32, #tpu.memory_space<hbm>>
    tpu.enqueue_dma source(%arg15 : memref<16x1024xf32, #tpu.memory_space<vmem>>) target(%dma_start3A_235 : memref<16x1024xf32, #tpu.memory_space<hbm>>) target_semaphore(%arg27 : memref<!tpu.dma_semaphore, #tpu.memory_space<semaphore_mem>>)
    %dma_wait3A_236 = arith.constant 0 : i32
    %dma_wait3A_237 = tpu.memref_slice %arg6[%add3A_231, %dma_wait3A_236] : memref<12288x1024xf32, #tpu.memory_space<hbm>> -> memref<16x1024xf32, #tpu.memory_space<hbm>>
    %dma_wait3A_238 = arith.constant 0 : i32
    %dma_wait3A_239 = tpu.memref_slice %arg6[%add3A_231, %dma_wait3A_238] : memref<12288x1024xf32, #tpu.memory_space<hbm>> -> memref<16x1024xf32, #tpu.memory_space<hbm>>
    tpu.wait_dma2 semaphore(%arg27 : memref<!tpu.dma_semaphore, #tpu.memory_space<semaphore_mem>>) src(%arg15 : memref<16x1024xf32, #tpu.memory_space<vmem>>) dst(%dma_wait3A_239 : memref<16x1024xf32, #tpu.memory_space<hbm>>)
    %dma_start3A_240 = arith.constant 240 : i32
    %dma_start3A_241 = tpu.memref_slice %arg9[%dma_start3A_240] : memref<384xi32, #tpu.memory_space<vmem>> -> memref<16xi32, #tpu.memory_space<vmem>>
    %dma_start3A_242 = arith.constant 0 : i32
    %dma_start3A_243 = arith.constant 0 : i32
    %dma_start3A_244 = tpu.memref_slice %arg4[%dma_start3A_242, %dma_start3A_243] : memref<2048x1024xf32, #tpu.memory_space<hbm>> -> memref<2048x1024xf32, #tpu.memory_space<hbm>>
    tpu.enqueue_indirect_dma source(%dma_start3A_244 : memref<2048x1024xf32, #tpu.memory_space<hbm>>) target(%arg15 : memref<16x1024xf32, #tpu.memory_space<vmem>>) offsets(%dma_start3A_241 : memref<16xi32, #tpu.memory_space<vmem>>) semaphore(%arg21 : memref<!tpu.dma_semaphore, #tpu.memory_space<semaphore_mem>>)
    %dma_wait3A_245 = arith.constant 160 : i32
    %dma_wait3A_246 = tpu.memref_slice %arg9[%dma_wait3A_245] : memref<384xi32, #tpu.memory_space<vmem>> -> memref<16xi32, #tpu.memory_space<vmem>>
    %dma_wait3A_247 = arith.constant 0 : i32
    %dma_wait3A_248 = arith.constant 0 : i32
    %dma_wait3A_249 = tpu.memref_slice %arg4[%dma_wait3A_247, %dma_wait3A_248] : memref<2048x1024xf32, #tpu.memory_space<hbm>> -> memref<2048x1024xf32, #tpu.memory_space<hbm>>
    tpu.wait_indirect_dma semaphore(%arg22 : memref<!tpu.dma_semaphore, #tpu.memory_space<semaphore_mem>>) src(%dma_wait3A_249 : memref<2048x1024xf32, #tpu.memory_space<hbm>>) dst(%arg16 : memref<16x1024xf32, #tpu.memory_space<vmem>>)
    %add3A_250 = arith.constant 160 : i32
    %add3A_251 = arith.addi %mul3A_2, %add3A_250 : i32
    %dma_start3A_252 = arith.constant 0 : i32
    %dma_start3A_253 = tpu.memref_slice %arg6[%add3A_251, %dma_start3A_252] : memref<12288x1024xf32, #tpu.memory_space<hbm>> -> memref<16x1024xf32, #tpu.memory_space<hbm>>
    %dma_start3A_254 = arith.constant 0 : i32
    %dma_start3A_255 = tpu.memref_slice %arg6[%add3A_251, %dma_start3A_254] : memref<12288x1024xf32, #tpu.memory_space<hbm>> -> memref<16x1024xf32, #tpu.memory_space<hbm>>
    tpu.enqueue_dma source(%arg16 : memref<16x1024xf32, #tpu.memory_space<vmem>>) target(%dma_start3A_255 : memref<16x1024xf32, #tpu.memory_space<hbm>>) target_semaphore(%arg28 : memref<!tpu.dma_semaphore, #tpu.memory_space<semaphore_mem>>)
    %dma_wait3A_256 = arith.constant 0 : i32
    %dma_wait3A_257 = tpu.memref_slice %arg6[%add3A_251, %dma_wait3A_256] : memref<12288x1024xf32, #tpu.memory_space<hbm>> -> memref<16x1024xf32, #tpu.memory_space<hbm>>
    %dma_wait3A_258 = arith.constant 0 : i32
    %dma_wait3A_259 = tpu.memref_slice %arg6[%add3A_251, %dma_wait3A_258] : memref<12288x1024xf32, #tpu.memory_space<hbm>> -> memref<16x1024xf32, #tpu.memory_space<hbm>>
    tpu.wait_dma2 semaphore(%arg28 : memref<!tpu.dma_semaphore, #tpu.memory_space<semaphore_mem>>) src(%arg16 : memref<16x1024xf32, #tpu.memory_space<vmem>>) dst(%dma_wait3A_259 : memref<16x1024xf32, #tpu.memory_space<hbm>>)
    %dma_start3A_260 = arith.constant 256 : i32
    %dma_start3A_261 = tpu.memref_slice %arg9[%dma_start3A_260] : memref<384xi32, #tpu.memory_space<vmem>> -> memref<16xi32, #tpu.memory_space<vmem>>
    %dma_start3A_262 = arith.constant 0 : i32
    %dma_start3A_263 = arith.constant 0 : i32
    %dma_start3A_264 = tpu.memref_slice %arg4[%dma_start3A_262, %dma_start3A_263] : memref<2048x1024xf32, #tpu.memory_space<hbm>> -> memref<2048x1024xf32, #tpu.memory_space<hbm>>
    tpu.enqueue_indirect_dma source(%dma_start3A_264 : memref<2048x1024xf32, #tpu.memory_space<hbm>>) target(%arg16 : memref<16x1024xf32, #tpu.memory_space<vmem>>) offsets(%dma_start3A_261 : memref<16xi32, #tpu.memory_space<vmem>>) semaphore(%arg22 : memref<!tpu.dma_semaphore, #tpu.memory_space<semaphore_mem>>)
    %dma_wait3A_265 = arith.constant 176 : i32
    %dma_wait3A_266 = tpu.memref_slice %arg9[%dma_wait3A_265] : memref<384xi32, #tpu.memory_space<vmem>> -> memref<16xi32, #tpu.memory_space<vmem>>
    %dma_wait3A_267 = arith.constant 0 : i32
    %dma_wait3A_268 = arith.constant 0 : i32
    %dma_wait3A_269 = tpu.memref_slice %arg4[%dma_wait3A_267, %dma_wait3A_268] : memref<2048x1024xf32, #tpu.memory_space<hbm>> -> memref<2048x1024xf32, #tpu.memory_space<hbm>>
    tpu.wait_indirect_dma semaphore(%arg23 : memref<!tpu.dma_semaphore, #tpu.memory_space<semaphore_mem>>) src(%dma_wait3A_269 : memref<2048x1024xf32, #tpu.memory_space<hbm>>) dst(%arg17 : memref<16x1024xf32, #tpu.memory_space<vmem>>)
    %add3A_270 = arith.constant 176 : i32
    %add3A_271 = arith.addi %mul3A_2, %add3A_270 : i32
    %dma_start3A_272 = arith.constant 0 : i32
    %dma_start3A_273 = tpu.memref_slice %arg6[%add3A_271, %dma_start3A_272] : memref<12288x1024xf32, #tpu.memory_space<hbm>> -> memref<16x1024xf32, #tpu.memory_space<hbm>>
    %dma_start3A_274 = arith.constant 0 : i32
    %dma_start3A_275 = tpu.memref_slice %arg6[%add3A_271, %dma_start3A_274] : memref<12288x1024xf32, #tpu.memory_space<hbm>> -> memref<16x1024xf32, #tpu.memory_space<hbm>>
    tpu.enqueue_dma source(%arg17 : memref<16x1024xf32, #tpu.memory_space<vmem>>) target(%dma_start3A_275 : memref<16x1024xf32, #tpu.memory_space<hbm>>) target_semaphore(%arg29 : memref<!tpu.dma_semaphore, #tpu.memory_space<semaphore_mem>>)
    %dma_wait3A_276 = arith.constant 0 : i32
    %dma_wait3A_277 = tpu.memref_slice %arg6[%add3A_271, %dma_wait3A_276] : memref<12288x1024xf32, #tpu.memory_space<hbm>> -> memref<16x1024xf32, #tpu.memory_space<hbm>>
    %dma_wait3A_278 = arith.constant 0 : i32
    %dma_wait3A_279 = tpu.memref_slice %arg6[%add3A_271, %dma_wait3A_278] : memref<12288x1024xf32, #tpu.memory_space<hbm>> -> memref<16x1024xf32, #tpu.memory_space<hbm>>
    tpu.wait_dma2 semaphore(%arg29 : memref<!tpu.dma_semaphore, #tpu.memory_space<semaphore_mem>>) src(%arg17 : memref<16x1024xf32, #tpu.memory_space<vmem>>) dst(%dma_wait3A_279 : memref<16x1024xf32, #tpu.memory_space<hbm>>)
    %dma_start3A_280 = arith.constant 272 : i32
    %dma_start3A_281 = tpu.memref_slice %arg9[%dma_start3A_280] : memref<384xi32, #tpu.memory_space<vmem>> -> memref<16xi32, #tpu.memory_space<vmem>>
    %dma_start3A_282 = arith.constant 0 : i32
    %dma_start3A_283 = arith.constant 0 : i32
    %dma_start3A_284 = tpu.memref_slice %arg4[%dma_start3A_282, %dma_start3A_283] : memref<2048x1024xf32, #tpu.memory_space<hbm>> -> memref<2048x1024xf32, #tpu.memory_space<hbm>>
    tpu.enqueue_indirect_dma source(%dma_start3A_284 : memref<2048x1024xf32, #tpu.memory_space<hbm>>) target(%arg17 : memref<16x1024xf32, #tpu.memory_space<vmem>>) offsets(%dma_start3A_281 : memref<16xi32, #tpu.memory_space<vmem>>) semaphore(%arg23 : memref<!tpu.dma_semaphore, #tpu.memory_space<semaphore_mem>>)
    %dma_wait3A_285 = arith.constant 192 : i32
    %dma_wait3A_286 = tpu.memref_slice %arg9[%dma_wait3A_285] : memref<384xi32, #tpu.memory_space<vmem>> -> memref<16xi32, #tpu.memory_space<vmem>>
    %dma_wait3A_287 = arith.constant 0 : i32
    %dma_wait3A_288 = arith.constant 0 : i32
    %dma_wait3A_289 = tpu.memref_slice %arg4[%dma_wait3A_287, %dma_wait3A_288] : memref<2048x1024xf32, #tpu.memory_space<hbm>> -> memref<2048x1024xf32, #tpu.memory_space<hbm>>
    tpu.wait_indirect_dma semaphore(%arg18 : memref<!tpu.dma_semaphore, #tpu.memory_space<semaphore_mem>>) src(%dma_wait3A_289 : memref<2048x1024xf32, #tpu.memory_space<hbm>>) dst(%arg12 : memref<16x1024xf32, #tpu.memory_space<vmem>>)
    %add3A_290 = arith.constant 192 : i32
    %add3A_291 = arith.addi %mul3A_2, %add3A_290 : i32
    %dma_start3A_292 = arith.constant 0 : i32
    %dma_start3A_293 = tpu.memref_slice %arg6[%add3A_291, %dma_start3A_292] : memref<12288x1024xf32, #tpu.memory_space<hbm>> -> memref<16x1024xf32, #tpu.memory_space<hbm>>
    %dma_start3A_294 = arith.constant 0 : i32
    %dma_start3A_295 = tpu.memref_slice %arg6[%add3A_291, %dma_start3A_294] : memref<12288x1024xf32, #tpu.memory_space<hbm>> -> memref<16x1024xf32, #tpu.memory_space<hbm>>
    tpu.enqueue_dma source(%arg12 : memref<16x1024xf32, #tpu.memory_space<vmem>>) target(%dma_start3A_295 : memref<16x1024xf32, #tpu.memory_space<hbm>>) target_semaphore(%arg24 : memref<!tpu.dma_semaphore, #tpu.memory_space<semaphore_mem>>)
    %dma_wait3A_296 = arith.constant 0 : i32
    %dma_wait3A_297 = tpu.memref_slice %arg6[%add3A_291, %dma_wait3A_296] : memref<12288x1024xf32, #tpu.memory_space<hbm>> -> memref<16x1024xf32, #tpu.memory_space<hbm>>
    %dma_wait3A_298 = arith.constant 0 : i32
    %dma_wait3A_299 = tpu.memref_slice %arg6[%add3A_291, %dma_wait3A_298] : memref<12288x1024xf32, #tpu.memory_space<hbm>> -> memref<16x1024xf32, #tpu.memory_space<hbm>>
    tpu.wait_dma2 semaphore(%arg24 : memref<!tpu.dma_semaphore, #tpu.memory_space<semaphore_mem>>) src(%arg12 : memref<16x1024xf32, #tpu.memory_space<vmem>>) dst(%dma_wait3A_299 : memref<16x1024xf32, #tpu.memory_space<hbm>>)
    %dma_start3A_300 = arith.constant 288 : i32
    %dma_start3A_301 = tpu.memref_slice %arg9[%dma_start3A_300] : memref<384xi32, #tpu.memory_space<vmem>> -> memref<16xi32, #tpu.memory_space<vmem>>
    %dma_start3A_302 = arith.constant 0 : i32
    %dma_start3A_303 = arith.constant 0 : i32
    %dma_start3A_304 = tpu.memref_slice %arg4[%dma_start3A_302, %dma_start3A_303] : memref<2048x1024xf32, #tpu.memory_space<hbm>> -> memref<2048x1024xf32, #tpu.memory_space<hbm>>
    tpu.enqueue_indirect_dma source(%dma_start3A_304 : memref<2048x1024xf32, #tpu.memory_space<hbm>>) target(%arg12 : memref<16x1024xf32, #tpu.memory_space<vmem>>) offsets(%dma_start3A_301 : memref<16xi32, #tpu.memory_space<vmem>>) semaphore(%arg18 : memref<!tpu.dma_semaphore, #tpu.memory_space<semaphore_mem>>)
    %dma_wait3A_305 = arith.constant 208 : i32
    %dma_wait3A_306 = tpu.memref_slice %arg9[%dma_wait3A_305] : memref<384xi32, #tpu.memory_space<vmem>> -> memref<16xi32, #tpu.memory_space<vmem>>
    %dma_wait3A_307 = arith.constant 0 : i32
    %dma_wait3A_308 = arith.constant 0 : i32
    %dma_wait3A_309 = tpu.memref_slice %arg4[%dma_wait3A_307, %dma_wait3A_308] : memref<2048x1024xf32, #tpu.memory_space<hbm>> -> memref<2048x1024xf32, #tpu.memory_space<hbm>>
    tpu.wait_indirect_dma semaphore(%arg19 : memref<!tpu.dma_semaphore, #tpu.memory_space<semaphore_mem>>) src(%dma_wait3A_309 : memref<2048x1024xf32, #tpu.memory_space<hbm>>) dst(%arg13 : memref<16x1024xf32, #tpu.memory_space<vmem>>)
    %add3A_310 = arith.constant 208 : i32
    %add3A_311 = arith.addi %mul3A_2, %add3A_310 : i32
    %dma_start3A_312 = arith.constant 0 : i32
    %dma_start3A_313 = tpu.memref_slice %arg6[%add3A_311, %dma_start3A_312] : memref<12288x1024xf32, #tpu.memory_space<hbm>> -> memref<16x1024xf32, #tpu.memory_space<hbm>>
    %dma_start3A_314 = arith.constant 0 : i32
    %dma_start3A_315 = tpu.memref_slice %arg6[%add3A_311, %dma_start3A_314] : memref<12288x1024xf32, #tpu.memory_space<hbm>> -> memref<16x1024xf32, #tpu.memory_space<hbm>>
    tpu.enqueue_dma source(%arg13 : memref<16x1024xf32, #tpu.memory_space<vmem>>) target(%dma_start3A_315 : memref<16x1024xf32, #tpu.memory_space<hbm>>) target_semaphore(%arg25 : memref<!tpu.dma_semaphore, #tpu.memory_space<semaphore_mem>>)
    %dma_wait3A_316 = arith.constant 0 : i32
    %dma_wait3A_317 = tpu.memref_slice %arg6[%add3A_311, %dma_wait3A_316] : memref<12288x1024xf32, #tpu.memory_space<hbm>> -> memref<16x1024xf32, #tpu.memory_space<hbm>>
    %dma_wait3A_318 = arith.constant 0 : i32
    %dma_wait3A_319 = tpu.memref_slice %arg6[%add3A_311, %dma_wait3A_318] : memref<12288x1024xf32, #tpu.memory_space<hbm>> -> memref<16x1024xf32, #tpu.memory_space<hbm>>
    tpu.wait_dma2 semaphore(%arg25 : memref<!tpu.dma_semaphore, #tpu.memory_space<semaphore_mem>>) src(%arg13 : memref<16x1024xf32, #tpu.memory_space<vmem>>) dst(%dma_wait3A_319 : memref<16x1024xf32, #tpu.memory_space<hbm>>)
    %dma_start3A_320 = arith.constant 304 : i32
    %dma_start3A_321 = tpu.memref_slice %arg9[%dma_start3A_320] : memref<384xi32, #tpu.memory_space<vmem>> -> memref<16xi32, #tpu.memory_space<vmem>>
    %dma_start3A_322 = arith.constant 0 : i32
    %dma_start3A_323 = arith.constant 0 : i32
    %dma_start3A_324 = tpu.memref_slice %arg4[%dma_start3A_322, %dma_start3A_323] : memref<2048x1024xf32, #tpu.memory_space<hbm>> -> memref<2048x1024xf32, #tpu.memory_space<hbm>>
    tpu.enqueue_indirect_dma source(%dma_start3A_324 : memref<2048x1024xf32, #tpu.memory_space<hbm>>) target(%arg13 : memref<16x1024xf32, #tpu.memory_space<vmem>>) offsets(%dma_start3A_321 : memref<16xi32, #tpu.memory_space<vmem>>) semaphore(%arg19 : memref<!tpu.dma_semaphore, #tpu.memory_space<semaphore_mem>>)
    %dma_wait3A_325 = arith.constant 224 : i32
    %dma_wait3A_326 = tpu.memref_slice %arg9[%dma_wait3A_325] : memref<384xi32, #tpu.memory_space<vmem>> -> memref<16xi32, #tpu.memory_space<vmem>>
    %dma_wait3A_327 = arith.constant 0 : i32
    %dma_wait3A_328 = arith.constant 0 : i32
    %dma_wait3A_329 = tpu.memref_slice %arg4[%dma_wait3A_327, %dma_wait3A_328] : memref<2048x1024xf32, #tpu.memory_space<hbm>> -> memref<2048x1024xf32, #tpu.memory_space<hbm>>
    tpu.wait_indirect_dma semaphore(%arg20 : memref<!tpu.dma_semaphore, #tpu.memory_space<semaphore_mem>>) src(%dma_wait3A_329 : memref<2048x1024xf32, #tpu.memory_space<hbm>>) dst(%arg14 : memref<16x1024xf32, #tpu.memory_space<vmem>>)
    %add3A_330 = arith.constant 224 : i32
    %add3A_331 = arith.addi %mul3A_2, %add3A_330 : i32
    %dma_start3A_332 = arith.constant 0 : i32
    %dma_start3A_333 = tpu.memref_slice %arg6[%add3A_331, %dma_start3A_332] : memref<12288x1024xf32, #tpu.memory_space<hbm>> -> memref<16x1024xf32, #tpu.memory_space<hbm>>
    %dma_start3A_334 = arith.constant 0 : i32
    %dma_start3A_335 = tpu.memref_slice %arg6[%add3A_331, %dma_start3A_334] : memref<12288x1024xf32, #tpu.memory_space<hbm>> -> memref<16x1024xf32, #tpu.memory_space<hbm>>
    tpu.enqueue_dma source(%arg14 : memref<16x1024xf32, #tpu.memory_space<vmem>>) target(%dma_start3A_335 : memref<16x1024xf32, #tpu.memory_space<hbm>>) target_semaphore(%arg26 : memref<!tpu.dma_semaphore, #tpu.memory_space<semaphore_mem>>)
    %dma_wait3A_336 = arith.constant 0 : i32
    %dma_wait3A_337 = tpu.memref_slice %arg6[%add3A_331, %dma_wait3A_336] : memref<12288x1024xf32, #tpu.memory_space<hbm>> -> memref<16x1024xf32, #tpu.memory_space<hbm>>
    %dma_wait3A_338 = arith.constant 0 : i32
    %dma_wait3A_339 = tpu.memref_slice %arg6[%add3A_331, %dma_wait3A_338] : memref<12288x1024xf32, #tpu.memory_space<hbm>> -> memref<16x1024xf32, #tpu.memory_space<hbm>>
    tpu.wait_dma2 semaphore(%arg26 : memref<!tpu.dma_semaphore, #tpu.memory_space<semaphore_mem>>) src(%arg14 : memref<16x1024xf32, #tpu.memory_space<vmem>>) dst(%dma_wait3A_339 : memref<16x1024xf32, #tpu.memory_space<hbm>>)
    %dma_start3A_340 = arith.constant 320 : i32
    %dma_start3A_341 = tpu.memref_slice %arg9[%dma_start3A_340] : memref<384xi32, #tpu.memory_space<vmem>> -> memref<16xi32, #tpu.memory_space<vmem>>
    %dma_start3A_342 = arith.constant 0 : i32
    %dma_start3A_343 = arith.constant 0 : i32
    %dma_start3A_344 = tpu.memref_slice %arg4[%dma_start3A_342, %dma_start3A_343] : memref<2048x1024xf32, #tpu.memory_space<hbm>> -> memref<2048x1024xf32, #tpu.memory_space<hbm>>
    tpu.enqueue_indirect_dma source(%dma_start3A_344 : memref<2048x1024xf32, #tpu.memory_space<hbm>>) target(%arg14 : memref<16x1024xf32, #tpu.memory_space<vmem>>) offsets(%dma_start3A_341 : memref<16xi32, #tpu.memory_space<vmem>>) semaphore(%arg20 : memref<!tpu.dma_semaphore, #tpu.memory_space<semaphore_mem>>)
    %dma_wait3A_345 = arith.constant 240 : i32
    %dma_wait3A_346 = tpu.memref_slice %arg9[%dma_wait3A_345] : memref<384xi32, #tpu.memory_space<vmem>> -> memref<16xi32, #tpu.memory_space<vmem>>
    %dma_wait3A_347 = arith.constant 0 : i32
    %dma_wait3A_348 = arith.constant 0 : i32
    %dma_wait3A_349 = tpu.memref_slice %arg4[%dma_wait3A_347, %dma_wait3A_348] : memref<2048x1024xf32, #tpu.memory_space<hbm>> -> memref<2048x1024xf32, #tpu.memory_space<hbm>>
    tpu.wait_indirect_dma semaphore(%arg21 : memref<!tpu.dma_semaphore, #tpu.memory_space<semaphore_mem>>) src(%dma_wait3A_349 : memref<2048x1024xf32, #tpu.memory_space<hbm>>) dst(%arg15 : memref<16x1024xf32, #tpu.memory_space<vmem>>)
    %add3A_350 = arith.constant 240 : i32
    %add3A_351 = arith.addi %mul3A_2, %add3A_350 : i32
    %dma_start3A_352 = arith.constant 0 : i32
    %dma_start3A_353 = tpu.memref_slice %arg6[%add3A_351, %dma_start3A_352] : memref<12288x1024xf32, #tpu.memory_space<hbm>> -> memref<16x1024xf32, #tpu.memory_space<hbm>>
    %dma_start3A_354 = arith.constant 0 : i32
    %dma_start3A_355 = tpu.memref_slice %arg6[%add3A_351, %dma_start3A_354] : memref<12288x1024xf32, #tpu.memory_space<hbm>> -> memref<16x1024xf32, #tpu.memory_space<hbm>>
    tpu.enqueue_dma source(%arg15 : memref<16x1024xf32, #tpu.memory_space<vmem>>) target(%dma_start3A_355 : memref<16x1024xf32, #tpu.memory_space<hbm>>) target_semaphore(%arg27 : memref<!tpu.dma_semaphore, #tpu.memory_space<semaphore_mem>>)
    %dma_wait3A_356 = arith.constant 0 : i32
    %dma_wait3A_357 = tpu.memref_slice %arg6[%add3A_351, %dma_wait3A_356] : memref<12288x1024xf32, #tpu.memory_space<hbm>> -> memref<16x1024xf32, #tpu.memory_space<hbm>>
    %dma_wait3A_358 = arith.constant 0 : i32
    %dma_wait3A_359 = tpu.memref_slice %arg6[%add3A_351, %dma_wait3A_358] : memref<12288x1024xf32, #tpu.memory_space<hbm>> -> memref<16x1024xf32, #tpu.memory_space<hbm>>
    tpu.wait_dma2 semaphore(%arg27 : memref<!tpu.dma_semaphore, #tpu.memory_space<semaphore_mem>>) src(%arg15 : memref<16x1024xf32, #tpu.memory_space<vmem>>) dst(%dma_wait3A_359 : memref<16x1024xf32, #tpu.memory_space<hbm>>)
    %dma_start3A_360 = arith.constant 336 : i32
    %dma_start3A_361 = tpu.memref_slice %arg9[%dma_start3A_360] : memref<384xi32, #tpu.memory_space<vmem>> -> memref<16xi32, #tpu.memory_space<vmem>>
    %dma_start3A_362 = arith.constant 0 : i32
    %dma_start3A_363 = arith.constant 0 : i32
    %dma_start3A_364 = tpu.memref_slice %arg4[%dma_start3A_362, %dma_start3A_363] : memref<2048x1024xf32, #tpu.memory_space<hbm>> -> memref<2048x1024xf32, #tpu.memory_space<hbm>>
    tpu.enqueue_indirect_dma source(%dma_start3A_364 : memref<2048x1024xf32, #tpu.memory_space<hbm>>) target(%arg15 : memref<16x1024xf32, #tpu.memory_space<vmem>>) offsets(%dma_start3A_361 : memref<16xi32, #tpu.memory_space<vmem>>) semaphore(%arg21 : memref<!tpu.dma_semaphore, #tpu.memory_space<semaphore_mem>>)
    %dma_wait3A_365 = arith.constant 256 : i32
    %dma_wait3A_366 = tpu.memref_slice %arg9[%dma_wait3A_365] : memref<384xi32, #tpu.memory_space<vmem>> -> memref<16xi32, #tpu.memory_space<vmem>>
    %dma_wait3A_367 = arith.constant 0 : i32
    %dma_wait3A_368 = arith.constant 0 : i32
    %dma_wait3A_369 = tpu.memref_slice %arg4[%dma_wait3A_367, %dma_wait3A_368] : memref<2048x1024xf32, #tpu.memory_space<hbm>> -> memref<2048x1024xf32, #tpu.memory_space<hbm>>
    tpu.wait_indirect_dma semaphore(%arg22 : memref<!tpu.dma_semaphore, #tpu.memory_space<semaphore_mem>>) src(%dma_wait3A_369 : memref<2048x1024xf32, #tpu.memory_space<hbm>>) dst(%arg16 : memref<16x1024xf32, #tpu.memory_space<vmem>>)
    %add3A_370 = arith.constant 256 : i32
    %add3A_371 = arith.addi %mul3A_2, %add3A_370 : i32
    %dma_start3A_372 = arith.constant 0 : i32
    %dma_start3A_373 = tpu.memref_slice %arg6[%add3A_371, %dma_start3A_372] : memref<12288x1024xf32, #tpu.memory_space<hbm>> -> memref<16x1024xf32, #tpu.memory_space<hbm>>
    %dma_start3A_374 = arith.constant 0 : i32
    %dma_start3A_375 = tpu.memref_slice %arg6[%add3A_371, %dma_start3A_374] : memref<12288x1024xf32, #tpu.memory_space<hbm>> -> memref<16x1024xf32, #tpu.memory_space<hbm>>
    tpu.enqueue_dma source(%arg16 : memref<16x1024xf32, #tpu.memory_space<vmem>>) target(%dma_start3A_375 : memref<16x1024xf32, #tpu.memory_space<hbm>>) target_semaphore(%arg28 : memref<!tpu.dma_semaphore, #tpu.memory_space<semaphore_mem>>)
    %dma_wait3A_376 = arith.constant 0 : i32
    %dma_wait3A_377 = tpu.memref_slice %arg6[%add3A_371, %dma_wait3A_376] : memref<12288x1024xf32, #tpu.memory_space<hbm>> -> memref<16x1024xf32, #tpu.memory_space<hbm>>
    %dma_wait3A_378 = arith.constant 0 : i32
    %dma_wait3A_379 = tpu.memref_slice %arg6[%add3A_371, %dma_wait3A_378] : memref<12288x1024xf32, #tpu.memory_space<hbm>> -> memref<16x1024xf32, #tpu.memory_space<hbm>>
    tpu.wait_dma2 semaphore(%arg28 : memref<!tpu.dma_semaphore, #tpu.memory_space<semaphore_mem>>) src(%arg16 : memref<16x1024xf32, #tpu.memory_space<vmem>>) dst(%dma_wait3A_379 : memref<16x1024xf32, #tpu.memory_space<hbm>>)
    %dma_start3A_380 = arith.constant 352 : i32
    %dma_start3A_381 = tpu.memref_slice %arg9[%dma_start3A_380] : memref<384xi32, #tpu.memory_space<vmem>> -> memref<16xi32, #tpu.memory_space<vmem>>
    %dma_start3A_382 = arith.constant 0 : i32
    %dma_start3A_383 = arith.constant 0 : i32
    %dma_start3A_384 = tpu.memref_slice %arg4[%dma_start3A_382, %dma_start3A_383] : memref<2048x1024xf32, #tpu.memory_space<hbm>> -> memref<2048x1024xf32, #tpu.memory_space<hbm>>
    tpu.enqueue_indirect_dma source(%dma_start3A_384 : memref<2048x1024xf32, #tpu.memory_space<hbm>>) target(%arg16 : memref<16x1024xf32, #tpu.memory_space<vmem>>) offsets(%dma_start3A_381 : memref<16xi32, #tpu.memory_space<vmem>>) semaphore(%arg22 : memref<!tpu.dma_semaphore, #tpu.memory_space<semaphore_mem>>)
    %dma_wait3A_385 = arith.constant 272 : i32
    %dma_wait3A_386 = tpu.memref_slice %arg9[%dma_wait3A_385] : memref<384xi32, #tpu.memory_space<vmem>> -> memref<16xi32, #tpu.memory_space<vmem>>
    %dma_wait3A_387 = arith.constant 0 : i32
    %dma_wait3A_388 = arith.constant 0 : i32
    %dma_wait3A_389 = tpu.memref_slice %arg4[%dma_wait3A_387, %dma_wait3A_388] : memref<2048x1024xf32, #tpu.memory_space<hbm>> -> memref<2048x1024xf32, #tpu.memory_space<hbm>>
    tpu.wait_indirect_dma semaphore(%arg23 : memref<!tpu.dma_semaphore, #tpu.memory_space<semaphore_mem>>) src(%dma_wait3A_389 : memref<2048x1024xf32, #tpu.memory_space<hbm>>) dst(%arg17 : memref<16x1024xf32, #tpu.memory_space<vmem>>)
    %add3A_390 = arith.constant 272 : i32
    %add3A_391 = arith.addi %mul3A_2, %add3A_390 : i32
    %dma_start3A_392 = arith.constant 0 : i32
    %dma_start3A_393 = tpu.memref_slice %arg6[%add3A_391, %dma_start3A_392] : memref<12288x1024xf32, #tpu.memory_space<hbm>> -> memref<16x1024xf32, #tpu.memory_space<hbm>>
    %dma_start3A_394 = arith.constant 0 : i32
    %dma_start3A_395 = tpu.memref_slice %arg6[%add3A_391, %dma_start3A_394] : memref<12288x1024xf32, #tpu.memory_space<hbm>> -> memref<16x1024xf32, #tpu.memory_space<hbm>>
    tpu.enqueue_dma source(%arg17 : memref<16x1024xf32, #tpu.memory_space<vmem>>) target(%dma_start3A_395 : memref<16x1024xf32, #tpu.memory_space<hbm>>) target_semaphore(%arg29 : memref<!tpu.dma_semaphore, #tpu.memory_space<semaphore_mem>>)
    %dma_wait3A_396 = arith.constant 0 : i32
    %dma_wait3A_397 = tpu.memref_slice %arg6[%add3A_391, %dma_wait3A_396] : memref<12288x1024xf32, #tpu.memory_space<hbm>> -> memref<16x1024xf32, #tpu.memory_space<hbm>>
    %dma_wait3A_398 = arith.constant 0 : i32
    %dma_wait3A_399 = tpu.memref_slice %arg6[%add3A_391, %dma_wait3A_398] : memref<12288x1024xf32, #tpu.memory_space<hbm>> -> memref<16x1024xf32, #tpu.memory_space<hbm>>
    tpu.wait_dma2 semaphore(%arg29 : memref<!tpu.dma_semaphore, #tpu.memory_space<semaphore_mem>>) src(%arg17 : memref<16x1024xf32, #tpu.memory_space<vmem>>) dst(%dma_wait3A_399 : memref<16x1024xf32, #tpu.memory_space<hbm>>)
    %dma_start3A_400 = arith.constant 368 : i32
    %dma_start3A_401 = tpu.memref_slice %arg9[%dma_start3A_400] : memref<384xi32, #tpu.memory_space<vmem>> -> memref<16xi32, #tpu.memory_space<vmem>>
    %dma_start3A_402 = arith.constant 0 : i32
    %dma_start3A_403 = arith.constant 0 : i32
    %dma_start3A_404 = tpu.memref_slice %arg4[%dma_start3A_402, %dma_start3A_403] : memref<2048x1024xf32, #tpu.memory_space<hbm>> -> memref<2048x1024xf32, #tpu.memory_space<hbm>>
    tpu.enqueue_indirect_dma source(%dma_start3A_404 : memref<2048x1024xf32, #tpu.memory_space<hbm>>) target(%arg17 : memref<16x1024xf32, #tpu.memory_space<vmem>>) offsets(%dma_start3A_401 : memref<16xi32, #tpu.memory_space<vmem>>) semaphore(%arg23 : memref<!tpu.dma_semaphore, #tpu.memory_space<semaphore_mem>>)
    %dma_wait3A_405 = arith.constant 288 : i32
    %dma_wait3A_406 = tpu.memref_slice %arg9[%dma_wait3A_405] : memref<384xi32, #tpu.memory_space<vmem>> -> memref<16xi32, #tpu.memory_space<vmem>>
    %dma_wait3A_407 = arith.constant 0 : i32
    %dma_wait3A_408 = arith.constant 0 : i32
    %dma_wait3A_409 = tpu.memref_slice %arg4[%dma_wait3A_407, %dma_wait3A_408] : memref<2048x1024xf32, #tpu.memory_space<hbm>> -> memref<2048x1024xf32, #tpu.memory_space<hbm>>
    tpu.wait_indirect_dma semaphore(%arg18 : memref<!tpu.dma_semaphore, #tpu.memory_space<semaphore_mem>>) src(%dma_wait3A_409 : memref<2048x1024xf32, #tpu.memory_space<hbm>>) dst(%arg12 : memref<16x1024xf32, #tpu.memory_space<vmem>>)
    %add3A_410 = arith.constant 288 : i32
    %add3A_411 = arith.addi %mul3A_2, %add3A_410 : i32
    %dma_start3A_412 = arith.constant 0 : i32
    %dma_start3A_413 = tpu.memref_slice %arg6[%add3A_411, %dma_start3A_412] : memref<12288x1024xf32, #tpu.memory_space<hbm>> -> memref<16x1024xf32, #tpu.memory_space<hbm>>
    %dma_start3A_414 = arith.constant 0 : i32
    %dma_start3A_415 = tpu.memref_slice %arg6[%add3A_411, %dma_start3A_414] : memref<12288x1024xf32, #tpu.memory_space<hbm>> -> memref<16x1024xf32, #tpu.memory_space<hbm>>
    tpu.enqueue_dma source(%arg12 : memref<16x1024xf32, #tpu.memory_space<vmem>>) target(%dma_start3A_415 : memref<16x1024xf32, #tpu.memory_space<hbm>>) target_semaphore(%arg24 : memref<!tpu.dma_semaphore, #tpu.memory_space<semaphore_mem>>)
    %dma_wait3A_416 = arith.constant 304 : i32
    %dma_wait3A_417 = tpu.memref_slice %arg9[%dma_wait3A_416] : memref<384xi32, #tpu.memory_space<vmem>> -> memref<16xi32, #tpu.memory_space<vmem>>
    %dma_wait3A_418 = arith.constant 0 : i32
    %dma_wait3A_419 = arith.constant 0 : i32
    %dma_wait3A_420 = tpu.memref_slice %arg4[%dma_wait3A_418, %dma_wait3A_419] : memref<2048x1024xf32, #tpu.memory_space<hbm>> -> memref<2048x1024xf32, #tpu.memory_space<hbm>>
    tpu.wait_indirect_dma semaphore(%arg19 : memref<!tpu.dma_semaphore, #tpu.memory_space<semaphore_mem>>) src(%dma_wait3A_420 : memref<2048x1024xf32, #tpu.memory_space<hbm>>) dst(%arg13 : memref<16x1024xf32, #tpu.memory_space<vmem>>)
    %add3A_421 = arith.constant 304 : i32
    %add3A_422 = arith.addi %mul3A_2, %add3A_421 : i32
    %dma_start3A_423 = arith.constant 0 : i32
    %dma_start3A_424 = tpu.memref_slice %arg6[%add3A_422, %dma_start3A_423] : memref<12288x1024xf32, #tpu.memory_space<hbm>> -> memref<16x1024xf32, #tpu.memory_space<hbm>>
    %dma_start3A_425 = arith.constant 0 : i32
    %dma_start3A_426 = tpu.memref_slice %arg6[%add3A_422, %dma_start3A_425] : memref<12288x1024xf32, #tpu.memory_space<hbm>> -> memref<16x1024xf32, #tpu.memory_space<hbm>>
    tpu.enqueue_dma source(%arg13 : memref<16x1024xf32, #tpu.memory_space<vmem>>) target(%dma_start3A_426 : memref<16x1024xf32, #tpu.memory_space<hbm>>) target_semaphore(%arg25 : memref<!tpu.dma_semaphore, #tpu.memory_space<semaphore_mem>>)
    %dma_wait3A_427 = arith.constant 320 : i32
    %dma_wait3A_428 = tpu.memref_slice %arg9[%dma_wait3A_427] : memref<384xi32, #tpu.memory_space<vmem>> -> memref<16xi32, #tpu.memory_space<vmem>>
    %dma_wait3A_429 = arith.constant 0 : i32
    %dma_wait3A_430 = arith.constant 0 : i32
    %dma_wait3A_431 = tpu.memref_slice %arg4[%dma_wait3A_429, %dma_wait3A_430] : memref<2048x1024xf32, #tpu.memory_space<hbm>> -> memref<2048x1024xf32, #tpu.memory_space<hbm>>
    tpu.wait_indirect_dma semaphore(%arg20 : memref<!tpu.dma_semaphore, #tpu.memory_space<semaphore_mem>>) src(%dma_wait3A_431 : memref<2048x1024xf32, #tpu.memory_space<hbm>>) dst(%arg14 : memref<16x1024xf32, #tpu.memory_space<vmem>>)
    %add3A_432 = arith.constant 320 : i32
    %add3A_433 = arith.addi %mul3A_2, %add3A_432 : i32
    %dma_start3A_434 = arith.constant 0 : i32
    %dma_start3A_435 = tpu.memref_slice %arg6[%add3A_433, %dma_start3A_434] : memref<12288x1024xf32, #tpu.memory_space<hbm>> -> memref<16x1024xf32, #tpu.memory_space<hbm>>
    %dma_start3A_436 = arith.constant 0 : i32
    %dma_start3A_437 = tpu.memref_slice %arg6[%add3A_433, %dma_start3A_436] : memref<12288x1024xf32, #tpu.memory_space<hbm>> -> memref<16x1024xf32, #tpu.memory_space<hbm>>
    tpu.enqueue_dma source(%arg14 : memref<16x1024xf32, #tpu.memory_space<vmem>>) target(%dma_start3A_437 : memref<16x1024xf32, #tpu.memory_space<hbm>>) target_semaphore(%arg26 : memref<!tpu.dma_semaphore, #tpu.memory_space<semaphore_mem>>)
    %dma_wait3A_438 = arith.constant 336 : i32
    %dma_wait3A_439 = tpu.memref_slice %arg9[%dma_wait3A_438] : memref<384xi32, #tpu.memory_space<vmem>> -> memref<16xi32, #tpu.memory_space<vmem>>
    %dma_wait3A_440 = arith.constant 0 : i32
    %dma_wait3A_441 = arith.constant 0 : i32
    %dma_wait3A_442 = tpu.memref_slice %arg4[%dma_wait3A_440, %dma_wait3A_441] : memref<2048x1024xf32, #tpu.memory_space<hbm>> -> memref<2048x1024xf32, #tpu.memory_space<hbm>>
    tpu.wait_indirect_dma semaphore(%arg21 : memref<!tpu.dma_semaphore, #tpu.memory_space<semaphore_mem>>) src(%dma_wait3A_442 : memref<2048x1024xf32, #tpu.memory_space<hbm>>) dst(%arg15 : memref<16x1024xf32, #tpu.memory_space<vmem>>)
    %add3A_443 = arith.constant 336 : i32
    %add3A_444 = arith.addi %mul3A_2, %add3A_443 : i32
    %dma_start3A_445 = arith.constant 0 : i32
    %dma_start3A_446 = tpu.memref_slice %arg6[%add3A_444, %dma_start3A_445] : memref<12288x1024xf32, #tpu.memory_space<hbm>> -> memref<16x1024xf32, #tpu.memory_space<hbm>>
    %dma_start3A_447 = arith.constant 0 : i32
    %dma_start3A_448 = tpu.memref_slice %arg6[%add3A_444, %dma_start3A_447] : memref<12288x1024xf32, #tpu.memory_space<hbm>> -> memref<16x1024xf32, #tpu.memory_space<hbm>>
    tpu.enqueue_dma source(%arg15 : memref<16x1024xf32, #tpu.memory_space<vmem>>) target(%dma_start3A_448 : memref<16x1024xf32, #tpu.memory_space<hbm>>) target_semaphore(%arg27 : memref<!tpu.dma_semaphore, #tpu.memory_space<semaphore_mem>>)
    %dma_wait3A_449 = arith.constant 352 : i32
    %dma_wait3A_450 = tpu.memref_slice %arg9[%dma_wait3A_449] : memref<384xi32, #tpu.memory_space<vmem>> -> memref<16xi32, #tpu.memory_space<vmem>>
    %dma_wait3A_451 = arith.constant 0 : i32
    %dma_wait3A_452 = arith.constant 0 : i32
    %dma_wait3A_453 = tpu.memref_slice %arg4[%dma_wait3A_451, %dma_wait3A_452] : memref<2048x1024xf32, #tpu.memory_space<hbm>> -> memref<2048x1024xf32, #tpu.memory_space<hbm>>
    tpu.wait_indirect_dma semaphore(%arg22 : memref<!tpu.dma_semaphore, #tpu.memory_space<semaphore_mem>>) src(%dma_wait3A_453 : memref<2048x1024xf32, #tpu.memory_space<hbm>>) dst(%arg16 : memref<16x1024xf32, #tpu.memory_space<vmem>>)
    %add3A_454 = arith.constant 352 : i32
    %add3A_455 = arith.addi %mul3A_2, %add3A_454 : i32
    %dma_start3A_456 = arith.constant 0 : i32
    %dma_start3A_457 = tpu.memref_slice %arg6[%add3A_455, %dma_start3A_456] : memref<12288x1024xf32, #tpu.memory_space<hbm>> -> memref<16x1024xf32, #tpu.memory_space<hbm>>
    %dma_start3A_458 = arith.constant 0 : i32
    %dma_start3A_459 = tpu.memref_slice %arg6[%add3A_455, %dma_start3A_458] : memref<12288x1024xf32, #tpu.memory_space<hbm>> -> memref<16x1024xf32, #tpu.memory_space<hbm>>
    tpu.enqueue_dma source(%arg16 : memref<16x1024xf32, #tpu.memory_space<vmem>>) target(%dma_start3A_459 : memref<16x1024xf32, #tpu.memory_space<hbm>>) target_semaphore(%arg28 : memref<!tpu.dma_semaphore, #tpu.memory_space<semaphore_mem>>)
    %dma_wait3A_460 = arith.constant 368 : i32
    %dma_wait3A_461 = tpu.memref_slice %arg9[%dma_wait3A_460] : memref<384xi32, #tpu.memory_space<vmem>> -> memref<16xi32, #tpu.memory_space<vmem>>
    %dma_wait3A_462 = arith.constant 0 : i32
    %dma_wait3A_463 = arith.constant 0 : i32
    %dma_wait3A_464 = tpu.memref_slice %arg4[%dma_wait3A_462, %dma_wait3A_463] : memref<2048x1024xf32, #tpu.memory_space<hbm>> -> memref<2048x1024xf32, #tpu.memory_space<hbm>>
    tpu.wait_indirect_dma semaphore(%arg23 : memref<!tpu.dma_semaphore, #tpu.memory_space<semaphore_mem>>) src(%dma_wait3A_464 : memref<2048x1024xf32, #tpu.memory_space<hbm>>) dst(%arg17 : memref<16x1024xf32, #tpu.memory_space<vmem>>)
    %add3A_465 = arith.constant 368 : i32
    %add3A_466 = arith.addi %mul3A_2, %add3A_465 : i32
    %dma_start3A_467 = arith.constant 0 : i32
    %dma_start3A_468 = tpu.memref_slice %arg6[%add3A_466, %dma_start3A_467] : memref<12288x1024xf32, #tpu.memory_space<hbm>> -> memref<16x1024xf32, #tpu.memory_space<hbm>>
    %dma_start3A_469 = arith.constant 0 : i32
    %dma_start3A_470 = tpu.memref_slice %arg6[%add3A_466, %dma_start3A_469] : memref<12288x1024xf32, #tpu.memory_space<hbm>> -> memref<16x1024xf32, #tpu.memory_space<hbm>>
    tpu.enqueue_dma source(%arg17 : memref<16x1024xf32, #tpu.memory_space<vmem>>) target(%dma_start3A_470 : memref<16x1024xf32, #tpu.memory_space<hbm>>) target_semaphore(%arg29 : memref<!tpu.dma_semaphore, #tpu.memory_space<semaphore_mem>>)
    %dma_wait3A_471 = arith.constant 0 : i32
    %dma_wait3A_472 = tpu.memref_slice %arg6[%add3A_411, %dma_wait3A_471] : memref<12288x1024xf32, #tpu.memory_space<hbm>> -> memref<16x1024xf32, #tpu.memory_space<hbm>>
    %dma_wait3A_473 = arith.constant 0 : i32
    %dma_wait3A_474 = tpu.memref_slice %arg6[%add3A_411, %dma_wait3A_473] : memref<12288x1024xf32, #tpu.memory_space<hbm>> -> memref<16x1024xf32, #tpu.memory_space<hbm>>
    tpu.wait_dma2 semaphore(%arg24 : memref<!tpu.dma_semaphore, #tpu.memory_space<semaphore_mem>>) src(%arg12 : memref<16x1024xf32, #tpu.memory_space<vmem>>) dst(%dma_wait3A_474 : memref<16x1024xf32, #tpu.memory_space<hbm>>)
    %dma_wait3A_475 = arith.constant 0 : i32
    %dma_wait3A_476 = tpu.memref_slice %arg6[%add3A_422, %dma_wait3A_475] : memref<12288x1024xf32, #tpu.memory_space<hbm>> -> memref<16x1024xf32, #tpu.memory_space<hbm>>
    %dma_wait3A_477 = arith.constant 0 : i32
    %dma_wait3A_478 = tpu.memref_slice %arg6[%add3A_422, %dma_wait3A_477] : memref<12288x1024xf32, #tpu.memory_space<hbm>> -> memref<16x1024xf32, #tpu.memory_space<hbm>>
    tpu.wait_dma2 semaphore(%arg25 : memref<!tpu.dma_semaphore, #tpu.memory_space<semaphore_mem>>) src(%arg13 : memref<16x1024xf32, #tpu.memory_space<vmem>>) dst(%dma_wait3A_478 : memref<16x1024xf32, #tpu.memory_space<hbm>>)
    %dma_wait3A_479 = arith.constant 0 : i32
    %dma_wait3A_480 = tpu.memref_slice %arg6[%add3A_433, %dma_wait3A_479] : memref<12288x1024xf32, #tpu.memory_space<hbm>> -> memref<16x1024xf32, #tpu.memory_space<hbm>>
    %dma_wait3A_481 = arith.constant 0 : i32
    %dma_wait3A_482 = tpu.memref_slice %arg6[%add3A_433, %dma_wait3A_481] : memref<12288x1024xf32, #tpu.memory_space<hbm>> -> memref<16x1024xf32, #tpu.memory_space<hbm>>
    tpu.wait_dma2 semaphore(%arg26 : memref<!tpu.dma_semaphore, #tpu.memory_space<semaphore_mem>>) src(%arg14 : memref<16x1024xf32, #tpu.memory_space<vmem>>) dst(%dma_wait3A_482 : memref<16x1024xf32, #tpu.memory_space<hbm>>)
    %dma_wait3A_483 = arith.constant 0 : i32
    %dma_wait3A_484 = tpu.memref_slice %arg6[%add3A_444, %dma_wait3A_483] : memref<12288x1024xf32, #tpu.memory_space<hbm>> -> memref<16x1024xf32, #tpu.memory_space<hbm>>
    %dma_wait3A_485 = arith.constant 0 : i32
    %dma_wait3A_486 = tpu.memref_slice %arg6[%add3A_444, %dma_wait3A_485] : memref<12288x1024xf32, #tpu.memory_space<hbm>> -> memref<16x1024xf32, #tpu.memory_space<hbm>>
    tpu.wait_dma2 semaphore(%arg27 : memref<!tpu.dma_semaphore, #tpu.memory_space<semaphore_mem>>) src(%arg15 : memref<16x1024xf32, #tpu.memory_space<vmem>>) dst(%dma_wait3A_486 : memref<16x1024xf32, #tpu.memory_space<hbm>>)
    %dma_wait3A_487 = arith.constant 0 : i32
    %dma_wait3A_488 = tpu.memref_slice %arg6[%add3A_455, %dma_wait3A_487] : memref<12288x1024xf32, #tpu.memory_space<hbm>> -> memref<16x1024xf32, #tpu.memory_space<hbm>>
    %dma_wait3A_489 = arith.constant 0 : i32
    %dma_wait3A_490 = tpu.memref_slice %arg6[%add3A_455, %dma_wait3A_489] : memref<12288x1024xf32, #tpu.memory_space<hbm>> -> memref<16x1024xf32, #tpu.memory_space<hbm>>
    tpu.wait_dma2 semaphore(%arg28 : memref<!tpu.dma_semaphore, #tpu.memory_space<semaphore_mem>>) src(%arg16 : memref<16x1024xf32, #tpu.memory_space<vmem>>) dst(%dma_wait3A_490 : memref<16x1024xf32, #tpu.memory_space<hbm>>)
    %dma_wait3A_491 = arith.constant 0 : i32
    %dma_wait3A_492 = tpu.memref_slice %arg6[%add3A_466, %dma_wait3A_491] : memref<12288x1024xf32, #tpu.memory_space<hbm>> -> memref<16x1024xf32, #tpu.memory_space<hbm>>
    %dma_wait3A_493 = arith.constant 0 : i32
    %dma_wait3A_494 = tpu.memref_slice %arg6[%add3A_466, %dma_wait3A_493] : memref<12288x1024xf32, #tpu.memory_space<hbm>> -> memref<16x1024xf32, #tpu.memory_space<hbm>>
    tpu.wait_dma2 semaphore(%arg29 : memref<!tpu.dma_semaphore, #tpu.memory_space<semaphore_mem>>) src(%arg17 : memref<16x1024xf32, #tpu.memory_space<vmem>>) dst(%dma_wait3A_494 : memref<16x1024xf32, #tpu.memory_space<hbm>>)
    %dma_wait3A_495 = tpu.memref_slice %arg5[%mul3A_2] : memref<12288xf32, #tpu.memory_space<hbm>> -> memref<384xf32, #tpu.memory_space<hbm>>
    %dma_wait3A_496 = tpu.memref_slice %arg5[%mul3A_2] : memref<12288xf32, #tpu.memory_space<hbm>> -> memref<384xf32, #tpu.memory_space<hbm>>
    tpu.wait_dma2 semaphore(%arg11 : memref<!tpu.dma_semaphore, #tpu.memory_space<semaphore_mem>>) src(%arg10 : memref<384xf32, #tpu.memory_space<vmem>>) dst(%dma_wait3A_496 : memref<384xf32, #tpu.memory_space<hbm>>)
    return
  }
}

#map = affine_map<(d0, d1) -> (0, 0)>
#map1 = affine_map<(d0, d1) -> (0)>
module attributes {stable_mosaic.version = 14 : i64} {
  func.func @k(%arg0: i32, %arg1: i32, %arg2: memref<2048x1024xf32, #tpu.memory_space<hbm>>, %arg3: memref<12288x1024xf32, #tpu.memory_space<hbm>>, %arg4: memref<2048xi32, #tpu.memory_space<hbm>>, %arg5: memref<2048xi32, #tpu.memory_space<hbm>>, %arg6: memref<2048x1024xf32, #tpu.memory_space<hbm>>, %arg7: memref<32xi32, #tpu.memory_space<vmem>>, %arg8: memref<32xi32, #tpu.memory_space<vmem>>, %arg9: memref<32x1024xf32, #tpu.memory_space<vmem>>, %arg10: memref<32x1024xf32, #tpu.memory_space<vmem>>, %arg11: memref<32x1024xf32, #tpu.memory_space<vmem>>, %arg12: memref<!tpu.dma_semaphore, #tpu.memory_space<semaphore_mem>>) attributes {dimension_semantics = [#tpu.dimension_semantics<core_parallel>, #tpu.dimension_semantics<subcore_parallel>], iteration_bounds = array<i64: 2, 16>, scalar_prefetch = 0 : i64, scratch_operands = 6 : i64, tpu.core_type = #tpu.core_type<sc_vector_subcore>, window_params = [{transform_indices = #map}, {transform_indices = #map}, {transform_indices = #map1}, {transform_indices = #map1}, {transform_indices = #map}]} {
    %mul3A = arith.constant 2 : i32
    %mul3A_0 = arith.muli %arg1, %mul3A : i32
    %add3A = arith.addi %mul3A_0, %arg0 : i32
    %mul3A_1 = arith.constant 64 : i32
    %mul3A_2 = arith.muli %add3A, %mul3A_1 : i32
    %scan3A = arith.constant 0 : i32
    %scan3A_3 = arith.constant 0 : i32
    %scan3A_4 = arith.constant 2 : i32
    %scan3A_5 = arith.addi %scan3A_3, %scan3A_4 : i32
    %scan3A_6 = arith.constant 1 : i32
    scf.for %scan3A_8 = %scan3A_3 to %scan3A_5 step %scan3A_6  : i32 {
      %mul3A_9 = arith.constant 32 : i32
      %mul3A_10 = arith.muli %scan3A_8, %mul3A_9 : i32
      %add3A_11 = arith.addi %mul3A_2, %mul3A_10 : i32
      "tpu.region"() ({
        %run_scoped3A = tpu.sem_alloc : memref<!tpu.dma_semaphore, #tpu.memory_space<semaphore_mem>>
        %dma_start3A_28 = tpu.memref_slice %arg4[%add3A_11] : memref<2048xi32, #tpu.memory_space<hbm>> -> memref<32xi32, #tpu.memory_space<hbm>>
        %dma_start3A_29 = tpu.memref_slice %arg4[%add3A_11] : memref<2048xi32, #tpu.memory_space<hbm>> -> memref<32xi32, #tpu.memory_space<hbm>>
        tpu.enqueue_dma source(%dma_start3A_29 : memref<32xi32, #tpu.memory_space<hbm>>) target(%arg7 : memref<32xi32, #tpu.memory_space<vmem>>) target_semaphore(%run_scoped3A : memref<!tpu.dma_semaphore, #tpu.memory_space<semaphore_mem>>)
        %dma_wait3A_30 = tpu.memref_slice %arg4[%add3A_11] : memref<2048xi32, #tpu.memory_space<hbm>> -> memref<32xi32, #tpu.memory_space<hbm>>
        %dma_wait3A_31 = tpu.memref_slice %arg4[%add3A_11] : memref<2048xi32, #tpu.memory_space<hbm>> -> memref<32xi32, #tpu.memory_space<hbm>>
        tpu.wait_dma2 semaphore(%run_scoped3A : memref<!tpu.dma_semaphore, #tpu.memory_space<semaphore_mem>>) src(%dma_wait3A_31 : memref<32xi32, #tpu.memory_space<hbm>>) dst(%arg7 : memref<32xi32, #tpu.memory_space<vmem>>)
        tpu.yield
      }) : () -> ()
      "tpu.region"() ({
        %run_scoped3A = tpu.sem_alloc : memref<!tpu.dma_semaphore, #tpu.memory_space<semaphore_mem>>
        %dma_start3A_28 = tpu.memref_slice %arg5[%add3A_11] : memref<2048xi32, #tpu.memory_space<hbm>> -> memref<32xi32, #tpu.memory_space<hbm>>
        %dma_start3A_29 = tpu.memref_slice %arg5[%add3A_11] : memref<2048xi32, #tpu.memory_space<hbm>> -> memref<32xi32, #tpu.memory_space<hbm>>
        tpu.enqueue_dma source(%dma_start3A_29 : memref<32xi32, #tpu.memory_space<hbm>>) target(%arg8 : memref<32xi32, #tpu.memory_space<vmem>>) target_semaphore(%run_scoped3A : memref<!tpu.dma_semaphore, #tpu.memory_space<semaphore_mem>>)
        %dma_wait3A_30 = tpu.memref_slice %arg5[%add3A_11] : memref<2048xi32, #tpu.memory_space<hbm>> -> memref<32xi32, #tpu.memory_space<hbm>>
        %dma_wait3A_31 = tpu.memref_slice %arg5[%add3A_11] : memref<2048xi32, #tpu.memory_space<hbm>> -> memref<32xi32, #tpu.memory_space<hbm>>
        tpu.wait_dma2 semaphore(%run_scoped3A : memref<!tpu.dma_semaphore, #tpu.memory_space<semaphore_mem>>) src(%dma_wait3A_31 : memref<32xi32, #tpu.memory_space<hbm>>) dst(%arg8 : memref<32xi32, #tpu.memory_space<vmem>>)
        tpu.yield
      }) : () -> ()
      "tpu.region"() ({
        %run_scoped3A = tpu.sem_alloc : memref<!tpu.dma_semaphore, #tpu.memory_space<semaphore_mem>>
        %dma_start3A_28 = arith.constant 0 : i32
        %dma_start3A_29 = tpu.memref_slice %arg2[%add3A_11, %dma_start3A_28] : memref<2048x1024xf32, #tpu.memory_space<hbm>> -> memref<32x1024xf32, #tpu.memory_space<hbm>>
        %dma_start3A_30 = arith.constant 0 : i32
        %dma_start3A_31 = tpu.memref_slice %arg2[%add3A_11, %dma_start3A_30] : memref<2048x1024xf32, #tpu.memory_space<hbm>> -> memref<32x1024xf32, #tpu.memory_space<hbm>>
        tpu.enqueue_dma source(%dma_start3A_31 : memref<32x1024xf32, #tpu.memory_space<hbm>>) target(%arg9 : memref<32x1024xf32, #tpu.memory_space<vmem>>) target_semaphore(%run_scoped3A : memref<!tpu.dma_semaphore, #tpu.memory_space<semaphore_mem>>)
        %dma_wait3A_32 = arith.constant 0 : i32
        %dma_wait3A_33 = tpu.memref_slice %arg2[%add3A_11, %dma_wait3A_32] : memref<2048x1024xf32, #tpu.memory_space<hbm>> -> memref<32x1024xf32, #tpu.memory_space<hbm>>
        %dma_wait3A_34 = arith.constant 0 : i32
        %dma_wait3A_35 = tpu.memref_slice %arg2[%add3A_11, %dma_wait3A_34] : memref<2048x1024xf32, #tpu.memory_space<hbm>> -> memref<32x1024xf32, #tpu.memory_space<hbm>>
        tpu.wait_dma2 semaphore(%run_scoped3A : memref<!tpu.dma_semaphore, #tpu.memory_space<semaphore_mem>>) src(%dma_wait3A_35 : memref<32x1024xf32, #tpu.memory_space<hbm>>) dst(%arg9 : memref<32x1024xf32, #tpu.memory_space<vmem>>)
        tpu.yield
      }) : () -> ()
      %dma_start3A = arith.constant 0 : i32
      %dma_start3A_12 = arith.constant 0 : i32
      %dma_start3A_13 = tpu.memref_slice %arg3[%dma_start3A, %dma_start3A_12] : memref<12288x1024xf32, #tpu.memory_space<hbm>> -> memref<12288x1024xf32, #tpu.memory_space<hbm>>
      tpu.enqueue_indirect_dma source(%dma_start3A_13 : memref<12288x1024xf32, #tpu.memory_space<hbm>>) target(%arg10 : memref<32x1024xf32, #tpu.memory_space<vmem>>) offsets(%arg7 : memref<32xi32, #tpu.memory_space<vmem>>) semaphore(%arg12 : memref<!tpu.dma_semaphore, #tpu.memory_space<semaphore_mem>>)
      %dma_wait3A = arith.constant 0 : i32
      %dma_wait3A_14 = arith.constant 0 : i32
      %dma_wait3A_15 = tpu.memref_slice %arg3[%dma_wait3A, %dma_wait3A_14] : memref<12288x1024xf32, #tpu.memory_space<hbm>> -> memref<12288x1024xf32, #tpu.memory_space<hbm>>
      tpu.wait_indirect_dma semaphore(%arg12 : memref<!tpu.dma_semaphore, #tpu.memory_space<semaphore_mem>>) src(%dma_wait3A_15 : memref<12288x1024xf32, #tpu.memory_space<hbm>>) dst(%arg10 : memref<32x1024xf32, #tpu.memory_space<vmem>>)
      %dma_start3A_16 = arith.constant 0 : i32
      %dma_start3A_17 = arith.constant 0 : i32
      %dma_start3A_18 = tpu.memref_slice %arg3[%dma_start3A_16, %dma_start3A_17] : memref<12288x1024xf32, #tpu.memory_space<hbm>> -> memref<12288x1024xf32, #tpu.memory_space<hbm>>
      tpu.enqueue_indirect_dma source(%dma_start3A_18 : memref<12288x1024xf32, #tpu.memory_space<hbm>>) target(%arg11 : memref<32x1024xf32, #tpu.memory_space<vmem>>) offsets(%arg8 : memref<32xi32, #tpu.memory_space<vmem>>) semaphore(%arg12 : memref<!tpu.dma_semaphore, #tpu.memory_space<semaphore_mem>>)
      %dma_wait3A_19 = arith.constant 0 : i32
      %dma_wait3A_20 = arith.constant 0 : i32
      %dma_wait3A_21 = tpu.memref_slice %arg3[%dma_wait3A_19, %dma_wait3A_20] : memref<12288x1024xf32, #tpu.memory_space<hbm>> -> memref<12288x1024xf32, #tpu.memory_space<hbm>>
      tpu.wait_indirect_dma semaphore(%arg12 : memref<!tpu.dma_semaphore, #tpu.memory_space<semaphore_mem>>) src(%dma_wait3A_21 : memref<12288x1024xf32, #tpu.memory_space<hbm>>) dst(%arg11 : memref<32x1024xf32, #tpu.memory_space<vmem>>)
      %scan3A_22 = arith.constant 0 : i32
      %scan3A_23 = arith.constant 0 : i32
      %scan3A_24 = arith.constant 32 : i32
      %scan3A_25 = arith.addi %scan3A_23, %scan3A_24 : i32
      %scan3A_26 = arith.constant 1 : i32
      scf.for %scan3A_28 = %scan3A_23 to %scan3A_25 step %scan3A_26  : i32 {
        %scan3A_29 = arith.constant 0 : i32
        %scan3A_30 = arith.constant 16 : i32
        %scan3A_31 = arith.addi %scan3A_29, %scan3A_30 : i32
        %scan3A_32 = arith.constant 1 : i32
        scf.for %scan3A_34 = %scan3A_29 to %scan3A_31 step %scan3A_32  : i32 {
          %mul3A_35 = arith.constant 4 : i32
          %mul3A_36 = arith.muli %mul3A_35, %scan3A_34 : i32
          %add3A_37 = arith.constant 0 : i32
          %add3A_38 = arith.addi %mul3A_36, %add3A_37 : i32
          %mul3A_39 = arith.constant 16 : i32
          %mul3A_40 = arith.muli %add3A_38, %mul3A_39 : i32
          %get3A = arith.index_cast %scan3A_28 : i32 to index
          %get3A_41 = arith.index_cast %mul3A_40 : i32 to index
          %get3A_42 = tpu.vector_load %arg9[%get3A, %get3A_41] {strides = array<i32>} : memref<32x1024xf32, #tpu.memory_space<vmem>>, vector<16xf32>,
          %get3A_43 = arith.index_cast %scan3A_28 : i32 to index
          %get3A_44 = arith.index_cast %mul3A_40 : i32 to index
          %get3A_45 = tpu.vector_load %arg10[%get3A_43, %get3A_44] {strides = array<i32>} : memref<32x1024xf32, #tpu.memory_space<vmem>>, vector<16xf32>,
          %add3A_46 = arith.addf %get3A_42, %get3A_45 : vector<16xf32>
          %get3A_47 = arith.index_cast %scan3A_28 : i32 to index
          %get3A_48 = arith.index_cast %mul3A_40 : i32 to index
          %get3A_49 = tpu.vector_load %arg11[%get3A_47, %get3A_48] {strides = array<i32>} : memref<32x1024xf32, #tpu.memory_space<vmem>>, vector<16xf32>,
          %add3A_50 = arith.addf %add3A_46, %get3A_49 : vector<16xf32>
          %swap3A = arith.index_cast %scan3A_28 : i32 to index
          %swap3A_51 = arith.index_cast %mul3A_40 : i32 to index
          %swap3A_52 = tpu.vector_load %arg9[%swap3A, %swap3A_51] {strides = array<i32>} : memref<32x1024xf32, #tpu.memory_space<vmem>>, vector<16xf32>,
          tpu.vector_store %arg9[%swap3A, %swap3A_51], %add3A_50 {strides = array<i32>} : memref<32x1024xf32, #tpu.memory_space<vmem>>, vector<16xf32>,
          %mul3A_53 = arith.constant 4 : i32
          %mul3A_54 = arith.muli %mul3A_53, %scan3A_34 : i32
          %add3A_55 = arith.constant 1 : i32
          %add3A_56 = arith.addi %mul3A_54, %add3A_55 : i32
          %mul3A_57 = arith.constant 16 : i32
          %mul3A_58 = arith.muli %add3A_56, %mul3A_57 : i32
          %get3A_59 = arith.index_cast %scan3A_28 : i32 to index
          %get3A_60 = arith.index_cast %mul3A_58 : i32 to index
          %get3A_61 = tpu.vector_load %arg9[%get3A_59, %get3A_60] {strides = array<i32>} : memref<32x1024xf32, #tpu.memory_space<vmem>>, vector<16xf32>,
          %get3A_62 = arith.index_cast %scan3A_28 : i32 to index
          %get3A_63 = arith.index_cast %mul3A_58 : i32 to index
          %get3A_64 = tpu.vector_load %arg10[%get3A_62, %get3A_63] {strides = array<i32>} : memref<32x1024xf32, #tpu.memory_space<vmem>>, vector<16xf32>,
          %add3A_65 = arith.addf %get3A_61, %get3A_64 : vector<16xf32>
          %get3A_66 = arith.index_cast %scan3A_28 : i32 to index
          %get3A_67 = arith.index_cast %mul3A_58 : i32 to index
          %get3A_68 = tpu.vector_load %arg11[%get3A_66, %get3A_67] {strides = array<i32>} : memref<32x1024xf32, #tpu.memory_space<vmem>>, vector<16xf32>,
          %add3A_69 = arith.addf %add3A_65, %get3A_68 : vector<16xf32>
          %swap3A_70 = arith.index_cast %scan3A_28 : i32 to index
          %swap3A_71 = arith.index_cast %mul3A_58 : i32 to index
          %swap3A_72 = tpu.vector_load %arg9[%swap3A_70, %swap3A_71] {strides = array<i32>} : memref<32x1024xf32, #tpu.memory_space<vmem>>, vector<16xf32>,
          tpu.vector_store %arg9[%swap3A_70, %swap3A_71], %add3A_69 {strides = array<i32>} : memref<32x1024xf32, #tpu.memory_space<vmem>>, vector<16xf32>,
          %mul3A_73 = arith.constant 4 : i32
          %mul3A_74 = arith.muli %mul3A_73, %scan3A_34 : i32
          %add3A_75 = arith.constant 2 : i32
          %add3A_76 = arith.addi %mul3A_74, %add3A_75 : i32
          %mul3A_77 = arith.constant 16 : i32
          %mul3A_78 = arith.muli %add3A_76, %mul3A_77 : i32
          %get3A_79 = arith.index_cast %scan3A_28 : i32 to index
          %get3A_80 = arith.index_cast %mul3A_78 : i32 to index
          %get3A_81 = tpu.vector_load %arg9[%get3A_79, %get3A_80] {strides = array<i32>} : memref<32x1024xf32, #tpu.memory_space<vmem>>, vector<16xf32>,
          %get3A_82 = arith.index_cast %scan3A_28 : i32 to index
          %get3A_83 = arith.index_cast %mul3A_78 : i32 to index
          %get3A_84 = tpu.vector_load %arg10[%get3A_82, %get3A_83] {strides = array<i32>} : memref<32x1024xf32, #tpu.memory_space<vmem>>, vector<16xf32>,
          %add3A_85 = arith.addf %get3A_81, %get3A_84 : vector<16xf32>
          %get3A_86 = arith.index_cast %scan3A_28 : i32 to index
          %get3A_87 = arith.index_cast %mul3A_78 : i32 to index
          %get3A_88 = tpu.vector_load %arg11[%get3A_86, %get3A_87] {strides = array<i32>} : memref<32x1024xf32, #tpu.memory_space<vmem>>, vector<16xf32>,
          %add3A_89 = arith.addf %add3A_85, %get3A_88 : vector<16xf32>
          %swap3A_90 = arith.index_cast %scan3A_28 : i32 to index
          %swap3A_91 = arith.index_cast %mul3A_78 : i32 to index
          %swap3A_92 = tpu.vector_load %arg9[%swap3A_90, %swap3A_91] {strides = array<i32>} : memref<32x1024xf32, #tpu.memory_space<vmem>>, vector<16xf32>,
          tpu.vector_store %arg9[%swap3A_90, %swap3A_91], %add3A_89 {strides = array<i32>} : memref<32x1024xf32, #tpu.memory_space<vmem>>, vector<16xf32>,
          %mul3A_93 = arith.constant 4 : i32
          %mul3A_94 = arith.muli %mul3A_93, %scan3A_34 : i32
          %add3A_95 = arith.constant 3 : i32
          %add3A_96 = arith.addi %mul3A_94, %add3A_95 : i32
          %mul3A_97 = arith.constant 16 : i32
          %mul3A_98 = arith.muli %add3A_96, %mul3A_97 : i32
          %get3A_99 = arith.index_cast %scan3A_28 : i32 to index
          %get3A_100 = arith.index_cast %mul3A_98 : i32 to index
          %get3A_101 = tpu.vector_load %arg9[%get3A_99, %get3A_100] {strides = array<i32>} : memref<32x1024xf32, #tpu.memory_space<vmem>>, vector<16xf32>,
          %get3A_102 = arith.index_cast %scan3A_28 : i32 to index
          %get3A_103 = arith.index_cast %mul3A_98 : i32 to index
          %get3A_104 = tpu.vector_load %arg10[%get3A_102, %get3A_103] {strides = array<i32>} : memref<32x1024xf32, #tpu.memory_space<vmem>>, vector<16xf32>,
          %add3A_105 = arith.addf %get3A_101, %get3A_104 : vector<16xf32>
          %get3A_106 = arith.index_cast %scan3A_28 : i32 to index
          %get3A_107 = arith.index_cast %mul3A_98 : i32 to index
          %get3A_108 = tpu.vector_load %arg11[%get3A_106, %get3A_107] {strides = array<i32>} : memref<32x1024xf32, #tpu.memory_space<vmem>>, vector<16xf32>,
          %add3A_109 = arith.addf %add3A_105, %get3A_108 : vector<16xf32>
          %swap3A_110 = arith.index_cast %scan3A_28 : i32 to index
          %swap3A_111 = arith.index_cast %mul3A_98 : i32 to index
          %swap3A_112 = tpu.vector_load %arg9[%swap3A_110, %swap3A_111] {strides = array<i32>} : memref<32x1024xf32, #tpu.memory_space<vmem>>, vector<16xf32>,
          tpu.vector_store %arg9[%swap3A_110, %swap3A_111], %add3A_109 {strides = array<i32>} : memref<32x1024xf32, #tpu.memory_space<vmem>>, vector<16xf32>,
        }
        %scan3A_33 = arith.constant 16 : i32
      }
      %scan3A_27 = arith.constant 32 : i32
      "tpu.region"() ({
        %run_scoped3A = tpu.sem_alloc : memref<!tpu.dma_semaphore, #tpu.memory_space<semaphore_mem>>
        %dma_start3A_28 = arith.constant 0 : i32
        %dma_start3A_29 = tpu.memref_slice %arg6[%add3A_11, %dma_start3A_28] : memref<2048x1024xf32, #tpu.memory_space<hbm>> -> memref<32x1024xf32, #tpu.memory_space<hbm>>
        %dma_start3A_30 = arith.constant 0 : i32
        %dma_start3A_31 = tpu.memref_slice %arg6[%add3A_11, %dma_start3A_30] : memref<2048x1024xf32, #tpu.memory_space<hbm>> -> memref<32x1024xf32, #tpu.memory_space<hbm>>
        tpu.enqueue_dma source(%arg9 : memref<32x1024xf32, #tpu.memory_space<vmem>>) target(%dma_start3A_31 : memref<32x1024xf32, #tpu.memory_space<hbm>>) target_semaphore(%run_scoped3A : memref<!tpu.dma_semaphore, #tpu.memory_space<semaphore_mem>>)
        %dma_wait3A_32 = arith.constant 0 : i32
        %dma_wait3A_33 = tpu.memref_slice %arg6[%add3A_11, %dma_wait3A_32] : memref<2048x1024xf32, #tpu.memory_space<hbm>> -> memref<32x1024xf32, #tpu.memory_space<hbm>>
        %dma_wait3A_34 = arith.constant 0 : i32
        %dma_wait3A_35 = tpu.memref_slice %arg6[%add3A_11, %dma_wait3A_34] : memref<2048x1024xf32, #tpu.memory_space<hbm>> -> memref<32x1024xf32, #tpu.memory_space<hbm>>
        tpu.wait_dma2 semaphore(%run_scoped3A : memref<!tpu.dma_semaphore, #tpu.memory_space<semaphore_mem>>) src(%arg9 : memref<32x1024xf32, #tpu.memory_space<vmem>>) dst(%dma_wait3A_35 : memref<32x1024xf32, #tpu.memory_space<hbm>>)
        tpu.yield
      }) : () -> ()
    }
    %scan3A_7 = arith.constant 2 : i32
    return
  }
}

module attributes {stable_mosaic.version = 14 : i64} {
  func.func @_gate_route_body(%arg0: memref<2048x1024xf32, #tpu.memory_space<vmem>>, %arg1: memref<64x1024xf32, #tpu.memory_space<vmem>>, %arg2: memref<64xf32, #tpu.memory_space<vmem>>, %arg3: memref<2048x2xf32, #tpu.memory_space<vmem>>, %arg4: memref<2048x2xi32, #tpu.memory_space<vmem>>, %arg5: memref<96xi32, #tpu.memory_space<vmem>>, %arg6: memref<1xi32, #tpu.memory_space<vmem>>) attributes {dimension_semantics = [], scalar_prefetch = 0 : i64, scratch_operands = 0 : i64, tpu.core_type = #tpu.core_type<tc>} {
    %get3A = arith.constant 0 : index
    %get3A_0 = arith.constant 0 : index
    %get3A_1 = vector.load %arg0[%get3A, %get3A_0] : memref<2048x1024xf32, #tpu.memory_space<vmem>>, vector<2048x1024xf32>
    %get3A_2 = arith.constant 0 : index
    %get3A_3 = arith.constant 0 : index
    %get3A_4 = vector.load %arg1[%get3A_2, %get3A_3] : memref<64x1024xf32, #tpu.memory_space<vmem>>, vector<64x1024xf32>
    %dot_general3A = arith.constant dense<0.000000e+00> : vector<2048x64xf32>
    %dot_general3A_5 = tpu.matmul %get3A_1, %get3A_4, %dot_general3A {dimension_numbers = #tpu.dot_dimension_numbers<[1], [1], [0], [0], [0, 0, 1, 0], [], []>, transpose_lhs_hint = false} : vector<2048x1024xf32>, vector<64x1024xf32>, vector<2048x64xf32> -> vector<2048x64xf32>
    %get3A_6 = arith.constant 0 : index
    %get3A_7 = vector.load %arg2[%get3A_6] : memref<64xf32, #tpu.memory_space<vmem>>, vector<64xf32>
    %broadcast_in_dim3A = vector.shape_cast %get3A_7 : vector<64xf32> to vector<1x64xf32>
    %add3A = vector.broadcast %broadcast_in_dim3A : vector<1x64xf32> to vector<2048x64xf32>
    %add3A_8 = arith.addf %dot_general3A_5, %add3A : vector<2048x64xf32>
    %reduce_max3A = arith.constant dense<0xFF800000> : vector<2048xf32>
    %reduce_max3A_9 = vector.multi_reduction <maximumf>, %add3A_8, %reduce_max3A [1] : vector<2048x64xf32> to vector<2048xf32>
    %broadcast_in_dim3A_10 = vector.shape_cast %reduce_max3A_9 : vector<2048xf32> to vector<2048x1xf32>
    %sub3A = vector.broadcast %broadcast_in_dim3A_10 : vector<2048x1xf32> to vector<2048x64xf32>
    %sub3A_11 = arith.subf %add3A_8, %sub3A : vector<2048x64xf32>
    %exp3A = math.exp %sub3A_11 : vector<2048x64xf32>
    %reduce_sum3A = arith.constant dense<0.000000e+00> : vector<2048xf32>
    %reduce_sum3A_12 = vector.multi_reduction <add>, %exp3A, %reduce_sum3A [1] : vector<2048x64xf32> to vector<2048xf32>
    %broadcast_in_dim3A_13 = vector.shape_cast %reduce_sum3A_12 : vector<2048xf32> to vector<2048x1xf32>
    %div3A = vector.broadcast %broadcast_in_dim3A_13 : vector<2048x1xf32> to vector<2048x64xf32>
    %div3A_14 = arith.divf %exp3A, %div3A : vector<2048x64xf32>
    %iota3A = tpu.iota {dimensions = array<i32: 1>} : vector<2048x64xi32>
    %reduce_max3A_15 = arith.constant dense<0xFF800000> : vector<2048xf32>
    %reduce_max3A_16 = vector.multi_reduction <maximumf>, %div3A_14, %reduce_max3A_15 [1] : vector<2048x64xf32> to vector<2048xf32>
    %broadcast_in_dim3A_17 = vector.shape_cast %reduce_max3A_16 : vector<2048xf32> to vector<2048x1xf32>
    %eq3A = vector.broadcast %broadcast_in_dim3A_17 : vector<2048x1xf32> to vector<2048x64xf32>
    %eq3A_18 = arith.cmpf oeq, %div3A_14, %eq3A : vector<2048x64xf32>
    %jit3A = arith.constant 64 : i32
    %broadcast_in_dim3A_19 = vector.broadcast %jit3A : i32 to vector<2048x64xi32>
    %select_n3A = arith.select %eq3A_18, %iota3A, %broadcast_in_dim3A_19 : vector<2048x64xi1>, vector<2048x64xi32>
    %reduce_min3A = arith.constant dense<2147483647> : vector<2048xi32>
    %reduce_min3A_20 = vector.multi_reduction <minsi>, %select_n3A, %reduce_min3A [1] : vector<2048x64xi32> to vector<2048xi32>
    %broadcast_in_dim3A_21 = vector.shape_cast %reduce_min3A_20 : vector<2048xi32> to vector<2048x1xi32>
    %eq3A_22 = vector.broadcast %broadcast_in_dim3A_21 : vector<2048x1xi32> to vector<2048x64xi32>
    %eq3A_23 = arith.cmpi eq, %iota3A, %eq3A_22 : vector<2048x64xi32>
    %jit3A_24 = arith.constant 0xFF800000 : f32
    %broadcast_in_dim3A_25 = vector.broadcast %jit3A_24 : f32 to vector<2048x64xf32>
    %select_n3A_26 = arith.select %eq3A_23, %broadcast_in_dim3A_25, %div3A_14 : vector<2048x64xi1>, vector<2048x64xf32>
    %reduce_max3A_27 = arith.constant dense<0xFF800000> : vector<2048xf32>
    %reduce_max3A_28 = vector.multi_reduction <maximumf>, %select_n3A_26, %reduce_max3A_27 [1] : vector<2048x64xf32> to vector<2048xf32>
    %broadcast_in_dim3A_29 = vector.shape_cast %reduce_max3A_28 : vector<2048xf32> to vector<2048x1xf32>
    %eq3A_30 = vector.broadcast %broadcast_in_dim3A_29 : vector<2048x1xf32> to vector<2048x64xf32>
    %eq3A_31 = arith.cmpf oeq, %select_n3A_26, %eq3A_30 : vector<2048x64xf32>
    %jit3A_32 = arith.constant 64 : i32
    %broadcast_in_dim3A_33 = vector.broadcast %jit3A_32 : i32 to vector<2048x64xi32>
    %select_n3A_34 = arith.select %eq3A_31, %iota3A, %broadcast_in_dim3A_33 : vector<2048x64xi1>, vector<2048x64xi32>
    %reduce_min3A_35 = arith.constant dense<2147483647> : vector<2048xi32>
    %reduce_min3A_36 = vector.multi_reduction <minsi>, %select_n3A_34, %reduce_min3A_35 [1] : vector<2048x64xi32> to vector<2048xi32>
    %broadcast_in_dim3A_37 = vector.shape_cast %reduce_min3A_36 : vector<2048xi32> to vector<2048x1xi32>
    %eq3A_38 = vector.broadcast %broadcast_in_dim3A_21 : vector<2048x1xi32> to vector<2048x64xi32>
    %eq3A_39 = arith.cmpi eq, %iota3A, %eq3A_38 : vector<2048x64xi32>
    %convert_element_type3A = arith.extui %eq3A_39 : vector<2048x64xi1> to vector<2048x64xi32>
    %convert_element_type3A_40 = arith.sitofp %convert_element_type3A : vector<2048x64xi32> to vector<2048x64xf32>
    %eq3A_41 = vector.broadcast %broadcast_in_dim3A_37 : vector<2048x1xi32> to vector<2048x64xi32>
    %eq3A_42 = arith.cmpi eq, %iota3A, %eq3A_41 : vector<2048x64xi32>
    %convert_element_type3A_43 = arith.extui %eq3A_42 : vector<2048x64xi1> to vector<2048x64xi32>
    %convert_element_type3A_44 = arith.sitofp %convert_element_type3A_43 : vector<2048x64xi32> to vector<2048x64xf32>
    %add3A_45 = arith.addf %convert_element_type3A_40, %convert_element_type3A_44 : vector<2048x64xf32>
    %iota3A_46 = tpu.iota {dimensions = array<i32: 0>} : vector<128x128xi32>
    %iota3A_47 = tpu.iota {dimensions = array<i32: 1>} : vector<128x128xi32>
    %ge3A = arith.cmpi sge, %iota3A_46, %iota3A_47 : vector<128x128xi32>
    %convert_element_type3A_48 = arith.extui %ge3A : vector<128x128xi1> to vector<128x128xi32>
    %convert_element_type3A_49 = arith.sitofp %convert_element_type3A_48 : vector<128x128xi32> to vector<128x128xf32>
    %broadcast_in_dim3A_50 = arith.constant 0.000000e+00 : f32
    %broadcast_in_dim3A_51 = vector.broadcast %broadcast_in_dim3A_50 : f32 to vector<1x64xf32>
    %slice3A = vector.extract_strided_slice %add3A_45 {offsets = [0, 0], sizes = [128, 64], strides = [1, 1]} : vector<2048x64xf32> to vector<128x64xf32>
    %dot_general3A_52 = arith.constant dense<0.000000e+00> : vector<128x64xf32>
    %dot_general3A_53 = tpu.matmul %convert_element_type3A_49, %slice3A, %dot_general3A_52 {dimension_numbers = #tpu.dot_dimension_numbers<[1], [0], [0], [1], [0, 0, 1, 1], [], []>, transpose_lhs_hint = false} : vector<128x128xf32>, vector<128x64xf32>, vector<128x64xf32> -> vector<128x64xf32>
    %add3A_54 = vector.broadcast %broadcast_in_dim3A_51 : vector<1x64xf32> to vector<128x64xf32>
    %add3A_55 = arith.addf %dot_general3A_53, %add3A_54 : vector<128x64xf32>
    %slice3A_56 = vector.extract_strided_slice %dot_general3A_53 {offsets = [127, 0], sizes = [1, 64], strides = [1, 1]} : vector<128x64xf32> to vector<1x64xf32>
    %add3A_57 = arith.addf %broadcast_in_dim3A_51, %slice3A_56 : vector<1x64xf32>
    %slice3A_58 = vector.extract_strided_slice %add3A_45 {offsets = [128, 0], sizes = [128, 64], strides = [1, 1]} : vector<2048x64xf32> to vector<128x64xf32>
    %dot_general3A_59 = arith.constant dense<0.000000e+00> : vector<128x64xf32>
    %dot_general3A_60 = tpu.matmul %convert_element_type3A_49, %slice3A_58, %dot_general3A_59 {dimension_numbers = #tpu.dot_dimension_numbers<[1], [0], [0], [1], [0, 0, 1, 1], [], []>, transpose_lhs_hint = false} : vector<128x128xf32>, vector<128x64xf32>, vector<128x64xf32> -> vector<128x64xf32>
    %add3A_61 = vector.broadcast %add3A_57 : vector<1x64xf32> to vector<128x64xf32>
    %add3A_62 = arith.addf %dot_general3A_60, %add3A_61 : vector<128x64xf32>
    %slice3A_63 = vector.extract_strided_slice %dot_general3A_60 {offsets = [127, 0], sizes = [1, 64], strides = [1, 1]} : vector<128x64xf32> to vector<1x64xf32>
    %add3A_64 = arith.addf %add3A_57, %slice3A_63 : vector<1x64xf32>
    %slice3A_65 = vector.extract_strided_slice %add3A_45 {offsets = [256, 0], sizes = [128, 64], strides = [1, 1]} : vector<2048x64xf32> to vector<128x64xf32>
    %dot_general3A_66 = arith.constant dense<0.000000e+00> : vector<128x64xf32>
    %dot_general3A_67 = tpu.matmul %convert_element_type3A_49, %slice3A_65, %dot_general3A_66 {dimension_numbers = #tpu.dot_dimension_numbers<[1], [0], [0], [1], [0, 0, 1, 1], [], []>, transpose_lhs_hint = false} : vector<128x128xf32>, vector<128x64xf32>, vector<128x64xf32> -> vector<128x64xf32>
    %add3A_68 = vector.broadcast %add3A_64 : vector<1x64xf32> to vector<128x64xf32>
    %add3A_69 = arith.addf %dot_general3A_67, %add3A_68 : vector<128x64xf32>
    %slice3A_70 = vector.extract_strided_slice %dot_general3A_67 {offsets = [127, 0], sizes = [1, 64], strides = [1, 1]} : vector<128x64xf32> to vector<1x64xf32>
    %add3A_71 = arith.addf %add3A_64, %slice3A_70 : vector<1x64xf32>
    %slice3A_72 = vector.extract_strided_slice %add3A_45 {offsets = [384, 0], sizes = [128, 64], strides = [1, 1]} : vector<2048x64xf32> to vector<128x64xf32>
    %dot_general3A_73 = arith.constant dense<0.000000e+00> : vector<128x64xf32>
    %dot_general3A_74 = tpu.matmul %convert_element_type3A_49, %slice3A_72, %dot_general3A_73 {dimension_numbers = #tpu.dot_dimension_numbers<[1], [0], [0], [1], [0, 0, 1, 1], [], []>, transpose_lhs_hint = false} : vector<128x128xf32>, vector<128x64xf32>, vector<128x64xf32> -> vector<128x64xf32>
    %add3A_75 = vector.broadcast %add3A_71 : vector<1x64xf32> to vector<128x64xf32>
    %add3A_76 = arith.addf %dot_general3A_74, %add3A_75 : vector<128x64xf32>
    %slice3A_77 = vector.extract_strided_slice %dot_general3A_74 {offsets = [127, 0], sizes = [1, 64], strides = [1, 1]} : vector<128x64xf32> to vector<1x64xf32>
    %add3A_78 = arith.addf %add3A_71, %slice3A_77 : vector<1x64xf32>
    %slice3A_79 = vector.extract_strided_slice %add3A_45 {offsets = [512, 0], sizes = [128, 64], strides = [1, 1]} : vector<2048x64xf32> to vector<128x64xf32>
    %dot_general3A_80 = arith.constant dense<0.000000e+00> : vector<128x64xf32>
    %dot_general3A_81 = tpu.matmul %convert_element_type3A_49, %slice3A_79, %dot_general3A_80 {dimension_numbers = #tpu.dot_dimension_numbers<[1], [0], [0], [1], [0, 0, 1, 1], [], []>, transpose_lhs_hint = false} : vector<128x128xf32>, vector<128x64xf32>, vector<128x64xf32> -> vector<128x64xf32>
    %add3A_82 = vector.broadcast %add3A_78 : vector<1x64xf32> to vector<128x64xf32>
    %add3A_83 = arith.addf %dot_general3A_81, %add3A_82 : vector<128x64xf32>
    %slice3A_84 = vector.extract_strided_slice %dot_general3A_81 {offsets = [127, 0], sizes = [1, 64], strides = [1, 1]} : vector<128x64xf32> to vector<1x64xf32>
    %add3A_85 = arith.addf %add3A_78, %slice3A_84 : vector<1x64xf32>
    %slice3A_86 = vector.extract_strided_slice %add3A_45 {offsets = [640, 0], sizes = [128, 64], strides = [1, 1]} : vector<2048x64xf32> to vector<128x64xf32>
    %dot_general3A_87 = arith.constant dense<0.000000e+00> : vector<128x64xf32>
    %dot_general3A_88 = tpu.matmul %convert_element_type3A_49, %slice3A_86, %dot_general3A_87 {dimension_numbers = #tpu.dot_dimension_numbers<[1], [0], [0], [1], [0, 0, 1, 1], [], []>, transpose_lhs_hint = false} : vector<128x128xf32>, vector<128x64xf32>, vector<128x64xf32> -> vector<128x64xf32>
    %add3A_89 = vector.broadcast %add3A_85 : vector<1x64xf32> to vector<128x64xf32>
    %add3A_90 = arith.addf %dot_general3A_88, %add3A_89 : vector<128x64xf32>
    %slice3A_91 = vector.extract_strided_slice %dot_general3A_88 {offsets = [127, 0], sizes = [1, 64], strides = [1, 1]} : vector<128x64xf32> to vector<1x64xf32>
    %add3A_92 = arith.addf %add3A_85, %slice3A_91 : vector<1x64xf32>
    %slice3A_93 = vector.extract_strided_slice %add3A_45 {offsets = [768, 0], sizes = [128, 64], strides = [1, 1]} : vector<2048x64xf32> to vector<128x64xf32>
    %dot_general3A_94 = arith.constant dense<0.000000e+00> : vector<128x64xf32>
    %dot_general3A_95 = tpu.matmul %convert_element_type3A_49, %slice3A_93, %dot_general3A_94 {dimension_numbers = #tpu.dot_dimension_numbers<[1], [0], [0], [1], [0, 0, 1, 1], [], []>, transpose_lhs_hint = false} : vector<128x128xf32>, vector<128x64xf32>, vector<128x64xf32> -> vector<128x64xf32>
    %add3A_96 = vector.broadcast %add3A_92 : vector<1x64xf32> to vector<128x64xf32>
    %add3A_97 = arith.addf %dot_general3A_95, %add3A_96 : vector<128x64xf32>
    %slice3A_98 = vector.extract_strided_slice %dot_general3A_95 {offsets = [127, 0], sizes = [1, 64], strides = [1, 1]} : vector<128x64xf32> to vector<1x64xf32>
    %add3A_99 = arith.addf %add3A_92, %slice3A_98 : vector<1x64xf32>
    %slice3A_100 = vector.extract_strided_slice %add3A_45 {offsets = [896, 0], sizes = [128, 64], strides = [1, 1]} : vector<2048x64xf32> to vector<128x64xf32>
    %dot_general3A_101 = arith.constant dense<0.000000e+00> : vector<128x64xf32>
    %dot_general3A_102 = tpu.matmul %convert_element_type3A_49, %slice3A_100, %dot_general3A_101 {dimension_numbers = #tpu.dot_dimension_numbers<[1], [0], [0], [1], [0, 0, 1, 1], [], []>, transpose_lhs_hint = false} : vector<128x128xf32>, vector<128x64xf32>, vector<128x64xf32> -> vector<128x64xf32>
    %add3A_103 = vector.broadcast %add3A_99 : vector<1x64xf32> to vector<128x64xf32>
    %add3A_104 = arith.addf %dot_general3A_102, %add3A_103 : vector<128x64xf32>
    %slice3A_105 = vector.extract_strided_slice %dot_general3A_102 {offsets = [127, 0], sizes = [1, 64], strides = [1, 1]} : vector<128x64xf32> to vector<1x64xf32>
    %add3A_106 = arith.addf %add3A_99, %slice3A_105 : vector<1x64xf32>
    %slice3A_107 = vector.extract_strided_slice %add3A_45 {offsets = [1024, 0], sizes = [128, 64], strides = [1, 1]} : vector<2048x64xf32> to vector<128x64xf32>
    %dot_general3A_108 = arith.constant dense<0.000000e+00> : vector<128x64xf32>
    %dot_general3A_109 = tpu.matmul %convert_element_type3A_49, %slice3A_107, %dot_general3A_108 {dimension_numbers = #tpu.dot_dimension_numbers<[1], [0], [0], [1], [0, 0, 1, 1], [], []>, transpose_lhs_hint = false} : vector<128x128xf32>, vector<128x64xf32>, vector<128x64xf32> -> vector<128x64xf32>
    %add3A_110 = vector.broadcast %add3A_106 : vector<1x64xf32> to vector<128x64xf32>
    %add3A_111 = arith.addf %dot_general3A_109, %add3A_110 : vector<128x64xf32>
    %slice3A_112 = vector.extract_strided_slice %dot_general3A_109 {offsets = [127, 0], sizes = [1, 64], strides = [1, 1]} : vector<128x64xf32> to vector<1x64xf32>
    %add3A_113 = arith.addf %add3A_106, %slice3A_112 : vector<1x64xf32>
    %slice3A_114 = vector.extract_strided_slice %add3A_45 {offsets = [1152, 0], sizes = [128, 64], strides = [1, 1]} : vector<2048x64xf32> to vector<128x64xf32>
    %dot_general3A_115 = arith.constant dense<0.000000e+00> : vector<128x64xf32>
    %dot_general3A_116 = tpu.matmul %convert_element_type3A_49, %slice3A_114, %dot_general3A_115 {dimension_numbers = #tpu.dot_dimension_numbers<[1], [0], [0], [1], [0, 0, 1, 1], [], []>, transpose_lhs_hint = false} : vector<128x128xf32>, vector<128x64xf32>, vector<128x64xf32> -> vector<128x64xf32>
    %add3A_117 = vector.broadcast %add3A_113 : vector<1x64xf32> to vector<128x64xf32>
    %add3A_118 = arith.addf %dot_general3A_116, %add3A_117 : vector<128x64xf32>
    %slice3A_119 = vector.extract_strided_slice %dot_general3A_116 {offsets = [127, 0], sizes = [1, 64], strides = [1, 1]} : vector<128x64xf32> to vector<1x64xf32>
    %add3A_120 = arith.addf %add3A_113, %slice3A_119 : vector<1x64xf32>
    %slice3A_121 = vector.extract_strided_slice %add3A_45 {offsets = [1280, 0], sizes = [128, 64], strides = [1, 1]} : vector<2048x64xf32> to vector<128x64xf32>
    %dot_general3A_122 = arith.constant dense<0.000000e+00> : vector<128x64xf32>
    %dot_general3A_123 = tpu.matmul %convert_element_type3A_49, %slice3A_121, %dot_general3A_122 {dimension_numbers = #tpu.dot_dimension_numbers<[1], [0], [0], [1], [0, 0, 1, 1], [], []>, transpose_lhs_hint = false} : vector<128x128xf32>, vector<128x64xf32>, vector<128x64xf32> -> vector<128x64xf32>
    %add3A_124 = vector.broadcast %add3A_120 : vector<1x64xf32> to vector<128x64xf32>
    %add3A_125 = arith.addf %dot_general3A_123, %add3A_124 : vector<128x64xf32>
    %slice3A_126 = vector.extract_strided_slice %dot_general3A_123 {offsets = [127, 0], sizes = [1, 64], strides = [1, 1]} : vector<128x64xf32> to vector<1x64xf32>
    %add3A_127 = arith.addf %add3A_120, %slice3A_126 : vector<1x64xf32>
    %slice3A_128 = vector.extract_strided_slice %add3A_45 {offsets = [1408, 0], sizes = [128, 64], strides = [1, 1]} : vector<2048x64xf32> to vector<128x64xf32>
    %dot_general3A_129 = arith.constant dense<0.000000e+00> : vector<128x64xf32>
    %dot_general3A_130 = tpu.matmul %convert_element_type3A_49, %slice3A_128, %dot_general3A_129 {dimension_numbers = #tpu.dot_dimension_numbers<[1], [0], [0], [1], [0, 0, 1, 1], [], []>, transpose_lhs_hint = false} : vector<128x128xf32>, vector<128x64xf32>, vector<128x64xf32> -> vector<128x64xf32>
    %add3A_131 = vector.broadcast %add3A_127 : vector<1x64xf32> to vector<128x64xf32>
    %add3A_132 = arith.addf %dot_general3A_130, %add3A_131 : vector<128x64xf32>
    %slice3A_133 = vector.extract_strided_slice %dot_general3A_130 {offsets = [127, 0], sizes = [1, 64], strides = [1, 1]} : vector<128x64xf32> to vector<1x64xf32>
    %add3A_134 = arith.addf %add3A_127, %slice3A_133 : vector<1x64xf32>
    %slice3A_135 = vector.extract_strided_slice %add3A_45 {offsets = [1536, 0], sizes = [128, 64], strides = [1, 1]} : vector<2048x64xf32> to vector<128x64xf32>
    %dot_general3A_136 = arith.constant dense<0.000000e+00> : vector<128x64xf32>
    %dot_general3A_137 = tpu.matmul %convert_element_type3A_49, %slice3A_135, %dot_general3A_136 {dimension_numbers = #tpu.dot_dimension_numbers<[1], [0], [0], [1], [0, 0, 1, 1], [], []>, transpose_lhs_hint = false} : vector<128x128xf32>, vector<128x64xf32>, vector<128x64xf32> -> vector<128x64xf32>
    %add3A_138 = vector.broadcast %add3A_134 : vector<1x64xf32> to vector<128x64xf32>
    %add3A_139 = arith.addf %dot_general3A_137, %add3A_138 : vector<128x64xf32>
    %slice3A_140 = vector.extract_strided_slice %dot_general3A_137 {offsets = [127, 0], sizes = [1, 64], strides = [1, 1]} : vector<128x64xf32> to vector<1x64xf32>
    %add3A_141 = arith.addf %add3A_134, %slice3A_140 : vector<1x64xf32>
    %slice3A_142 = vector.extract_strided_slice %add3A_45 {offsets = [1664, 0], sizes = [128, 64], strides = [1, 1]} : vector<2048x64xf32> to vector<128x64xf32>
    %dot_general3A_143 = arith.constant dense<0.000000e+00> : vector<128x64xf32>
    %dot_general3A_144 = tpu.matmul %convert_element_type3A_49, %slice3A_142, %dot_general3A_143 {dimension_numbers = #tpu.dot_dimension_numbers<[1], [0], [0], [1], [0, 0, 1, 1], [], []>, transpose_lhs_hint = false} : vector<128x128xf32>, vector<128x64xf32>, vector<128x64xf32> -> vector<128x64xf32>
    %add3A_145 = vector.broadcast %add3A_141 : vector<1x64xf32> to vector<128x64xf32>
    %add3A_146 = arith.addf %dot_general3A_144, %add3A_145 : vector<128x64xf32>
    %slice3A_147 = vector.extract_strided_slice %dot_general3A_144 {offsets = [127, 0], sizes = [1, 64], strides = [1, 1]} : vector<128x64xf32> to vector<1x64xf32>
    %add3A_148 = arith.addf %add3A_141, %slice3A_147 : vector<1x64xf32>
    %slice3A_149 = vector.extract_strided_slice %add3A_45 {offsets = [1792, 0], sizes = [128, 64], strides = [1, 1]} : vector<2048x64xf32> to vector<128x64xf32>
    %dot_general3A_150 = arith.constant dense<0.000000e+00> : vector<128x64xf32>
    %dot_general3A_151 = tpu.matmul %convert_element_type3A_49, %slice3A_149, %dot_general3A_150 {dimension_numbers = #tpu.dot_dimension_numbers<[1], [0], [0], [1], [0, 0, 1, 1], [], []>, transpose_lhs_hint = false} : vector<128x128xf32>, vector<128x64xf32>, vector<128x64xf32> -> vector<128x64xf32>
    %add3A_152 = vector.broadcast %add3A_148 : vector<1x64xf32> to vector<128x64xf32>
    %add3A_153 = arith.addf %dot_general3A_151, %add3A_152 : vector<128x64xf32>
    %slice3A_154 = vector.extract_strided_slice %dot_general3A_151 {offsets = [127, 0], sizes = [1, 64], strides = [1, 1]} : vector<128x64xf32> to vector<1x64xf32>
    %add3A_155 = arith.addf %add3A_148, %slice3A_154 : vector<1x64xf32>
    %slice3A_156 = vector.extract_strided_slice %add3A_45 {offsets = [1920, 0], sizes = [128, 64], strides = [1, 1]} : vector<2048x64xf32> to vector<128x64xf32>
    %dot_general3A_157 = arith.constant dense<0.000000e+00> : vector<128x64xf32>
    %dot_general3A_158 = tpu.matmul %convert_element_type3A_49, %slice3A_156, %dot_general3A_157 {dimension_numbers = #tpu.dot_dimension_numbers<[1], [0], [0], [1], [0, 0, 1, 1], [], []>, transpose_lhs_hint = false} : vector<128x128xf32>, vector<128x64xf32>, vector<128x64xf32> -> vector<128x64xf32>
    %add3A_159 = vector.broadcast %add3A_155 : vector<1x64xf32> to vector<128x64xf32>
    %add3A_160 = arith.addf %dot_general3A_158, %add3A_159 : vector<128x64xf32>
    %slice3A_161 = vector.extract_strided_slice %dot_general3A_158 {offsets = [127, 0], sizes = [1, 64], strides = [1, 1]} : vector<128x64xf32> to vector<1x64xf32>
    %add3A_162 = arith.addf %add3A_155, %slice3A_161 : vector<1x64xf32>
    %concatenate3A = tpu.concatenate %add3A_55, %add3A_62, %add3A_69, %add3A_76, %add3A_83, %add3A_90, %add3A_97, %add3A_104, %add3A_111, %add3A_118, %add3A_125, %add3A_132, %add3A_139, %add3A_146, %add3A_153, %add3A_160 in 0 : vector<128x64xf32>, vector<128x64xf32>, vector<128x64xf32>, vector<128x64xf32>, vector<128x64xf32>, vector<128x64xf32>, vector<128x64xf32>, vector<128x64xf32>, vector<128x64xf32>, vector<128x64xf32>, vector<128x64xf32>, vector<128x64xf32>, vector<128x64xf32>, vector<128x64xf32>, vector<128x64xf32>, vector<128x64xf32> -> vector<2048x64xf32>
    %sub3A_163 = arith.subf %concatenate3A, %add3A_45 : vector<2048x64xf32>
    %mul3A = arith.mulf %sub3A_163, %convert_element_type3A_40 : vector<2048x64xf32>
    %reduce_sum3A_164 = arith.constant dense<0.000000e+00> : vector<2048xf32>
    %reduce_sum3A_165 = vector.multi_reduction <add>, %mul3A, %reduce_sum3A_164 [1] : vector<2048x64xf32> to vector<2048xf32>
    %broadcast_in_dim3A_166 = vector.shape_cast %reduce_sum3A_165 : vector<2048xf32> to vector<2048x1xf32>
    %mul3A_167 = arith.mulf %sub3A_163, %convert_element_type3A_44 : vector<2048x64xf32>
    %reduce_sum3A_168 = arith.constant dense<0.000000e+00> : vector<2048xf32>
    %reduce_sum3A_169 = vector.multi_reduction <add>, %mul3A_167, %reduce_sum3A_168 [1] : vector<2048x64xf32> to vector<2048xf32>
    %broadcast_in_dim3A_170 = vector.shape_cast %reduce_sum3A_169 : vector<2048xf32> to vector<2048x1xf32>
    %div3A_171 = arith.constant 1.280000e+02 : f32
    %div3A_172 = vector.broadcast %div3A_171 : f32 to vector<1x64xf32>
    %div3A_173 = arith.divf %add3A_162, %div3A_172 : vector<1x64xf32>
    %ceil3A = math.ceil %div3A_173 : vector<1x64xf32>
    %iota3A_174 = tpu.iota {dimensions = array<i32: 0>} : vector<64x64xi32>
    %iota3A_175 = tpu.iota {dimensions = array<i32: 1>} : vector<64x64xi32>
    %lt3A = arith.cmpi slt, %iota3A_174, %iota3A_175 : vector<64x64xi32>
    %convert_element_type3A_176 = arith.extui %lt3A : vector<64x64xi1> to vector<64x64xi32>
    %convert_element_type3A_177 = arith.sitofp %convert_element_type3A_176 : vector<64x64xi32> to vector<64x64xf32>
    %dot_general3A_178 = arith.constant dense<0.000000e+00> : vector<1x64xf32>
    %dot_general3A_179 = tpu.matmul %ceil3A, %convert_element_type3A_177, %dot_general3A_178 {dimension_numbers = #tpu.dot_dimension_numbers<[1], [0], [0], [1], [0, 0, 1, 1], [], []>, transpose_lhs_hint = false} : vector<1x64xf32>, vector<64x64xf32>, vector<1x64xf32> -> vector<1x64xf32>
    %mul3A_180 = arith.constant 1.280000e+02 : f32
    %mul3A_181 = vector.broadcast %mul3A_180 : f32 to vector<1x64xf32>
    %mul3A_182 = arith.mulf %dot_general3A_179, %mul3A_181 : vector<1x64xf32>
    %mul3A_183 = vector.broadcast %mul3A_182 : vector<1x64xf32> to vector<2048x64xf32>
    %mul3A_184 = arith.mulf %mul3A_183, %convert_element_type3A_40 : vector<2048x64xf32>
    %reduce_sum3A_185 = arith.constant dense<0.000000e+00> : vector<2048xf32>
    %reduce_sum3A_186 = vector.multi_reduction <add>, %mul3A_184, %reduce_sum3A_185 [1] : vector<2048x64xf32> to vector<2048xf32>
    %broadcast_in_dim3A_187 = vector.shape_cast %reduce_sum3A_186 : vector<2048xf32> to vector<2048x1xf32>
    %add3A_188 = arith.addf %broadcast_in_dim3A_187, %broadcast_in_dim3A_166 : vector<2048x1xf32>
    %mul3A_189 = vector.broadcast %mul3A_182 : vector<1x64xf32> to vector<2048x64xf32>
    %mul3A_190 = arith.mulf %mul3A_189, %convert_element_type3A_44 : vector<2048x64xf32>
    %reduce_sum3A_191 = arith.constant dense<0.000000e+00> : vector<2048xf32>
    %reduce_sum3A_192 = vector.multi_reduction <add>, %mul3A_190, %reduce_sum3A_191 [1] : vector<2048x64xf32> to vector<2048xf32>
    %broadcast_in_dim3A_193 = vector.shape_cast %reduce_sum3A_192 : vector<2048xf32> to vector<2048x1xf32>
    %add3A_194 = arith.addf %broadcast_in_dim3A_193, %broadcast_in_dim3A_170 : vector<2048x1xf32>
    %concatenate3A_195 = tpu.concatenate %broadcast_in_dim3A_17, %broadcast_in_dim3A_29 in 1 : vector<2048x1xf32>, vector<2048x1xf32> -> vector<2048x2xf32>
    %swap3A = arith.constant 0 : index
    %swap3A_196 = arith.constant 0 : index
    %swap3A_197 = vector.load %arg3[%swap3A, %swap3A_196] : memref<2048x2xf32, #tpu.memory_space<vmem>>, vector<2048x2xf32>
    tpu.vector_store %arg3[%swap3A, %swap3A_196], %concatenate3A_195 {strides = array<i32>} : memref<2048x2xf32, #tpu.memory_space<vmem>>, vector<2048x2xf32>,
    %concatenate3A_198 = tpu.concatenate %add3A_188, %add3A_194 in 1 : vector<2048x1xf32>, vector<2048x1xf32> -> vector<2048x2xf32>
    %convert_element_type3A_199 = arith.fptosi %concatenate3A_198 : vector<2048x2xf32> to vector<2048x2xi32>
    %swap3A_200 = arith.constant 0 : index
    %swap3A_201 = arith.constant 0 : index
    %swap3A_202 = vector.load %arg4[%swap3A_200, %swap3A_201] : memref<2048x2xi32, #tpu.memory_space<vmem>>, vector<2048x2xi32>
    tpu.vector_store %arg4[%swap3A_200, %swap3A_201], %convert_element_type3A_199 {strides = array<i32>} : memref<2048x2xi32, #tpu.memory_space<vmem>>, vector<2048x2xi32>,
    %iota3A_203 = tpu.iota {dimensions = array<i32: 0>} : vector<96x64xi32>
    %convert_element_type3A_204 = arith.sitofp %iota3A_203 : vector<96x64xi32> to vector<96x64xf32>
    %ge3A_205 = arith.constant 0.000000e+00 : f32
    %ge3A_206 = vector.broadcast %ge3A_205 : f32 to vector<1x64xf32>
    %ge3A_207 = arith.cmpf oge, %dot_general3A_179, %ge3A_206 : vector<1x64xf32>
    %le3A = vector.broadcast %dot_general3A_179 : vector<1x64xf32> to vector<96x64xf32>
    %le3A_208 = arith.cmpf ole, %le3A, %convert_element_type3A_204 : vector<96x64xf32>
    %and3A = vector.broadcast %ge3A_207 : vector<1x64xi1> to vector<96x64xi1>
    %and3A_209 = arith.andi %and3A, %le3A_208 : vector<96x64xi1>
    %convert_element_type3A_210 = arith.extui %and3A_209 : vector<96x64xi1> to vector<96x64xi32>
    %reduce_sum3A_211 = arith.constant dense<0> : vector<96xi32>
    %reduce_sum3A_212 = vector.multi_reduction <add>, %convert_element_type3A_210, %reduce_sum3A_211 [1] : vector<96x64xi32> to vector<96xi32>
    %sub3A_213 = arith.constant 1 : i32
    %sub3A_214 = vector.broadcast %sub3A_213 : i32 to vector<96xi32>
    %sub3A_215 = arith.subi %reduce_sum3A_212, %sub3A_214 : vector<96xi32>
    %swap3A_216 = arith.constant 0 : index
    %swap3A_217 = vector.load %arg5[%swap3A_216] : memref<96xi32, #tpu.memory_space<vmem>>, vector<96xi32>
    tpu.vector_store %arg5[%swap3A_216], %sub3A_215 {strides = array<i32>} : memref<96xi32, #tpu.memory_space<vmem>>, vector<96xi32>,
    %reduce_sum3A_218 = arith.constant dense<0.000000e+00> : vector<1xf32>
    %reduce_sum3A_219 = vector.multi_reduction <add>, %ceil3A, %reduce_sum3A_218 [1] : vector<1x64xf32> to vector<1xf32>
    %convert_element_type3A_220 = arith.fptosi %reduce_sum3A_219 : vector<1xf32> to vector<1xi32>
    %swap3A_221 = arith.constant 0 : index
    %swap3A_222 = vector.load %arg6[%swap3A_221] : memref<1xi32, #tpu.memory_space<vmem>>, vector<1xi32>
    tpu.vector_store %arg6[%swap3A_221], %convert_element_type3A_220 {strides = array<i32>} : memref<1xi32, #tpu.memory_space<vmem>>, vector<1xi32>,
    return
  }
}

module attributes {stable_mosaic.version = 14 : i64} {
  func.func @_shared_body(%arg0: i32, %arg1: memref<512x1024xf32, #tpu.memory_space<vmem>>, %arg2: memref<1024x1024xbf16, #tpu.memory_space<vmem>>, %arg3: memref<1x1024xf32, #tpu.memory_space<vmem>>, %arg4: memref<1024x1024xbf16, #tpu.memory_space<vmem>>, %arg5: memref<1x1024xf32, #tpu.memory_space<vmem>>, %arg6: memref<1024x1024xbf16, #tpu.memory_space<vmem>>, %arg7: memref<1x1024xf32, #tpu.memory_space<vmem>>, %arg8: memref<512x1024xf32, #tpu.memory_space<vmem>>) attributes {dimension_semantics = [#tpu.dimension_semantics<arbitrary>], iteration_bounds = array<i64: 4>, scalar_prefetch = 0 : i64, scratch_operands = 0 : i64, tpu.core_type = #tpu.core_type<tc>, window_params = [{transform_indices = @transform_0, window_bounds = array<i64: 512, 1024>}, {pipeline_mode = #tpu.pipeline_mode<synchronous>, transform_indices = @transform_1, window_bounds = array<i64: 1024, 1024>}, {pipeline_mode = #tpu.pipeline_mode<synchronous>, transform_indices = @transform_2, window_bounds = array<i64: 1, 1024>}, {pipeline_mode = #tpu.pipeline_mode<synchronous>, transform_indices = @transform_3, window_bounds = array<i64: 1024, 1024>}, {pipeline_mode = #tpu.pipeline_mode<synchronous>, transform_indices = @transform_4, window_bounds = array<i64: 1, 1024>}, {pipeline_mode = #tpu.pipeline_mode<synchronous>, transform_indices = @transform_5, window_bounds = array<i64: 1024, 1024>}, {pipeline_mode = #tpu.pipeline_mode<synchronous>, transform_indices = @transform_6, window_bounds = array<i64: 1, 1024>}, {transform_indices = @transform_7, window_bounds = array<i64: 512, 1024>}]} {
    %get3A = arith.constant 0 : index
    %get3A_0 = arith.constant 0 : index
    %get3A_1 = vector.load %arg1[%get3A, %get3A_0] : memref<512x1024xf32, #tpu.memory_space<vmem>>, vector<512x1024xf32>
    %convert_element_type3A = arith.truncf %get3A_1 : vector<512x1024xf32> to vector<512x1024xbf16>
    %get3A_2 = arith.constant 0 : index
    %get3A_3 = arith.constant 0 : index
    %get3A_4 = vector.load %arg2[%get3A_2, %get3A_3] : memref<1024x1024xbf16, #tpu.memory_space<vmem>>, vector<1024x1024xbf16>
    %dot_general3A = arith.constant dense<0.000000e+00> : vector<512x1024xf32>
    %dot_general3A_5 = tpu.matmul %convert_element_type3A, %get3A_4, %dot_general3A {dimension_numbers = #tpu.dot_dimension_numbers<[1], [1], [0], [0], [0, 0, 1, 0], [], []>, transpose_lhs_hint = false} : vector<512x1024xbf16>, vector<1024x1024xbf16>, vector<512x1024xf32> -> vector<512x1024xf32>
    %get3A_6 = arith.constant 0 : index
    %get3A_7 = arith.constant 0 : index
    %get3A_8 = vector.load %arg3[%get3A_6, %get3A_7] : memref<1x1024xf32, #tpu.memory_space<vmem>>, vector<1x1024xf32>
    %add3A = vector.broadcast %get3A_8 : vector<1x1024xf32> to vector<512x1024xf32>
    %add3A_9 = arith.addf %dot_general3A_5, %add3A : vector<512x1024xf32>
    %get3A_10 = arith.constant 0 : index
    %get3A_11 = arith.constant 0 : index
    %get3A_12 = vector.load %arg4[%get3A_10, %get3A_11] : memref<1024x1024xbf16, #tpu.memory_space<vmem>>, vector<1024x1024xbf16>
    %dot_general3A_13 = arith.constant dense<0.000000e+00> : vector<512x1024xf32>
    %dot_general3A_14 = tpu.matmul %convert_element_type3A, %get3A_12, %dot_general3A_13 {dimension_numbers = #tpu.dot_dimension_numbers<[1], [1], [0], [0], [0, 0, 1, 0], [], []>, transpose_lhs_hint = false} : vector<512x1024xbf16>, vector<1024x1024xbf16>, vector<512x1024xf32> -> vector<512x1024xf32>
    %get3A_15 = arith.constant 0 : index
    %get3A_16 = arith.constant 0 : index
    %get3A_17 = vector.load %arg5[%get3A_15, %get3A_16] : memref<1x1024xf32, #tpu.memory_space<vmem>>, vector<1x1024xf32>
    %add3A_18 = vector.broadcast %get3A_17 : vector<1x1024xf32> to vector<512x1024xf32>
    %add3A_19 = arith.addf %dot_general3A_14, %add3A_18 : vector<512x1024xf32>
    %logistic3A = arith.negf %add3A_9 : vector<512x1024xf32>
    %logistic3A_20 = math.exp %logistic3A : vector<512x1024xf32>
    %logistic3A_21 = arith.constant 1.000000e+00 : f32
    %logistic3A_22 = vector.broadcast %logistic3A_21 : f32 to vector<512x1024xf32>
    %logistic3A_23 = arith.addf %logistic3A_22, %logistic3A_20 : vector<512x1024xf32>
    %logistic3A_24 = arith.divf %logistic3A_22, %logistic3A_23 : vector<512x1024xf32>
    %mul3A = arith.mulf %add3A_9, %logistic3A_24 : vector<512x1024xf32>
    %mul3A_25 = arith.mulf %mul3A, %add3A_19 : vector<512x1024xf32>
    %convert_element_type3A_26 = arith.truncf %mul3A_25 : vector<512x1024xf32> to vector<512x1024xbf16>
    %get3A_27 = arith.constant 0 : index
    %get3A_28 = arith.constant 0 : index
    %get3A_29 = vector.load %arg6[%get3A_27, %get3A_28] : memref<1024x1024xbf16, #tpu.memory_space<vmem>>, vector<1024x1024xbf16>
    %dot_general3A_30 = arith.constant dense<0.000000e+00> : vector<512x1024xf32>
    %dot_general3A_31 = tpu.matmul %convert_element_type3A_26, %get3A_29, %dot_general3A_30 {dimension_numbers = #tpu.dot_dimension_numbers<[1], [1], [0], [0], [0, 0, 1, 0], [], []>, transpose_lhs_hint = false} : vector<512x1024xbf16>, vector<1024x1024xbf16>, vector<512x1024xf32> -> vector<512x1024xf32>
    %get3A_32 = arith.constant 0 : index
    %get3A_33 = arith.constant 0 : index
    %get3A_34 = vector.load %arg7[%get3A_32, %get3A_33] : memref<1x1024xf32, #tpu.memory_space<vmem>>, vector<1x1024xf32>
    %add3A_35 = vector.broadcast %get3A_34 : vector<1x1024xf32> to vector<512x1024xf32>
    %add3A_36 = arith.addf %dot_general3A_31, %add3A_35 : vector<512x1024xf32>
    %swap3A = arith.constant 0 : index
    %swap3A_37 = arith.constant 0 : index
    %swap3A_38 = vector.load %arg8[%swap3A, %swap3A_37] : memref<512x1024xf32, #tpu.memory_space<vmem>>, vector<512x1024xf32>
    tpu.vector_store %arg8[%swap3A, %swap3A_37], %add3A_36 {strides = array<i32>} : memref<512x1024xf32, #tpu.memory_space<vmem>>, vector<512x1024xf32>,
    return
  }
  func.func @transform_0(%arg0: i32) -> (i32, i32) {
    %c0_i32 = arith.constant 0 : i32
    %c0_i32_0 = arith.constant 0 : i32
    return %arg0, %c0_i32 : i32, i32
  }
  func.func @transform_1(%arg0: i32) -> (i32, i32) {
    %c0_i32 = arith.constant 0 : i32
    %c0_i32_0 = arith.constant 0 : i32
    %c0_i32_1 = arith.constant 0 : i32
    return %c0_i32, %c0_i32_0 : i32, i32
  }
  func.func @transform_2(%arg0: i32) -> (i32, i32) {
    %c0_i32 = arith.constant 0 : i32
    %c0_i32_0 = arith.constant 0 : i32
    %c0_i32_1 = arith.constant 0 : i32
    return %c0_i32, %c0_i32_0 : i32, i32
  }
  func.func @transform_3(%arg0: i32) -> (i32, i32) {
    %c0_i32 = arith.constant 0 : i32
    %c0_i32_0 = arith.constant 0 : i32
    %c0_i32_1 = arith.constant 0 : i32
    return %c0_i32, %c0_i32_0 : i32, i32
  }
  func.func @transform_4(%arg0: i32) -> (i32, i32) {
    %c0_i32 = arith.constant 0 : i32
    %c0_i32_0 = arith.constant 0 : i32
    %c0_i32_1 = arith.constant 0 : i32
    return %c0_i32, %c0_i32_0 : i32, i32
  }
  func.func @transform_5(%arg0: i32) -> (i32, i32) {
    %c0_i32 = arith.constant 0 : i32
    %c0_i32_0 = arith.constant 0 : i32
    %c0_i32_1 = arith.constant 0 : i32
    return %c0_i32, %c0_i32_0 : i32, i32
  }
  func.func @transform_6(%arg0: i32) -> (i32, i32) {
    %c0_i32 = arith.constant 0 : i32
    %c0_i32_0 = arith.constant 0 : i32
    %c0_i32_1 = arith.constant 0 : i32
    return %c0_i32, %c0_i32_0 : i32, i32
  }
  func.func @transform_7(%arg0: i32) -> (i32, i32) {
    %c0_i32 = arith.constant 0 : i32
    %c0_i32_0 = arith.constant 0 : i32
    return %arg0, %c0_i32 : i32, i32
  }
}

module attributes {stable_mosaic.version = 14 : i64} {
  func.func @_expert_body(%arg0: i32, %arg1: memref<96xi32, #tpu.memory_space<smem>>, %arg2: memref<1xi32, #tpu.memory_space<smem>>, %arg3: memref<128x1024xf32, #tpu.memory_space<vmem>>, %arg4: memref<1x512x1024xf32, #tpu.memory_space<vmem>>, %arg5: memref<1x1x512xf32, #tpu.memory_space<vmem>>, %arg6: memref<1x512x1024xf32, #tpu.memory_space<vmem>>, %arg7: memref<1x1x512xf32, #tpu.memory_space<vmem>>, %arg8: memref<1x1024x512xf32, #tpu.memory_space<vmem>>, %arg9: memref<1x1x1024xf32, #tpu.memory_space<vmem>>, %arg10: memref<1x1x128xf32, #tpu.memory_space<vmem>>, %arg11: memref<128x1024xf32, #tpu.memory_space<vmem>>) attributes {dimension_semantics = [#tpu.dimension_semantics<arbitrary>], iteration_bounds = array<i64: 96>, scalar_prefetch = 2 : i64, scratch_operands = 0 : i64, tpu.core_type = #tpu.core_type<tc>, window_params = [{transform_indices = @transform_0, window_bounds = array<i64: 128, 1024>}, {transform_indices = @transform_1, window_bounds = array<i64: 1, 512, 1024>}, {transform_indices = @transform_2, window_bounds = array<i64: 1, 1, 512>}, {transform_indices = @transform_3, window_bounds = array<i64: 1, 512, 1024>}, {transform_indices = @transform_4, window_bounds = array<i64: 1, 1, 512>}, {transform_indices = @transform_5, window_bounds = array<i64: 1, 1024, 512>}, {transform_indices = @transform_6, window_bounds = array<i64: 1, 1, 1024>}, {transform_indices = @transform_7, window_bounds = array<i64: 1, 1, 128>}, {transform_indices = @transform_8, window_bounds = array<i64: 128, 1024>}]} {
    %get3A = arith.constant 0 : index
    %get3A_0 = memref.load %arg2[%get3A] : memref<1xi32, #tpu.memory_space<smem>>
    %lt3A = arith.cmpi slt, %arg0, %get3A_0 : i32
    %convert_element_type3A = arith.extui %lt3A : i1 to i32
    %cond3A = arith.constant 0 : i32
    %cond3A_1 = arith.cmpi ne, %convert_element_type3A, %cond3A : i32
    scf.if %cond3A_1 {
      %get3A_7 = arith.constant 0 : index
      %get3A_8 = arith.constant 0 : index
      %get3A_9 = vector.load %arg3[%get3A_7, %get3A_8] : memref<128x1024xf32, #tpu.memory_space<vmem>>, vector<128x1024xf32>
      %convert_element_type3A_10 = arith.truncf %get3A_9 : vector<128x1024xf32> to vector<128x1024xbf16>
      %get3A_11 = arith.constant 0 : index
      %get3A_12 = arith.constant 0 : index
      %get3A_13 = arith.constant 0 : index
      %get3A_14 = vector.load %arg4[%get3A_11, %get3A_12, %get3A_13] : memref<1x512x1024xf32, #tpu.memory_space<vmem>>, vector<1x512x1024xf32>
      %get3A_15 = vector.shape_cast %get3A_14 : vector<1x512x1024xf32> to vector<512x1024xf32>
      %convert_element_type3A_16 = arith.truncf %get3A_15 : vector<512x1024xf32> to vector<512x1024xbf16>
      %dot_general3A = arith.constant dense<0.000000e+00> : vector<128x512xf32>
      %dot_general3A_17 = tpu.matmul %convert_element_type3A_10, %convert_element_type3A_16, %dot_general3A {dimension_numbers = #tpu.dot_dimension_numbers<[1], [1], [0], [0], [0, 0, 1, 0], [], []>, transpose_lhs_hint = false} : vector<128x1024xbf16>, vector<512x1024xbf16>, vector<128x512xf32> -> vector<128x512xf32>
      %get3A_18 = arith.constant 0 : index
      %get3A_19 = arith.constant 0 : index
      %get3A_20 = arith.constant 0 : index
      %get3A_21 = vector.load %arg5[%get3A_18, %get3A_19, %get3A_20] : memref<1x1x512xf32, #tpu.memory_space<vmem>>, vector<1x1x512xf32>
      %get3A_22 = vector.shape_cast %get3A_21 : vector<1x1x512xf32> to vector<1x512xf32>
      %add3A = vector.broadcast %get3A_22 : vector<1x512xf32> to vector<128x512xf32>
      %add3A_23 = arith.addf %dot_general3A_17, %add3A : vector<128x512xf32>
      %get3A_24 = arith.constant 0 : index
      %get3A_25 = arith.constant 0 : index
      %get3A_26 = arith.constant 0 : index
      %get3A_27 = vector.load %arg6[%get3A_24, %get3A_25, %get3A_26] : memref<1x512x1024xf32, #tpu.memory_space<vmem>>, vector<1x512x1024xf32>
      %get3A_28 = vector.shape_cast %get3A_27 : vector<1x512x1024xf32> to vector<512x1024xf32>
      %convert_element_type3A_29 = arith.truncf %get3A_28 : vector<512x1024xf32> to vector<512x1024xbf16>
      %dot_general3A_30 = arith.constant dense<0.000000e+00> : vector<128x512xf32>
      %dot_general3A_31 = tpu.matmul %convert_element_type3A_10, %convert_element_type3A_29, %dot_general3A_30 {dimension_numbers = #tpu.dot_dimension_numbers<[1], [1], [0], [0], [0, 0, 1, 0], [], []>, transpose_lhs_hint = false} : vector<128x1024xbf16>, vector<512x1024xbf16>, vector<128x512xf32> -> vector<128x512xf32>
      %get3A_32 = arith.constant 0 : index
      %get3A_33 = arith.constant 0 : index
      %get3A_34 = arith.constant 0 : index
      %get3A_35 = vector.load %arg7[%get3A_32, %get3A_33, %get3A_34] : memref<1x1x512xf32, #tpu.memory_space<vmem>>, vector<1x1x512xf32>
      %get3A_36 = vector.shape_cast %get3A_35 : vector<1x1x512xf32> to vector<1x512xf32>
      %add3A_37 = vector.broadcast %get3A_36 : vector<1x512xf32> to vector<128x512xf32>
      %add3A_38 = arith.addf %dot_general3A_31, %add3A_37 : vector<128x512xf32>
      %logistic3A = arith.negf %add3A_23 : vector<128x512xf32>
      %logistic3A_39 = math.exp %logistic3A : vector<128x512xf32>
      %logistic3A_40 = arith.constant 1.000000e+00 : f32
      %logistic3A_41 = vector.broadcast %logistic3A_40 : f32 to vector<128x512xf32>
      %logistic3A_42 = arith.addf %logistic3A_41, %logistic3A_39 : vector<128x512xf32>
      %logistic3A_43 = arith.divf %logistic3A_41, %logistic3A_42 : vector<128x512xf32>
      %mul3A = arith.mulf %add3A_23, %logistic3A_43 : vector<128x512xf32>
      %mul3A_44 = arith.mulf %mul3A, %add3A_38 : vector<128x512xf32>
      %convert_element_type3A_45 = arith.truncf %mul3A_44 : vector<128x512xf32> to vector<128x512xbf16>
      %get3A_46 = arith.constant 0 : index
      %get3A_47 = arith.constant 0 : index
      %get3A_48 = arith.constant 0 : index
      %get3A_49 = vector.load %arg8[%get3A_46, %get3A_47, %get3A_48] : memref<1x1024x512xf32, #tpu.memory_space<vmem>>, vector<1x1024x512xf32>
      %get3A_50 = vector.shape_cast %get3A_49 : vector<1x1024x512xf32> to vector<1024x512xf32>
      %convert_element_type3A_51 = arith.truncf %get3A_50 : vector<1024x512xf32> to vector<1024x512xbf16>
      %dot_general3A_52 = arith.constant dense<0.000000e+00> : vector<128x1024xf32>
      %dot_general3A_53 = tpu.matmul %convert_element_type3A_45, %convert_element_type3A_51, %dot_general3A_52 {dimension_numbers = #tpu.dot_dimension_numbers<[1], [1], [0], [0], [0, 0, 1, 0], [], []>, transpose_lhs_hint = false} : vector<128x512xbf16>, vector<1024x512xbf16>, vector<128x1024xf32> -> vector<128x1024xf32>
      %get3A_54 = arith.constant 0 : index
      %get3A_55 = arith.constant 0 : index
      %get3A_56 = arith.constant 0 : index
      %get3A_57 = vector.load %arg9[%get3A_54, %get3A_55, %get3A_56] : memref<1x1x1024xf32, #tpu.memory_space<vmem>>, vector<1x1x1024xf32>
      %get3A_58 = vector.shape_cast %get3A_57 : vector<1x1x1024xf32> to vector<1x1024xf32>
      %add3A_59 = vector.broadcast %get3A_58 : vector<1x1024xf32> to vector<128x1024xf32>
      %add3A_60 = arith.addf %dot_general3A_53, %add3A_59 : vector<128x1024xf32>
      %get3A_61 = arith.constant 0 : index
      %get3A_62 = arith.constant 0 : index
      %get3A_63 = arith.constant 0 : index
      %get3A_64 = vector.load %arg10[%get3A_61, %get3A_62, %get3A_63] : memref<1x1x128xf32, #tpu.memory_space<vmem>>, vector<1x1x128xf32>
      %get3A_65 = vector.shape_cast %get3A_64 : vector<1x1x128xf32> to vector<1x128xf32>
      %transpose3A = tpu.transpose %get3A_65, [1, 0] : vector<1x128xf32> -> vector<128x1xf32>
      %mul3A_66 = vector.broadcast %transpose3A : vector<128x1xf32> to vector<128x1024xf32>
      %mul3A_67 = arith.mulf %add3A_60, %mul3A_66 : vector<128x1024xf32>
      %swap3A = arith.constant 0 : index
      %swap3A_68 = arith.constant 0 : index
      %swap3A_69 = vector.load %arg11[%swap3A, %swap3A_68] : memref<128x1024xf32, #tpu.memory_space<vmem>>, vector<128x1024xf32>
      tpu.vector_store %arg11[%swap3A, %swap3A_68], %mul3A_67 {strides = array<i32>} : memref<128x1024xf32, #tpu.memory_space<vmem>>, vector<128x1024xf32>,
    } else {
    }
    %get3A_2 = arith.constant 0 : index
    %get3A_3 = memref.load %arg2[%get3A_2] : memref<1xi32, #tpu.memory_space<smem>>
    %ge3A = arith.cmpi sge, %arg0, %get3A_3 : i32
    %convert_element_type3A_4 = arith.extui %ge3A : i1 to i32
    %cond3A_5 = arith.constant 0 : i32
    %cond3A_6 = arith.cmpi ne, %convert_element_type3A_4, %cond3A_5 : i32
    scf.if %cond3A_6 {
      %broadcast_in_dim3A = arith.constant 0.000000e+00 : f32
      %broadcast_in_dim3A_7 = vector.broadcast %broadcast_in_dim3A : f32 to vector<128x1024xf32>
      %swap3A = arith.constant 0 : index
      %swap3A_8 = arith.constant 0 : index
      %swap3A_9 = vector.load %arg11[%swap3A, %swap3A_8] : memref<128x1024xf32, #tpu.memory_space<vmem>>, vector<128x1024xf32>
      tpu.vector_store %arg11[%swap3A, %swap3A_8], %broadcast_in_dim3A_7 {strides = array<i32>} : memref<128x1024xf32, #tpu.memory_space<vmem>>, vector<128x1024xf32>,
    } else {
    }
    return
  }
  func.func @transform_0(%arg0: i32, %arg1: memref<96xi32, #tpu.memory_space<smem>>, %arg2: memref<1xi32, #tpu.memory_space<smem>>) -> (i32, i32) {
    %get3A = arith.constant 0 : index
    %get3A_0 = memref.load %arg2[%get3A] : memref<1xi32, #tpu.memory_space<smem>>
    %min3A = arith.minsi %arg0, %get3A_0 : i32
    %c0_i32 = arith.constant 0 : i32
    %c0_i32_1 = arith.constant 0 : i32
    return %min3A, %c0_i32 : i32, i32
  }
  func.func @transform_1(%arg0: i32, %arg1: memref<96xi32, #tpu.memory_space<smem>>, %arg2: memref<1xi32, #tpu.memory_space<smem>>) -> (i32, i32, i32) {
    %get3A = arith.index_cast %arg0 : i32 to index
    %get3A_0 = memref.load %arg1[%get3A] : memref<96xi32, #tpu.memory_space<smem>>
    %c0_i32 = arith.constant 0 : i32
    %c0_i32_1 = arith.constant 0 : i32
    %c0_i32_2 = arith.constant 0 : i32
    return %get3A_0, %c0_i32, %c0_i32_1 : i32, i32, i32
  }
  func.func @transform_2(%arg0: i32, %arg1: memref<96xi32, #tpu.memory_space<smem>>, %arg2: memref<1xi32, #tpu.memory_space<smem>>) -> (i32, i32, i32) {
    %get3A = arith.index_cast %arg0 : i32 to index
    %get3A_0 = memref.load %arg1[%get3A] : memref<96xi32, #tpu.memory_space<smem>>
    %c0_i32 = arith.constant 0 : i32
    %c0_i32_1 = arith.constant 0 : i32
    %c0_i32_2 = arith.constant 0 : i32
    return %get3A_0, %c0_i32, %c0_i32_1 : i32, i32, i32
  }
  func.func @transform_3(%arg0: i32, %arg1: memref<96xi32, #tpu.memory_space<smem>>, %arg2: memref<1xi32, #tpu.memory_space<smem>>) -> (i32, i32, i32) {
    %get3A = arith.index_cast %arg0 : i32 to index
    %get3A_0 = memref.load %arg1[%get3A] : memref<96xi32, #tpu.memory_space<smem>>
    %c0_i32 = arith.constant 0 : i32
    %c0_i32_1 = arith.constant 0 : i32
    %c0_i32_2 = arith.constant 0 : i32
    return %get3A_0, %c0_i32, %c0_i32_1 : i32, i32, i32
  }
  func.func @transform_4(%arg0: i32, %arg1: memref<96xi32, #tpu.memory_space<smem>>, %arg2: memref<1xi32, #tpu.memory_space<smem>>) -> (i32, i32, i32) {
    %get3A = arith.index_cast %arg0 : i32 to index
    %get3A_0 = memref.load %arg1[%get3A] : memref<96xi32, #tpu.memory_space<smem>>
    %c0_i32 = arith.constant 0 : i32
    %c0_i32_1 = arith.constant 0 : i32
    %c0_i32_2 = arith.constant 0 : i32
    return %get3A_0, %c0_i32, %c0_i32_1 : i32, i32, i32
  }
  func.func @transform_5(%arg0: i32, %arg1: memref<96xi32, #tpu.memory_space<smem>>, %arg2: memref<1xi32, #tpu.memory_space<smem>>) -> (i32, i32, i32) {
    %get3A = arith.index_cast %arg0 : i32 to index
    %get3A_0 = memref.load %arg1[%get3A] : memref<96xi32, #tpu.memory_space<smem>>
    %c0_i32 = arith.constant 0 : i32
    %c0_i32_1 = arith.constant 0 : i32
    %c0_i32_2 = arith.constant 0 : i32
    return %get3A_0, %c0_i32, %c0_i32_1 : i32, i32, i32
  }
  func.func @transform_6(%arg0: i32, %arg1: memref<96xi32, #tpu.memory_space<smem>>, %arg2: memref<1xi32, #tpu.memory_space<smem>>) -> (i32, i32, i32) {
    %get3A = arith.index_cast %arg0 : i32 to index
    %get3A_0 = memref.load %arg1[%get3A] : memref<96xi32, #tpu.memory_space<smem>>
    %c0_i32 = arith.constant 0 : i32
    %c0_i32_1 = arith.constant 0 : i32
    %c0_i32_2 = arith.constant 0 : i32
    return %get3A_0, %c0_i32, %c0_i32_1 : i32, i32, i32
  }
  func.func @transform_7(%arg0: i32, %arg1: memref<96xi32, #tpu.memory_space<smem>>, %arg2: memref<1xi32, #tpu.memory_space<smem>>) -> (i32, i32, i32) {
    %get3A = arith.constant 0 : index
    %get3A_0 = memref.load %arg2[%get3A] : memref<1xi32, #tpu.memory_space<smem>>
    %min3A = arith.minsi %arg0, %get3A_0 : i32
    %c0_i32 = arith.constant 0 : i32
    %c0_i32_1 = arith.constant 0 : i32
    %c0_i32_2 = arith.constant 0 : i32
    return %min3A, %c0_i32, %c0_i32_1 : i32, i32, i32
  }
  func.func @transform_8(%arg0: i32, %arg1: memref<96xi32, #tpu.memory_space<smem>>, %arg2: memref<1xi32, #tpu.memory_space<smem>>) -> (i32, i32) {
    %get3A = arith.constant 0 : index
    %get3A_0 = memref.load %arg2[%get3A] : memref<1xi32, #tpu.memory_space<smem>>
    %min3A = arith.minsi %arg0, %get3A_0 : i32
    %c0_i32 = arith.constant 0 : i32
    %c0_i32_1 = arith.constant 0 : i32
    return %min3A, %c0_i32 : i32, i32
  }
}

</mosaic_0001>

<sc_bundles>
// kernel: kernel.10.cloned.1.call-start
scs
__scs_entry_jumppad:
0x0: {  	(pc) =	sbr.rel $0x88, $3  }
0x1: {  	(tag) =	ssettag $0x0;
	lr =	simm.s32 $0x1  }
0x2: {  	[smem:$0x3F92] =	sst lr;
	_ =	strace $0xD0000000  }
0x3: {  	_ = 	snop  }
0x4: {  	_ = 	snop  }
0x5: {  	_ = 	snop  }
0x6: {  	_ = 	snop  }
0x7: {  	_ = 	snop  }
__scs_overlays_trampoline_lowered:
0x8: {  	[smem:$0x3FA1] =	sst s0  }
0x9: {  	[smem:$0x3FA2] =	sst s1  }
0xa: {  	[smem:$0x3FA3] =	sst s2  }
0xb: {  	[smem:$0x3FA4] =	sst s3  }
0xc: {  	[smem:$0x3FA5] =	sst s4  }
0xd: {  	[smem:$0x3FA6] =	sst s5  }
0xe: {  	[smem:$0x3FA7] =	sst s6  }
0xf: {  	[smem:$0x3FA8] =	sst s7  }
0x10: {  	[smem:$0x3FA9] =	sst s8  }
0x11: {  	[smem:$0x3FAA] =	sst s9;
	s0 =	simm.s32 @!p0 $0x0  }
0x12: {  	s1 =	sld [smem:$0x3F90];
	s0 =	simm.s32 @p0 $0x1  }
0x13: {  	[smem:$0x3FAB] =	sst s0;
	s0 =	simm.s32 @!p1 $0x0  }
0x14: {  	s2 =	sld [smem:$0x3F8F];
	s0 =	simm.s32 @p1 $0x1  }
0x15: {  	[smem:$0x3FAC] =	sst s0;
	s0 =	simm.s32 @!p2 $0x0  }
0x16: {  	s3 =	sld [smem:$0x3FDB];
	s0 =	simm.s32 @p2 $0x1  }
0x17: {  	s4 =	simm.s32 $0x1BF5;
	[smem:$0x3FAE] =	sst s0  }
0x18: {  	s0 =	sld [smem:$0x3F91];
	_ =	swait.ge [sflag:s4], $0x0  }
0x19: {  	s7 =	sld [smem:$0x3F92]  }
0x1a: {  	s8 =	sadd.s32 $0xFFFFE003, lr  }
0x1b: {  	s9 =	sadd.s32 $0xFFFFFEF7, lr;
	s5 =	simm.s32 $0xFFFFFFFF;
	p2 =	slt.u32 s8, $0xFFFFF086  }
0x1c: {  	p1 =	slt.u32 s9, $0xF7A;
	s5 =	simm.s32 @!p2 $0x0  }
0x1d: {  	s5 =	simm.s32 @p1 $0x1;
	p0 =	seq.s32 s7, s2  }
0x1e: {  	s7 =	smul.u32 @!p0 $0xF7A, s2;
	p2 =	seq.s32 @!p0 s5, $0x0  }
0x1f: {  	s9 =	smul.u32 $0xF7A, s1;
	s8 =	simm.s32 @!p0 $0x1BF5;
	p2 =	por !p2, p0  }
0x20: {  	[sflag:s8] =	ssyncset.s32 @!p0 $0xFFFFF086;
	s6 =	sadd.s32 @!p0 s3, s7;
	s7 =	simm.s32 @!p0 $0x108  }
0x21: {  	s3 =	sadd.s32 s3, s9;
	s6 =	sadd.s32 @!p0 $0x88, s6;
	s7 =	simm.s32 @p2 $0x1082  }
0x22: {  	[simem:s7], [sflag:s8] =	dma.local @!p0 [hbm:s6], $0xF7A  }
0x23: {  	s9 =	sor.u32 $0xD0000000, s2;
	s6 =	simm.s32 $0x108;
	_ =	swait.ge @!p0 [sflag:s8], $0x0  }
0x24: {  	s3 =	sadd.s32 $0x88, s3;
	s6 =	simm.s32 @!p1 $0x1082;
	[sflag:s4] =	ssyncset.s32 $0xFFFFF086  }
0x25: {  	[simem:s6], [sflag:s4] =	dma.local [hbm:s3], $0xF7A  }
0x26: {  	[smem:$0x3F92] =	sst s1;
	(tag) =	ssettag s2;
	_ =	strace s9  }
0x27: {  	s1 =	sld [smem:$0x3FA2]  }
0x28: {  	s2 =	sld [smem:$0x3FA3]  }
0x29: {  	s4 =	sld [smem:$0x3FA5]  }
0x2a: {  	p0 =	seq.s32 s5, $0x0;
	s5 =	sld [smem:$0x3FA6]  }
0x2b: {  	s6 =	sld [smem:$0x3FA7]  }
0x2c: {  	s7 =	sld [smem:$0x3FA8]  }
0x2d: {  	s3 =	simm.s32 $0x108;
	s8 =	sld [smem:$0x3FA9]  }
0x2e: {  	s3 =	simm.s32 @!p0 $0x1082;
	s9 =	sld [smem:$0x3FAA]  }
0x2f: {  	lr =	sadd.s32 s0, s3;
	s0 =	sld [smem:$0x3FA1]  }
0x30: {  	s3 =	sld [smem:$0x3FA4]  }
0x31: {  	[smem:$0x3FAD] =	sst s10  }
0x32: {  	s10 =	sld [smem:$0x3FAB];
	_ =	sdelay $0x3  }
0x33: {  	p0 =	seq.s32 s10, $0x1;
	s10 =	sld [smem:$0x3FAD];
	_ =	sdelay $0x3  }
0x34: {  	[smem:$0x3FAD] =	sst s10  }
0x35: {  	s10 =	sld [smem:$0x3FAC];
	_ =	sdelay $0x3  }
0x36: {  	p1 =	seq.s32 s10, $0x1;
	s10 =	sld [smem:$0x3FAD];
	_ =	sdelay $0x3  }
0x37: {  	[smem:$0x3FAD] =	sst s10  }
0x38: {  	s10 =	sld [smem:$0x3FAE]  }
0x39: {  	_ = 	snop;
	(pc) =	sbr.ind lr, $3  }
0x3a: {  	_ = 	snop  }
0x3b: {  	_ = 	snop  }
0x3c: {  	p2 =	seq.s32 s10, $0x1;
	s10 =	sld [smem:$0x3FAD]  }
0x3d: {  	_ =	shalt  }
0x3e: {  	_ =	shalt  }
0x3f: {  	_ =	shalt  }
0x40: {  	_ =	shalt  }
0x41: {  	_ =	shalt  }
0x42: {  	_ =	shalt  }
0x43: {  	_ =	shalt  }
0x44: {  	_ =	shalt  }
0x45: {  	_ =	shalt  }
0x46: {  	_ =	shalt  }
0x47: {  	_ =	shalt  }
0x48: {  	_ =	shalt  }
0x49: {  	_ =	shalt  }
0x4a: {  	_ =	shalt  }
0x4b: {  	_ =	shalt  }
0x4c: {  	_ =	shalt  }
0x4d: {  	_ =	shalt  }
0x4e: {  	_ =	shalt  }
0x4f: {  	_ =	shalt  }
0x50: {  	_ =	shalt  }
0x51: {  	_ =	shalt  }
0x52: {  	_ =	shalt  }
0x53: {  	_ =	shalt  }
0x54: {  	_ =	shalt  }
0x55: {  	_ =	shalt  }
0x56: {  	_ =	shalt  }
0x57: {  	_ =	shalt  }
0x58: {  	_ =	shalt  }
0x59: {  	_ =	shalt  }
0x5a: {  	_ =	shalt  }
0x5b: {  	_ =	shalt  }
0x5c: {  	_ =	shalt  }
0x5d: {  	_ =	shalt  }
0x5e: {  	_ =	shalt  }
0x5f: {  	_ =	shalt  }
0x60: {  	_ =	shalt  }
0x61: {  	_ =	shalt  }
0x62: {  	_ =	shalt  }
0x63: {  	_ =	shalt  }
0x64: {  	_ =	shalt  }
0x65: {  	_ =	shalt  }
0x66: {  	_ =	shalt  }
0x67: {  	_ =	shalt  }
0x68: {  	_ =	shalt  }
0x69: {  	_ =	shalt  }
0x6a: {  	_ =	shalt  }
0x6b: {  	_ =	shalt  }
0x6c: {  	_ =	shalt  }
0x6d: {  	_ =	shalt  }
0x6e: {  	_ =	shalt  }
0x6f: {  	_ =	shalt  }
0x70: {  	_ =	shalt  }
0x71: {  	_ =	shalt  }
0x72: {  	_ =	shalt  }
0x73: {  	_ =	shalt  }
0x74: {  	_ =	shalt  }
0x75: {  	_ =	shalt  }
0x76: {  	_ =	shalt  }
0x77: {  	_ =	shalt  }
0x78: {  	_ =	shalt  }
0x79: {  	_ =	shalt  }
0x7a: {  	_ =	shalt  }
0x7b: {  	_ =	shalt  }
0x7c: {  	_ =	shalt  }
0x7d: {  	_ =	shalt  }
0x7e: {  	_ =	shalt  }
0x7f: {  	_ =	shalt  }
0x80: {  	_ =	shalt  }
0x81: {  	_ =	shalt  }
0x82: {  	_ =	shalt  }
0x83: {  	_ =	shalt  }
0x84: {  	_ =	shalt  }
0x85: {  	_ =	shalt  }
0x86: {  	_ =	shalt  }
0x87: {  	_ =	shalt  }
.Lfunc_end0:
.L_simem_size_0:
called_computation.1_lowered:
.L_overlay_start_0:
0x88: {  	s2 =	sld [smem:$0x3FD9]  }
0x89: {  	s3 =	sld [smem:$0x3FFE];
	_ =	sdelay $0x1  }
0x8a: {  	s1 =	srdreg.scid  }
0x8b: {  	s0 =	sand.u32 $0x1, s1  }
0x8c: {  	s17 =	sshll.u32 s0, $0xA;
	s2 =	sadd.s32 s3, s2  }
0x8d: {  	s2 =	sadd.s32 s2, s17  }
0x8e: {  	[smem:$0x3FB9] =	sst s2  }
0x8f: {  	_ = 	snop  }
0x90: {  	s2 =	sld [smem:$0x3FD0];
	(tm) =	ssettm $0x1  }
0x91: {  	s18 =	sld [smem:$0x3FFB];
	_ =	sdelay $0x3  }
0x92: {  	_ =	strace s18  }
0x93: {  	s3 =	sld [smem:$0x3FFC];
	_ =	sdelay $0x3  }
0x94: {  	_ =	strace s3  }
0x95: {  	s3 =	sld [smem:$0x3FFD];
	_ =	sdelay $0x3  }
0x96: {  	_ =	strace s3  }
0x97: {  	_ =	strace $0x8FFFFFFF  }
0x98: {  	s19 =	sld [smem:$0x3FDB];
	_ =	sdelay $0x1  }
0x99: {  	s4 =	simm.s32 $_scs_section_size  }
0x9a: {  	s5 =	simm.s32 $_size__tile_overlayer_lowered;
	s6 =	simm.s32 $_tile_overlayer_lowered  }
0x9b: {  	s22 =	simm.s32 $0x1BFF;
	s21 =	sshll.u32 s6, $0x1;
	s3 =	sadd.s32 s4, s19  }
0x9c: {  	s7 =	simm.s32 $0x0;
	s20 =	sshll.u32 s5, $0x1;
	s5 =	sadd.s32 s21, s3  }
0x9d: {  	[timem:s7], [sflag:s22] =	dma.local [hbm:s5], s20  }
0x9e: {  	_ =	swait.ge [sflag:s22], s20  }
0x9f: {  	s4 =	ssub.s32 $0x0, s20;
	[sflag:s22] =	ssyncset.done $0x0  }
0xa0: {  	[sflag:s22] =	ssyncadd.s32 s4;
	_ =	sdelay $0x1  }
0xa1: {  	s23 =	simm.s32 $0x1B8B  }
0xa2: {  	_ =	swait.ge [sflag:s23], $0x1  }
0xa3: {  	[sflag:s23] =	ssyncset.done $0x0  }
0xa4: {  	s25 =	simm.s32 $0x1B8E;
	s24 =	sld [smem:$0x3FFE];
	[sflag:s23] =	ssyncadd.s32 $0xFFFFFFFF  }
0xa5: {  	s26 =	simm.s32 $execute0_lowered;
	[smem:$0x3FD2] =	sst s25  }
0xa6: {  	s5 =	sshll.u32 s26, $0x1;
	_ =	strace $0x80000049;
	[dreg:$0x1] =	wrdreg $0xFFFFFFFF  }
0xa7: {  	s28 =	simm.s32 $_size_execute0_lowered;
	s3 =	sadd.s32 s3, s5;
	[dreg:$0x0] =	wrdreg $0x0  }
0xa8: {  	s5 =	sshll.u32 s28, $0x1;
	[dreg:$0x2] =	wrdreg s3  }
0xa9: {  	[dreg:$0x3] =	wrdreg s5  }
0xaa: {  	[dreg:$0x4] =	wrdreg $0xC0  }
0xab: {  	_ =	task [dreg:s7], $0x5FFFF  }
0xac: {  	[dreg:$0x1] =	wrdreg $0xFFFFFFFF  }
0xad: {  	[dreg:$0x0] =	wrdreg $0x60  }
0xae: {  	[dreg:$0x2] =	wrdreg s24  }
0xaf: {  	[dreg:$0x3] =	wrdreg s2  }
0xb0: {  	[dreg:$0x4] =	wrdreg $0x9  }
0xb1: {  	_ =	task.clear_ibuf [dreg:s7], $0x5FFFF;
	_ =	strace $0x90000049  }
0xb2: {  	s29 =	simm.s32 $0x9;
	_ =	strace $0x8000004B  }
0xb3: {  	_ =	swait.ge [sflag:s29], $0x1  }
0xb4: {  	[sflag:s29] =	ssyncadd.s32 $0xFFFFFFFF  }
0xb5: {  	_ =	strace $0x9000004B  }
0xb6: {  	_ =	sfence  }
0xb7: {  	s30 =	sld [smem:$0x0];
	_ =	sdelay $0x2  }
0xb8: {  	s31 =	sshll.u32 s1, $0xD;
	s1 =	sshrl.u32 s1, $0x2  }
0xb9: {  	s3 =	sand.u32 $0x4000, s31;
	s1 =	sadd.s32 s1, s30  }
0xba: {  	s0 =	sor.u32 s3, s0;
	s1 =	sshll.u32 s1, $0x11  }
0xbb: {  	s0 =	sor.u32 s1, s0  }
0xbc: {  	s0 =	sadd.s32 $0x8F2B, s0  }
0xbd: {  	[sflag:s0] =	ssyncadd.remote.s32 $0x1  }
0xbe: {  	_ =	sfence.sel $0xFFFF  }
0xbf: {  	[dreg:$0x0] =	wrdreg $0xFFFFFFFF;
	(pc) =	sbr.abs _section_cstart, $3  }
0xc0: {  	[dreg:$0x1] =	wrdreg $0xFFFFFFFF  }
0xc1: {  	_ =	task.clear_ibuf [dreg:s7], $0x2FFFF;
	_ =	strace $0x9FFFFFFF  }
0xc2: {  	(tm) =	ssettm $0x7FFFFFFF  }
0xc3: {  	_ =	shalt  }
tec
execute0_lowered:
.L_overlay_start_1:
0x0: {  	(tag) =	ssettag $0x1  }
0x1: {  	s0 =	rddreg [dreg:$0x0];
	s1 =	simm.s32 $0x0  }
0x2: {  	s26 =	srdreg.scid;
	s8 =	stileid.u32;
	s13 =	simm.s32 $0x2  }
0x3: {  	s15 =	simm.s32 $0x100;
	s17 =	simm.s32 $0x12900;
	s18 =	simm.s32 $0x13100  }
0x4: {  	s19 =	simm.s32 $0x13900;
	s20 =	simm.s32 $0x14100;
	s21 =	simm.s32 $0x14900  }
0x5: {  	s22 =	simm.s32 $0x15100;
	s23 =	simm.s32 $0x15900;
	s24 =	simm.s32 $0x16100  }
0x6: {  	s25 =	simm.s32 $0x16900;
	s28 =	simm.s32 $0x17900;
	[smem:$0x7FF] =	sst s1  }
0x7: {  	s29 =	simm.s32 $0x0;
	s3 =	sadd.s32 $0x182800, s0;
	s5 =	sadd.s32 $0x1C2C00, s0  }
0x8: {  	s1 =	sand.u32 $0x1, s26;
	s6 =	sadd.s32 $0x1C2A00, s0;
	s7 =	sadd.s32 $0x1C2800, s0  }
0x9: {  	s30 =	sshll.u32 s8, $0x7;
	s9 =	sadd.s32 $0x1C2D00, s0;
	s2 =	ssub.s32 $0x2, s1  }
0xa: {  	s10 =	sadd.s32 $0x1C2E00, s0;
	s11 =	sadd.s32 $0x1C2F00, s0;
	s4 =	sshrl.u32 s2, $0x1  }
0xb: {  	v2 =	vlaneseq.u32;
	s26 =	simm.s32 $0x17100;
	s1 =	sshll.u32 s1, $0x6;
	s2 =	ssub.s32 s2, s4  }
0xc: {  	vm0 =	vmmov $0xffff;
	v1 =	vshrl.u32 v2, $0x3;
	_ =	strace $0x8000004A;
	s8 =	sor.u32 s1, s30;
	s31 =	smax.u32 s2, $0x1  }
0xd: {  	v0 =	vand.u32 $0x7, v2;
	v2 =	vor.u32 $0x8, v2;
	v1 =	vmul.u32 $0x8, v1;
	s1 =	simm.s32 $0x0;
	s4 =	simm.s32 $0x1;
	[dreg:$0x3] =	wrdreg s31  }
.LBB2_1:
0xe: {  	[dreg:$0x4] =	wrdreg s1;
	p1 =	por $0x1, $0x1;
	s0 =	simm.s32 $0x0  }
.LBB2_2:
0xf: {  	s0 =	sor.u32 s8, s0  }
0x10: {  	s1 =	sshrl.u32 s0, $0x3  }
0x11: {  	s2 =	sadd.s32 s6, s1  }
0x12: {  	[tilespmem:s29], [sflag:$0x2] =	stream.linear.gather [hbm4b:s2+s29], $0x20, $0x38;
	[tilespmem:$0x18100] =	vst v63  }
0x13: {  	_ =	swait.ge [sflag:s13], $0x20  }
0x14: {  	[sflag:s13] =	ssyncset.done $0x0  }
0x15: {  	s14 =	simm.s32 $0x80;
	s1 =	sadd.s32 s7, s1;
	[sflag:s13] =	ssyncadd.s32 $0xFFFFFFE0  }
0x16: {  	[tilespmem:s14], [sflag:$0x2] =	stream.linear.gather [hbm4b:s1+s29], $0x20, $0x38;
	[tilespmem:$0x18100] =	vst v63  }
0x17: {  	_ =	swait.ge [sflag:s13], $0x20  }
0x18: {  	s30 =	sshll.u32 s0, $0x7;
	[sflag:s13] =	ssyncset.done $0x0  }
0x19: {  	s0 =	sadd.s32 s3, s30;
	[sflag:s13] =	ssyncadd.s32 $0xFFFFFFE0  }
0x1a: {  	[tilespmem:s15], [sflag:$0x2] =	stream.linear.gather [hbm4b:s0+s29], $0x8000, $0x38;
	[tilespmem:$0x18100] =	vst v63  }
0x1b: {  	_ =	swait.ge [sflag:s13], $0x8000  }
0x1c: {  	[sflag:s13] =	ssyncset.done $0x0  }
0x1d: {  	[sflag:s13] =	ssyncadd.s32 $0xFFFF8000  }
0x1e: {  	v3 =	vld [tilespmem:$0x0];
	_ =	sdelay $0x4  }
0x1f: {  	v4 =	vshll.u32 v3, $0x3  }
0x20: {  	v3 =	vand.u32 $0x7, v3;
	v4 =	vand.u32 $0xFFFFFFC0, v4  }
0x21: {  	v3 =	vor.u32 v3, v4  }
0x22: {  	v4 =	vperm.xlane v3, v0;
	_ =	sdelay $0x1  }
0x23: {  	v4 =	vadd.s32 v1, v4;
	_ =	sdelay $0x3  }
0x24: {  	s16 =	simm.s32 $0x8100  }
0x25: {  	[tilespmem:s16], [sflag:$0x1] =	stream.indirect_vreg.gather [hbm4b:s5+s29], $0x80, v4, vm0, $0xb8;
	[tilespmem:$0x18100] =	vst v63  }
0x26: {  	s1 =	simm.s32 $0x8900;
	v3 =	vperm.xlane v3, v2  }
0x27: {  	[tilespmem:s1], [sflag:$0x1] =	stream.indirect_vreg.gather [hbm4b:s9+s29], $0x80, v4, vm0, $0xb8;
	[tilespmem:$0x18100] =	vst v63  }
0x28: {  	s2 =	simm.s32 $0x9100;
	v3 =	vadd.s32 v1, v3  }
0x29: {  	[tilespmem:s2], [sflag:$0x1] =	stream.indirect_vreg.gather [hbm4b:s10+s29], $0x80, v4, vm0, $0xb8;
	[tilespmem:$0x18100] =	vst v63  }
0x2a: {  	s12 =	simm.s32 $0x9900  }
0x2b: {  	[tilespmem:s12], [sflag:$0x1] =	stream.indirect_vreg.gather [hbm4b:s11+s29], $0x80, v4, vm0, $0xb8;
	[tilespmem:$0x18100] =	vst v63  }
0x2c: {  	s14 =	simm.s32 $0xA100  }
0x2d: {  	[tilespmem:s14], [sflag:$0x1] =	stream.indirect_vreg.gather [hbm4b:s5+s29], $0x80, v3, vm0, $0xb8;
	[tilespmem:$0x18100] =	vst v63  }
0x2e: {  	s16 =	simm.s32 $0xA900  }
0x2f: {  	[tilespmem:s16], [sflag:$0x1] =	stream.indirect_vreg.gather [hbm4b:s9+s29], $0x80, v3, vm0, $0xb8;
	[tilespmem:$0x18100] =	vst v63  }
0x30: {  	s1 =	simm.s32 $0xB100  }
0x31: {  	[tilespmem:s1], [sflag:$0x1] =	stream.indirect_vreg.gather [hbm4b:s10+s29], $0x80, v3, vm0, $0xb8;
	[tilespmem:$0x18100] =	vst v63  }
0x32: {  	s2 =	simm.s32 $0xB900  }
0x33: {  	[tilespmem:s2], [sflag:$0x1] =	stream.indirect_vreg.gather [hbm4b:s11+s29], $0x80, v3, vm0, $0xb8;
	[tilespmem:$0x18100] =	vst v63  }
0x34: {  	v3 =	vld [tilespmem:$0x10];
	_ =	sdelay $0x4  }
0x35: {  	v61 =	vshll.u32 v3, $0x3  }
0x36: {  	v3 =	vand.u32 $0x7, v3;
	v4 =	vand.u32 $0xFFFFFFC0, v61  }
0x37: {  	v3 =	vor.u32 v3, v4  }
0x38: {  	v4 =	vperm.xlane v3, v0;
	_ =	sdelay $0x1  }
0x39: {  	v4 =	vadd.s32 v1, v4;
	_ =	sdelay $0x3  }
0x3a: {  	s12 =	simm.s32 $0xC100  }
0x3b: {  	[tilespmem:s12], [sflag:$0x1] =	stream.indirect_vreg.gather [hbm4b:s5+s29], $0x80, v4, vm0, $0xb8;
	[tilespmem:$0x18100] =	vst v63  }
0x3c: {  	s14 =	simm.s32 $0xC900;
	v3 =	vperm.xlane v3, v2  }
0x3d: {  	[tilespmem:s14], [sflag:$0x1] =	stream.indirect_vreg.gather [hbm4b:s9+s29], $0x80, v4, vm0, $0xb8;
	[tilespmem:$0x18100] =	vst v63  }
0x3e: {  	s16 =	simm.s32 $0xD100;
	v3 =	vadd.s32 v1, v3  }
0x3f: {  	[tilespmem:s16], [sflag:$0x1] =	stream.indirect_vreg.gather [hbm4b:s10+s29], $0x80, v4, vm0, $0xb8;
	[tilespmem:$0x18100] =	vst v63  }
0x40: {  	s1 =	simm.s32 $0xD900  }
0x41: {  	[tilespmem:s1], [sflag:$0x1] =	stream.indirect_vreg.gather [hbm4b:s11+s29], $0x80, v4, vm0, $0xb8;
	[tilespmem:$0x18100] =	vst v63  }
0x42: {  	s2 =	simm.s32 $0xE100  }
0x43: {  	[tilespmem:s2], [sflag:$0x1] =	stream.indirect_vreg.gather [hbm4b:s5+s29], $0x80, v3, vm0, $0xb8;
	[tilespmem:$0x18100] =	vst v63  }
0x44: {  	s12 =	simm.s32 $0xE900  }
0x45: {  	[tilespmem:s12], [sflag:$0x1] =	stream.indirect_vreg.gather [hbm4b:s9+s29], $0x80, v3, vm0, $0xb8;
	[tilespmem:$0x18100] =	vst v63  }
0x46: {  	s14 =	simm.s32 $0xF100  }
0x47: {  	[tilespmem:s14], [sflag:$0x1] =	stream.indirect_vreg.gather [hbm4b:s10+s29], $0x80, v3, vm0, $0xb8;
	[tilespmem:$0x18100] =	vst v63  }
0x48: {  	s16 =	simm.s32 $0xF900  }
0x49: {  	[tilespmem:s16], [sflag:$0x1] =	stream.indirect_vreg.gather [hbm4b:s11+s29], $0x80, v3, vm0, $0xb8;
	[tilespmem:$0x18100] =	vst v63  }
0x4a: {  	_ =	swait.ge [sflag:s4], $0x8000  }
0x4b: {  	[sflag:s4] =	ssyncset.done $0x0  }
0x4c: {  	[sflag:s4] =	ssyncadd.s32 $0xFFFF8000  }
0x4d: {  	v3 =	vld [tilespmem:$0x80];
	_ =	sdelay $0x4  }
0x4e: {  	v62 =	vshll.u32 v3, $0x3  }
0x4f: {  	v3 =	vand.u32 $0x7, v3;
	v4 =	vand.u32 $0xFFFFFFC0, v62  }
0x50: {  	v3 =	vor.u32 v3, v4  }
0x51: {  	v4 =	vperm.xlane v3, v0;
	_ =	sdelay $0x1  }
0x52: {  	v4 =	vadd.s32 v1, v4;
	_ =	sdelay $0x3  }
0x53: {  	s1 =	simm.s32 $0x10100  }
0x54: {  	[tilespmem:s1], [sflag:$0x1] =	stream.indirect_vreg.gather [hbm4b:s5+s29], $0x80, v4, vm0, $0xb8;
	[tilespmem:$0x18100] =	vst v63  }
0x55: {  	s2 =	simm.s32 $0x10900;
	v3 =	vperm.xlane v3, v2  }
0x56: {  	[tilespmem:s2], [sflag:$0x1] =	stream.indirect_vreg.gather [hbm4b:s9+s29], $0x80, v4, vm0, $0xb8;
	[tilespmem:$0x18100] =	vst v63  }
0x57: {  	s12 =	simm.s32 $0x11100;
	v3 =	vadd.s32 v1, v3  }
0x58: {  	[tilespmem:s12], [sflag:$0x1] =	stream.indirect_vreg.gather [hbm4b:s10+s29], $0x80, v4, vm0, $0xb8;
	[tilespmem:$0x18100] =	vst v63  }
0x59: {  	s14 =	simm.s32 $0x11900  }
0x5a: {  	[tilespmem:s14], [sflag:$0x1] =	stream.indirect_vreg.gather [hbm4b:s11+s29], $0x80, v4, vm0, $0xb8;
	[tilespmem:$0x18100] =	vst v63  }
0x5b: {  	s16 =	simm.s32 $0x12100  }
0x5c: {  	[tilespmem:s16], [sflag:$0x1] =	stream.indirect_vreg.gather [hbm4b:s5+s29], $0x80, v3, vm0, $0xb8;
	[tilespmem:$0x18100] =	vst v63  }
0x5d: {  	_ = 	snop  }
0x5e: {  	[tilespmem:s17], [sflag:$0x1] =	stream.indirect_vreg.gather [hbm4b:s9+s29], $0x80, v3, vm0, $0xb8;
	[tilespmem:$0x18100] =	vst v63  }
0x5f: {  	_ = 	snop  }
0x60: {  	[tilespmem:s18], [sflag:$0x1] =	stream.indirect_vreg.gather [hbm4b:s10+s29], $0x80, v3, vm0, $0xb8;
	[tilespmem:$0x18100] =	vst v63  }
0x61: {  	_ = 	snop  }
0x62: {  	[tilespmem:s19], [sflag:$0x1] =	stream.indirect_vreg.gather [hbm4b:s11+s29], $0x80, v3, vm0, $0xb8;
	[tilespmem:$0x18100] =	vst v63  }
0x63: {  	v3 =	vld [tilespmem:$0x90];
	_ =	sdelay $0x4  }
0x64: {  	v63 =	vshll.u32 v3, $0x3  }
0x65: {  	v3 =	vand.u32 $0x7, v3;
	v4 =	vand.u32 $0xFFFFFFC0, v63  }
0x66: {  	v3 =	vor.u32 v3, v4  }
0x67: {  	v4 =	vperm.xlane v3, v0;
	_ =	sdelay $0x1  }
0x68: {  	v4 =	vadd.s32 v1, v4;
	_ =	sdelay $0x4  }
0x69: {  	[tilespmem:s20], [sflag:$0x1] =	stream.indirect_vreg.gather [hbm4b:s5+s29], $0x80, v4, vm0, $0xb8;
	[tilespmem:$0x18100] =	vst v63  }
0x6a: {  	v3 =	vperm.xlane v3, v2  }
0x6b: {  	[tilespmem:s21], [sflag:$0x1] =	stream.indirect_vreg.gather [hbm4b:s9+s29], $0x80, v4, vm0, $0xb8;
	[tilespmem:$0x18100] =	vst v63  }
0x6c: {  	v3 =	vadd.s32 v1, v3  }
0x6d: {  	[tilespmem:s22], [sflag:$0x1] =	stream.indirect_vreg.gather [hbm4b:s10+s29], $0x80, v4, vm0, $0xb8;
	[tilespmem:$0x18100] =	vst v63  }
0x6e: {  	_ = 	snop  }
0x6f: {  	[tilespmem:s23], [sflag:$0x1] =	stream.indirect_vreg.gather [hbm4b:s11+s29], $0x80, v4, vm0, $0xb8;
	[tilespmem:$0x18100] =	vst v63  }
0x70: {  	_ = 	snop  }
0x71: {  	[tilespmem:s24], [sflag:$0x1] =	stream.indirect_vreg.gather [hbm4b:s5+s29], $0x80, v3, vm0, $0xb8;
	[tilespmem:$0x18100] =	vst v63  }
0x72: {  	_ = 	snop  }
0x73: {  	[tilespmem:s25], [sflag:$0x1] =	stream.indirect_vreg.gather [hbm4b:s9+s29], $0x80, v3, vm0, $0xb8;
	[tilespmem:$0x18100] =	vst v63  }
0x74: {  	_ = 	snop  }
0x75: {  	[tilespmem:s26], [sflag:$0x1] =	stream.indirect_vreg.gather [hbm4b:s10+s29], $0x80, v3, vm0, $0xb8;
	[tilespmem:$0x18100] =	vst v63  }
0x76: {  	_ = 	snop  }
0x77: {  	[tilespmem:s28], [sflag:$0x1] =	stream.indirect_vreg.gather [hbm4b:s11+s29], $0x80, v3, vm0, $0xb8;
	[tilespmem:$0x18100] =	vst v63  }
0x78: {  	_ =	swait.ge [sflag:s4], $0x8000  }
0x79: {  	[sflag:s4] =	ssyncset.done $0x0  }
0x7a: {  	p0 =	por p1, p1;
	s31 =	simm.s32 $0x0;
	[sflag:s4] =	ssyncadd.s32 $0xFFFF8000  }
.LBB2_3:
0x7b: {  	s0 =	sshll.u32 s31, $0xA;
	s1 =	sshll.u32 s31, $0x7  }
0x7c: {  	s0 =	sand.u32 $0x6000, s0;
	s1 =	sand.u32 $0x380, s1  }
0x7d: {  	s14 =	sand.u32 $0x40, s29;
	s12 =	sor.u32 s0, s1  }
0x7e: {  	s16 =	sand.u32 $0x1C00, s29;
	s0 =	sor.u32 s14, s12  }
0x7f: {  	s0 =	sor.u32 s16, s0  }
0x80: {  	v7 =	vld [tilespmem:s0+$0x10100]  }
0x81: {  	v8 =	vld [tilespmem:s0+$0x10110]  }
0x82: {  	v6 =	vld [tilespmem:s0+$0x8100]  }
0x83: {  	v5 =	vld [tilespmem:s0+$0x8110]  }
0x84: {  	v4 =	vld [tilespmem:s0+$0x8120]  }
0x85: {  	v3 =	vld [tilespmem:s0+$0x8130]  }
0x86: {  	s2 =	simm.s32 $0x0;
	s1 =	simm.s32 $0x40;
	v9 =	vld [tilespmem:s0+$0x100]  }
.LBB2_4:
0x87: {  	p1 =	sne.s32 s1, $0x3C0;
	v10 =	vld [tilespmem:s0+$0x110]  }
0x88: {  	v11 =	vld [tilespmem:s0+$0x120]  }
0x89: {  	s14 =	sand.u32 $0x40, s1;
	s2 =	sadd.s32 $0x200, s2;
	v12 =	vld [tilespmem:s0+$0x130]  }
0x8a: {  	s16 =	sand.u32 $0x1C00, s2;
	s14 =	sor.u32 s14, s12;
	v13 =	vld [tilespmem:s0+$0x10120]  }
0x8b: {  	s14 =	sor.u32 s16, s14;
	v6 =	vadd.f32 v6, v9;
	v9 =	vld [tilespmem:s0+$0x10130]  }
0x8c: {  	v14 =	vld [tilespmem:s14+$0x10100];
	v5 =	vadd.f32 v5, v10  }
0x8d: {  	v10 =	vld [tilespmem:s14+$0x10110];
	v7 =	vadd.f32 v7, v6;
	v4 =	vadd.f32 v4, v11  }
.Ltmp0:
0x8e: {  	v6 =	vld [tilespmem:s14+$0x8100];
	v8 =	vadd.f32 v8, v5;
	v3 =	vadd.f32 v3, v12;
	(pc) =	sbr.rel @p1 .LBB2_4-.Ltmp0, $4  }
0x8f: {  	v5 =	vld [tilespmem:s14+$0x8110];
	[tilespmem:s0+$0x100] =	vst v7;
	v11 =	vadd.f32 v13, v4  }
0x90: {  	v4 =	vld [tilespmem:s14+$0x8120];
	[tilespmem:s0+$0x110] =	vst v8;
	v12 =	vadd.f32 v9, v3  }
0x91: {  	v3 =	vld [tilespmem:s14+$0x8130];
	[tilespmem:s0+$0x120] =	vst v11;
	v7 =	vmov v14  }
0x92: {  	s1 =	sadd.s32 $0x40, s1;
	v9 =	vld [tilespmem:s14+$0x100];
	[tilespmem:s0+$0x130] =	vst v12;
	v8 =	vmov v10;
	s0 =	smov.u32 s14  }
0x93: {  	v10 =	vld [tilespmem:s0+$0x110]  }
0x94: {  	v11 =	vld [tilespmem:s0+$0x120]  }
0x95: {  	v12 =	vld [tilespmem:s0+$0x130]  }
0x96: {  	v13 =	vld [tilespmem:s0+$0x10120]  }
0x97: {  	v63 =	vld [tilespmem:s0+$0x10130];
	v6 =	vadd.f32 v6, v9  }
0x98: {  	s31 =	sadd.s32 $0x1, s31;
	v5 =	vadd.f32 v5, v10  }
0x99: {  	p1 =	sne.s32 s31, $0x20;
	v4 =	vadd.f32 v4, v11;
	v6 =	vadd.f32 v7, v6  }
.Ltmp1:
0x9a: {  	v3 =	vadd.f32 v3, v12;
	v5 =	vadd.f32 v8, v5;
	(pc) =	sbr.rel @p1 .LBB2_3-.Ltmp1, $4  }
0x9b: {  	v4 =	vadd.f32 v13, v4;
	[tilespmem:s0+$0x100] =	vst v6  }
0x9c: {  	v3 =	vadd.f32 v63, v3;
	[tilespmem:s0+$0x110] =	vst v5  }
0x9d: {  	[tilespmem:s0+$0x120] =	vst v4  }
0x9e: {  	[tilespmem:s0+$0x130] =	vst v3  }
0x9f: {  	s0 =	rddreg [dreg:$0x1]  }
.Ltmp2:
0xa0: {  	s1 =	simm.s32 $0x0;
	s0 =	sadd.s32 s0, s30;
	(pc) =	sbr.rel @p0 .LBB2_2-.Ltmp2, $4  }
0xa1: {  	[hbm4b:s0+s1] =	stream.linear.scatter [tilespmem:s15], [sflag:$0x2], $0x8000, $0x38;
	[tilespmem:$0x18100] =	vst v63  }
0xa2: {  	_ =	swait.ge [sflag:s13], $0x8000  }
0xa3: {  	[sflag:s13] =	ssyncset.done $0x0  }
0xa4: {  	p1 =	por $0x0, $0x0;
	s0 =	simm.s32 $0x20;
	[sflag:s13] =	ssyncadd.s32 $0xFFFF8000  }
0xa5: {  	s1 =	rddreg [dreg:$0x4]  }
0xa6: {  	s0 =	rddreg [dreg:$0x3];
	s1 =	sadd.s32 $0x1, s1  }
0xa7: {  	p0 =	sne.s32 s1, s0  }
.Ltmp3:
0xa8: {  	_ = 	snop;
	(pc) =	sbr.rel @p0 .LBB2_1-.Ltmp3, $1  }
0xa9: {  	_ =	sdelay $0x3  }
0xaa: {  	_ =	sfence.sel $0x180000  }
0xab: {  	[bflag:$0x0] =	sbarrier.arrive $0xFFFF  }
0xac: {  	_ =	strace $0x9000004A  }
0xad: {  	s0 =	stileid.u32;
	[bflag:$0x2] =	sbarrier.arrive $0xFFFF  }
0xae: {  	p0 =	sne.s32 s0, $0x0;
	s0 =	rddreg [dreg:$0x2]  }
0xaf: {  	s0 =	sadd.s32 @!p0 $0x100000, s0  }
0xb0: {  	[sflag:s0] =	ssyncadd.tile.s32 @!p0 $0x1;
	_ =	shalt  }
.Lfunc_end2:
_tile_overlayer_lowered:
.L_overlay_start_2:
0xb1: {  	(tag) =	ssettag $0x2  }
0xb2: {  	s0 =	rddreg [dreg:$0x0];
	s2 =	stileid.u32  }
0xb3: {  	s1 =	rddreg [dreg:$0x1];
	p0 =	sne.s32 s2, $0x0  }
0xb4: {  	s3 =	rddreg [dreg:$0x2];
	[bflag:$0x3] =	sbarrier.arrive $0xFFFF;
	s2 =	simm.s32 @!p0 $0x1C02  }
0xb5: {  	[timem:s3], [sflag:s2] =	dma.local @!p0 [hbm:s0], s1  }
0xb6: {  	s0 =	simm.s32 @!p0 $0x2  }
0xb7: {  	_ =	swait.ge @!p0 [sflag:s0], s1  }
0xb8: {  	s1 =	ssub.s32 @!p0 $0x0, s1;
	[sflag:s0] =	ssyncset.done @!p0 $0x0  }
0xb9: {  	[sflag:s0] =	ssyncadd.s32 @!p0 s1  }
0xba: {  	[bflag:$0x3] =	sbarrier.arrive $0xFFFF  }
0xbb: {  	_ =	shalt  }

// kernel: kernel.7.cloned.1.call-start
scs
__scs_entry_jumppad:
0x0: {  	(pc) =	sbr.rel $0x88, $3  }
0x1: {  	(tag) =	ssettag $0x0;
	lr =	simm.s32 $0x1  }
0x2: {  	[smem:$0x3F92] =	sst lr;
	_ =	strace $0xD0000000  }
0x3: {  	_ = 	snop  }
0x4: {  	_ = 	snop  }
0x5: {  	_ = 	snop  }
0x6: {  	_ = 	snop  }
0x7: {  	_ = 	snop  }
__scs_overlays_trampoline_lowered:
0x8: {  	[smem:$0x3FA1] =	sst s0  }
0x9: {  	[smem:$0x3FA2] =	sst s1  }
0xa: {  	[smem:$0x3FA3] =	sst s2  }
0xb: {  	[smem:$0x3FA4] =	sst s3  }
0xc: {  	[smem:$0x3FA5] =	sst s4  }
0xd: {  	[smem:$0x3FA6] =	sst s5  }
0xe: {  	[smem:$0x3FA7] =	sst s6  }
0xf: {  	[smem:$0x3FA8] =	sst s7  }
0x10: {  	[smem:$0x3FA9] =	sst s8  }
0x11: {  	[smem:$0x3FAA] =	sst s9;
	s0 =	simm.s32 @!p0 $0x0  }
0x12: {  	s1 =	sld [smem:$0x3F90];
	s0 =	simm.s32 @p0 $0x1  }
0x13: {  	[smem:$0x3FAB] =	sst s0;
	s0 =	simm.s32 @!p1 $0x0  }
0x14: {  	s2 =	sld [smem:$0x3F8F];
	s0 =	simm.s32 @p1 $0x1  }
0x15: {  	[smem:$0x3FAC] =	sst s0;
	s0 =	simm.s32 @!p2 $0x0  }
0x16: {  	s3 =	sld [smem:$0x3FDB];
	s0 =	simm.s32 @p2 $0x1  }
0x17: {  	s4 =	simm.s32 $0x1BF5;
	[smem:$0x3FAE] =	sst s0  }
0x18: {  	s0 =	sld [smem:$0x3F91];
	_ =	swait.ge [sflag:s4], $0x0  }
0x19: {  	s7 =	sld [smem:$0x3F92]  }
0x1a: {  	s8 =	sadd.s32 $0xFFFFE003, lr  }
0x1b: {  	s9 =	sadd.s32 $0xFFFFFEF7, lr;
	s5 =	simm.s32 $0xFFFFFFFF;
	p2 =	slt.u32 s8, $0xFFFFF086  }
0x1c: {  	p1 =	slt.u32 s9, $0xF7A;
	s5 =	simm.s32 @!p2 $0x0  }
0x1d: {  	s5 =	simm.s32 @p1 $0x1;
	p0 =	seq.s32 s7, s2  }
0x1e: {  	s7 =	smul.u32 @!p0 $0xF7A, s2;
	p2 =	seq.s32 @!p0 s5, $0x0  }
0x1f: {  	s9 =	smul.u32 $0xF7A, s1;
	s8 =	simm.s32 @!p0 $0x1BF5;
	p2 =	por !p2, p0  }
0x20: {  	[sflag:s8] =	ssyncset.s32 @!p0 $0xFFFFF086;
	s6 =	sadd.s32 @!p0 s3, s7;
	s7 =	simm.s32 @!p0 $0x108  }
0x21: {  	s3 =	sadd.s32 s3, s9;
	s6 =	sadd.s32 @!p0 $0x88, s6;
	s7 =	simm.s32 @p2 $0x1082  }
0x22: {  	[simem:s7], [sflag:s8] =	dma.local @!p0 [hbm:s6], $0xF7A  }
0x23: {  	s9 =	sor.u32 $0xD0000000, s2;
	s6 =	simm.s32 $0x108;
	_ =	swait.ge @!p0 [sflag:s8], $0x0  }
0x24: {  	s3 =	sadd.s32 $0x88, s3;
	s6 =	simm.s32 @!p1 $0x1082;
	[sflag:s4] =	ssyncset.s32 $0xFFFFF086  }
0x25: {  	[simem:s6], [sflag:s4] =	dma.local [hbm:s3], $0xF7A  }
0x26: {  	[smem:$0x3F92] =	sst s1;
	(tag) =	ssettag s2;
	_ =	strace s9  }
0x27: {  	s1 =	sld [smem:$0x3FA2]  }
0x28: {  	s2 =	sld [smem:$0x3FA3]  }
0x29: {  	s4 =	sld [smem:$0x3FA5]  }
0x2a: {  	p0 =	seq.s32 s5, $0x0;
	s5 =	sld [smem:$0x3FA6]  }
0x2b: {  	s6 =	sld [smem:$0x3FA7]  }
0x2c: {  	s7 =	sld [smem:$0x3FA8]  }
0x2d: {  	s3 =	simm.s32 $0x108;
	s8 =	sld [smem:$0x3FA9]  }
0x2e: {  	s3 =	simm.s32 @!p0 $0x1082;
	s9 =	sld [smem:$0x3FAA]  }
0x2f: {  	lr =	sadd.s32 s0, s3;
	s0 =	sld [smem:$0x3FA1]  }
0x30: {  	s3 =	sld [smem:$0x3FA4]  }
0x31: {  	[smem:$0x3FAD] =	sst s10  }
0x32: {  	s10 =	sld [smem:$0x3FAB];
	_ =	sdelay $0x3  }
0x33: {  	p0 =	seq.s32 s10, $0x1;
	s10 =	sld [smem:$0x3FAD];
	_ =	sdelay $0x3  }
0x34: {  	[smem:$0x3FAD] =	sst s10  }
0x35: {  	s10 =	sld [smem:$0x3FAC];
	_ =	sdelay $0x3  }
0x36: {  	p1 =	seq.s32 s10, $0x1;
	s10 =	sld [smem:$0x3FAD];
	_ =	sdelay $0x3  }
0x37: {  	[smem:$0x3FAD] =	sst s10  }
0x38: {  	s10 =	sld [smem:$0x3FAE]  }
0x39: {  	_ = 	snop;
	(pc) =	sbr.ind lr, $3  }
0x3a: {  	_ = 	snop  }
0x3b: {  	_ = 	snop  }
0x3c: {  	p2 =	seq.s32 s10, $0x1;
	s10 =	sld [smem:$0x3FAD]  }
0x3d: {  	_ =	shalt  }
0x3e: {  	_ =	shalt  }
0x3f: {  	_ =	shalt  }
0x40: {  	_ =	shalt  }
0x41: {  	_ =	shalt  }
0x42: {  	_ =	shalt  }
0x43: {  	_ =	shalt  }
0x44: {  	_ =	shalt  }
0x45: {  	_ =	shalt  }
0x46: {  	_ =	shalt  }
0x47: {  	_ =	shalt  }
0x48: {  	_ =	shalt  }
0x49: {  	_ =	shalt  }
0x4a: {  	_ =	shalt  }
0x4b: {  	_ =	shalt  }
0x4c: {  	_ =	shalt  }
0x4d: {  	_ =	shalt  }
0x4e: {  	_ =	shalt  }
0x4f: {  	_ =	shalt  }
0x50: {  	_ =	shalt  }
0x51: {  	_ =	shalt  }
0x52: {  	_ =	shalt  }
0x53: {  	_ =	shalt  }
0x54: {  	_ =	shalt  }
0x55: {  	_ =	shalt  }
0x56: {  	_ =	shalt  }
0x57: {  	_ =	shalt  }
0x58: {  	_ =	shalt  }
0x59: {  	_ =	shalt  }
0x5a: {  	_ =	shalt  }
0x5b: {  	_ =	shalt  }
0x5c: {  	_ =	shalt  }
0x5d: {  	_ =	shalt  }
0x5e: {  	_ =	shalt  }
0x5f: {  	_ =	shalt  }
0x60: {  	_ =	shalt  }
0x61: {  	_ =	shalt  }
0x62: {  	_ =	shalt  }
0x63: {  	_ =	shalt  }
0x64: {  	_ =	shalt  }
0x65: {  	_ =	shalt  }
0x66: {  	_ =	shalt  }
0x67: {  	_ =	shalt  }
0x68: {  	_ =	shalt  }
0x69: {  	_ =	shalt  }
0x6a: {  	_ =	shalt  }
0x6b: {  	_ =	shalt  }
0x6c: {  	_ =	shalt  }
0x6d: {  	_ =	shalt  }
0x6e: {  	_ =	shalt  }
0x6f: {  	_ =	shalt  }
0x70: {  	_ =	shalt  }
0x71: {  	_ =	shalt  }
0x72: {  	_ =	shalt  }
0x73: {  	_ =	shalt  }
0x74: {  	_ =	shalt  }
0x75: {  	_ =	shalt  }
0x76: {  	_ =	shalt  }
0x77: {  	_ =	shalt  }
0x78: {  	_ =	shalt  }
0x79: {  	_ =	shalt  }
0x7a: {  	_ =	shalt  }
0x7b: {  	_ =	shalt  }
0x7c: {  	_ =	shalt  }
0x7d: {  	_ =	shalt  }
0x7e: {  	_ =	shalt  }
0x7f: {  	_ =	shalt  }
0x80: {  	_ =	shalt  }
0x81: {  	_ =	shalt  }
0x82: {  	_ =	shalt  }
0x83: {  	_ =	shalt  }
0x84: {  	_ =	shalt  }
0x85: {  	_ =	shalt  }
0x86: {  	_ =	shalt  }
0x87: {  	_ =	shalt  }
.Lfunc_end0:
.L_simem_size_0:
called_computation_lowered:
.L_overlay_start_0:
0x88: {  	s2 =	sld [smem:$0x3FD9]  }
0x89: {  	s3 =	sld [smem:$0x3FFE];
	_ =	sdelay $0x1  }
0x8a: {  	s1 =	srdreg.scid  }
0x8b: {  	s0 =	sand.u32 $0x1, s1  }
0x8c: {  	s17 =	sshll.u32 s0, $0xA;
	s2 =	sadd.s32 s3, s2  }
0x8d: {  	s2 =	sadd.s32 s2, s17  }
0x8e: {  	[smem:$0x3FB9] =	sst s2  }
0x8f: {  	_ = 	snop  }
0x90: {  	s2 =	sld [smem:$0x3FC9]  }
0x91: {  	s18 =	sld [smem:$0x3FD0];
	(tm) =	ssettm $0x1  }
0x92: {  	s4 =	sld [smem:$0x3FFB];
	_ =	sdelay $0x3  }
0x93: {  	_ =	strace s4  }
0x94: {  	s4 =	sld [smem:$0x3FFC];
	_ =	sdelay $0x3  }
0x95: {  	_ =	strace s4  }
0x96: {  	s4 =	sld [smem:$0x3FFD];
	_ =	sdelay $0x3  }
0x97: {  	_ =	strace s4  }
0x98: {  	_ =	strace $0x8FFFFFFF  }
0x99: {  	s19 =	sld [smem:$0x3FDB];
	_ =	sdelay $0x1  }
0x9a: {  	s5 =	simm.s32 $_scs_section_size  }
0x9b: {  	s6 =	simm.s32 $_size__tile_overlayer_lowered;
	s7 =	simm.s32 $_tile_overlayer_lowered  }
0x9c: {  	s22 =	simm.s32 $0x1BFF;
	s21 =	sshll.u32 s7, $0x1;
	s4 =	sadd.s32 s5, s19  }
0x9d: {  	s8 =	simm.s32 $0x0;
	s20 =	sshll.u32 s6, $0x1;
	s6 =	sadd.s32 s21, s4  }
0x9e: {  	[timem:s8], [sflag:s22] =	dma.local [hbm:s6], s20  }
0x9f: {  	_ =	swait.ge [sflag:s22], s20  }
0xa0: {  	s5 =	ssub.s32 $0x0, s20;
	[sflag:s22] =	ssyncset.done $0x0  }
0xa1: {  	[sflag:s22] =	ssyncadd.s32 s5;
	_ =	sdelay $0x1  }
0xa2: {  	s23 =	simm.s32 $0x1B8B  }
0xa3: {  	_ =	swait.ge [sflag:s23], $0x1  }
0xa4: {  	[sflag:s23] =	ssyncset.done $0x0  }
0xa5: {  	s25 =	simm.s32 $0x1B8E;
	s24 =	sld [smem:$0x3FFE];
	[sflag:s23] =	ssyncadd.s32 $0xFFFFFFFF  }
0xa6: {  	s26 =	simm.s32 $execute0_lowered;
	[smem:$0x3FD2] =	sst s25  }
0xa7: {  	s6 =	sshll.u32 s26, $0x1;
	_ =	strace $0x80000046;
	[dreg:$0x1] =	wrdreg $0xFFFFFFFF  }
0xa8: {  	s28 =	simm.s32 $_size_execute0_lowered;
	s4 =	sadd.s32 s4, s6;
	[dreg:$0x0] =	wrdreg $0x0  }
0xa9: {  	s6 =	sshll.u32 s28, $0x1;
	[dreg:$0x2] =	wrdreg s4  }
0xaa: {  	[dreg:$0x3] =	wrdreg s6  }
0xab: {  	[dreg:$0x4] =	wrdreg $0xC0  }
0xac: {  	_ =	task [dreg:s8], $0x5FFFF  }
0xad: {  	[dreg:$0x1] =	wrdreg $0xFFFFFFFF  }
0xae: {  	[dreg:$0x0] =	wrdreg $0x60  }
0xaf: {  	[dreg:$0x2] =	wrdreg s24  }
0xb0: {  	[dreg:$0x3] =	wrdreg s2  }
0xb1: {  	[dreg:$0x4] =	wrdreg s18  }
0xb2: {  	[dreg:$0x5] =	wrdreg $0x9  }
0xb3: {  	_ =	task.clear_ibuf [dreg:s8], $0x6FFFF;
	_ =	strace $0x90000046  }
0xb4: {  	s29 =	simm.s32 $0x9;
	_ =	strace $0x80000048  }
0xb5: {  	_ =	swait.ge [sflag:s29], $0x1  }
0xb6: {  	[sflag:s29] =	ssyncadd.s32 $0xFFFFFFFF  }
0xb7: {  	_ =	strace $0x90000048  }
0xb8: {  	_ =	sfence  }
0xb9: {  	s30 =	sld [smem:$0x0];
	_ =	sdelay $0x2  }
0xba: {  	s31 =	sshll.u32 s1, $0xD;
	s1 =	sshrl.u32 s1, $0x2  }
0xbb: {  	s3 =	sand.u32 $0x4000, s31;
	s1 =	sadd.s32 s1, s30  }
0xbc: {  	s0 =	sor.u32 s3, s0;
	s1 =	sshll.u32 s1, $0x11  }
0xbd: {  	s0 =	sor.u32 s1, s0  }
0xbe: {  	s0 =	sadd.s32 $0x8F2B, s0  }
0xbf: {  	[sflag:s0] =	ssyncadd.remote.s32 $0x1  }
0xc0: {  	_ =	sfence.sel $0xFFFF  }
0xc1: {  	[dreg:$0x0] =	wrdreg $0xFFFFFFFF;
	(pc) =	sbr.abs _section_cstart, $3  }
0xc2: {  	[dreg:$0x1] =	wrdreg $0xFFFFFFFF  }
0xc3: {  	_ =	task.clear_ibuf [dreg:s8], $0x2FFFF;
	_ =	strace $0x9FFFFFFF  }
0xc4: {  	(tm) =	ssettm $0x7FFFFFFF  }
0xc5: {  	_ =	shalt  }
tec
execute0_lowered:
.L_overlay_start_1:
0x0: {  	(tag) =	ssettag $0x1  }
0x1: {  	s1 =	rddreg [dreg:$0x0]  }
0x2: {  	s2 =	rddreg [dreg:$0x1]  }
0x3: {  	s4 =	rddreg [dreg:$0x2]  }
0x4: {  	s0 =	srdreg.scid;
	s10 =	stileid.u32  }
0x5: {  	s3 =	simm.s32 $0x0;
	s5 =	sand.u32 $0x1, s0;
	s21 =	sshll.u32 s10, $0x1  }
0x6: {  	[smem:$0x7FF] =	sst s3;
	s22 =	sadd.s32 $0x2400, s1;
	s6 =	sor.u32 s5, s21  }
0x7: {  	s7 =	sadd.s32 $0x2600, s1;
	s23 =	ssub.s32 $0x2, s5;
	s0 =	smul.u32 $0x180, s6  }
0x8: {  	_ =	strace $0x80000047;
	s8 =	smul.u32 $0x60000, s6;
	s9 =	sshrl.u32 s23, $0x1  }
0x9: {  	[dreg:$0x5] =	wrdreg s7;
	s6 =	smul.u32 $0xC000, s6;
	s7 =	ssub.s32 s23, s9  }
0xa: {  	s1 =	sadd.s32 $0x2800, s1;
	[dreg:$0x4] =	wrdreg s22;
	s20 =	smax.u32 s7, $0x1  }
0xb: {  	s24 =	sshrl.u32 s0, $0x3;
	s6 =	sadd.s32 s1, s6;
	[dreg:$0x19] =	wrdreg s20  }
0xc: {  	s4 =	sadd.s32 s4, s24;
	[dreg:$0x7] =	wrdreg s6  }
0xd: {  	s21 =	sadd.s32 $0x800, s6;
	[dreg:$0x6] =	wrdreg s4  }
0xe: {  	s22 =	sadd.s32 $0x1000, s6;
	[dreg:$0x1a] =	wrdreg s21  }
0xf: {  	s8 =	sshrl.u32 s8, $0x3;
	s23 =	sadd.s32 $0x1800, s6;
	[dreg:$0x1b] =	wrdreg s22  }
0x10: {  	s1 =	sadd.s32 s1, s8;
	s24 =	sadd.s32 $0x2000, s6;
	[dreg:$0x1c] =	wrdreg s23  }
0x11: {  	s25 =	sadd.s32 $0x4000, s1;
	[dreg:$0x1d] =	wrdreg s24  }
0x12: {  	s26 =	sadd.s32 $0x4800, s1;
	[dreg:$0x8] =	wrdreg s25  }
0x13: {  	s30 =	sadd.s32 $0x5000, s1;
	[dreg:$0x9] =	wrdreg s26  }
0x14: {  	s31 =	sadd.s32 $0x5800, s1;
	[dreg:$0xa] =	wrdreg s30  }
0x15: {  	s8 =	sadd.s32 $0x6000, s1;
	[dreg:$0xb] =	wrdreg s31  }
0x16: {  	s9 =	sadd.s32 $0x6800, s1;
	[dreg:$0xc] =	wrdreg s8  }
0x17: {  	s11 =	sadd.s32 $0x7000, s1;
	[dreg:$0xd] =	wrdreg s9  }
0x18: {  	s12 =	sadd.s32 $0x7800, s1;
	[dreg:$0xe] =	wrdreg s11  }
0x19: {  	s14 =	sadd.s32 $0x8800, s1;
	[dreg:$0xf] =	wrdreg s12  }
0x1a: {  	s13 =	smul.u32 $0x300, s10;
	s15 =	sadd.s32 $0x9000, s1;
	[dreg:$0x11] =	wrdreg s14  }
0x1b: {  	s5 =	smul.u32 $0x180, s5;
	s16 =	sadd.s32 $0x9800, s1;
	[dreg:$0x12] =	wrdreg s15  }
0x1c: {  	s17 =	sadd.s32 $0xA000, s1;
	[dreg:$0x13] =	wrdreg s16  }
0x1d: {  	s28 =	sadd.s32 $0x200, s2;
	s4 =	sadd.s32 s5, s13;
	[dreg:$0x14] =	wrdreg s17  }
0x1e: {  	s29 =	sadd.s32 $0x300, s2;
	s18 =	sadd.s32 $0xA800, s1;
	[dreg:$0x15] =	wrdreg s4  }
0x1f: {  	s10 =	simm.s32 $0x2180;
	s19 =	sadd.s32 $0xB000, s1;
	[dreg:$0x16] =	wrdreg s18  }
0x20: {  	s20 =	simm.s32 $0x2;
	s8 =	sadd.s32 $0x8000, s1;
	[dreg:$0x17] =	wrdreg s19  }
0x21: {  	s13 =	simm.s32 $0x16300;
	s1 =	sadd.s32 $0xB800, s1;
	[dreg:$0x10] =	wrdreg s8  }
0x22: {  	s22 =	simm.s32 $0x8;
	s25 =	sadd.s32 $0x2800, s6;
	[dreg:$0x18] =	wrdreg s1  }
0x23: {  	v1 =	vlaneseq.u32;
	v2 =	vimm.f32 $0.0e+00;
	s26 =	sadd.s32 $0x100, s2;
	s30 =	sadd.s32 $0x3000, s6;
	[dreg:$0x1e] =	wrdreg s25  }
0x24: {  	vm0 =	vmmov $0xffff;
	v3 =	vand.u32 $0x7, v1;
	v4 =	vshrl.u32 v1, $0x3;
	s31 =	sadd.s32 $0x3800, s6;
	s9 =	simm.s32 $0x2000;
	[dreg:$0x1f] =	wrdreg s30  }
0x25: {  	v5 =	vor.u32 $0x8, v1;
	v4 =	vmul.u32 $0x8, v4;
	v0 =	vmov s0;
	s18 =	simm.s32 $0x0;
	s11 =	simm.s32 $0x12300;
	[smem:$0x7FD] =	sst s31  }
.LBB2_1:
0x26: {  	s14 =	rddreg [dreg:$0x4];
	s8 =	simm.s32 $0xE  }
0x27: {  	[tilespmem:s3], [sflag:$0xE] =	stream.linear.gather [hbm4b:s14+s3], $0x1000, $0x38;
	[tilespmem:$0x1A300] =	vst v63  }
0x28: {  	_ =	swait.ge [sflag:s8], $0x1000  }
0x29: {  	[sflag:s8] =	ssyncset.done $0x0  }
0x2a: {  	s15 =	simm.s32 $0x1000;
	s31 =	rddreg [dreg:$0x5];
	[sflag:s8] =	ssyncadd.s32 $0xFFFFF000  }
0x2b: {  	[tilespmem:s15], [sflag:$0xE] =	stream.linear.gather [hbm4b:s31+s3], $0x1000, $0x38;
	[tilespmem:$0x1A300] =	vst v63  }
0x2c: {  	_ =	swait.ge [sflag:s8], $0x1000  }
0x2d: {  	[sflag:s8] =	ssyncset.done $0x0  }
0x2e: {  	s15 =	simm.s32 $0x0;
	s14 =	rddreg [dreg:$0x15];
	[sflag:s8] =	ssyncadd.s32 $0xFFFFF000  }
.LBB2_2:
0x2f: {  	p0 =	sne.s32 s15, $0x5C0  }
.Ltmp0:
0x30: {  	_ = 	snop;
	(pc) =	sbr.rel @p0 .LBB2_2-.Ltmp0, $4  }
0x31: {  	_ = 	snop  }
0x32: {  	v6 =	vor.u32 s14, v1;
	s16 =	sshra.s32 s15, $0x2  }
0x33: {  	v6 =	vand.u32 $0x7FF, v6;
	[tilespmem:s16+$0x2180] =	vst v2  }
0x34: {  	s14 =	sadd.s32 $0x10, s14;
	s15 =	sadd.s32 $0x40, s15;
	[tilespmem:s16+$0x2000] =	vst v6  }
0x35: {  	s15 =	simm.s32 $0x0  }
0x36: {  	v6 =	vld [tilespmem:s15+$0x0];
	_ =	sdelay $0x4  }
0x37: {  	v7 =	vsub.s32 v6, v0  }
0x38: {  	v6 =	vand.u32 $0x7F, v6;
	vm1 =	vlt.u32 v7, $0x180;
	v7 =	vand.u32 $0xFFFFFF80, v7  }
0x39: {  	s14 =	simm.s32 $0x1000;
	v6 =	vor.u32 v6, v7  }
0x3a: {  	v7 =	vld [tilespmem:s14+$0x0];
	_ =	sdelay $0x1  }
0x3b: {  	v8 =	vor.u32 s15, v1  }
0x3c: {  	v8 =	vshrl.u32 v8, $0x1  }
0x3d: {  	[tilespmem:v6+s9+$0x0] =	vst.idx.msk vm1, v8  }
0x3e: {  	s15 =	simm.s32 $0x10;
	[tilespmem:v6+s10+$0x0] =	vst.idx.msk vm1, v7  }
0x3f: {  	v6 =	vld [tilespmem:s15+$0x0]  }
0x40: {  	s16 =	simm.s32 $0x20;
	s17 =	simm.s32 $0x10  }
.LBB2_4:
0x41: {  	p0 =	sne.s32 s16, $0xFF0;
	_ =	sdelay $0x2  }
0x42: {  	v7 =	vsub.s32 v6, v0  }
0x43: {  	v6 =	vand.u32 $0x7F, v6;
	vm1 =	vlt.u32 v7, $0x180;
	v7 =	vand.u32 $0xFFFFFF80, v7  }
0x44: {  	s14 =	sadd.s32 $0x10, s14;
	v6 =	vor.u32 v6, v7  }
0x45: {  	v7 =	vld [tilespmem:s14+$0x0];
	_ =	sdelay $0x1  }
0x46: {  	v8 =	vor.u32 s15, v1;
	s15 =	smov.u32 s16  }
.Ltmp1:
0x47: {  	v8 =	vshrl.u32 v8, $0x1;
	(pc) =	sbr.rel @p0 .LBB2_4-.Ltmp1, $4  }
0x48: {  	[tilespmem:v6+s9+$0x0] =	vst.idx.msk vm1, v8  }
0x49: {  	s17 =	sadd.s32 $0x10, s17;
	[tilespmem:v6+s10+$0x0] =	vst.idx.msk vm1, v7  }
0x4a: {  	v6 =	vld [tilespmem:s17+$0x0]  }
0x4b: {  	s16 =	sadd.s32 $0x10, s16  }
0x4c: {  	_ =	sdelay $0x2  }
0x4d: {  	v7 =	vsub.s32 v6, v0  }
0x4e: {  	v6 =	vand.u32 $0x7F, v6;
	vm1 =	vlt.u32 v7, $0x180;
	v7 =	vand.u32 $0xFFFFFF80, v7  }
0x4f: {  	s14 =	sadd.s32 $0x10, s14;
	v6 =	vor.u32 v6, v7  }
0x50: {  	v7 =	vld [tilespmem:s14+$0x0];
	_ =	sdelay $0x1  }
0x51: {  	v8 =	vor.u32 s15, v1  }
0x52: {  	v8 =	vshrl.u32 v8, $0x1  }
0x53: {  	[tilespmem:v6+s9+$0x0] =	vst.idx.msk vm1, v8  }
0x54: {  	s21 =	rddreg [dreg:$0x6];
	[tilespmem:v6+s10+$0x0] =	vst.idx.msk vm1, v7  }
0x55: {  	[hbm4b:s21+s3] =	stream.linear.scatter [tilespmem:s10], [sflag:$0x1], $0x180, $0x38;
	[tilespmem:$0x1A300] =	vst v63  }
0x56: {  	v6 =	vld [tilespmem:$0x2000];
	_ =	sdelay $0x4  }
0x57: {  	v7 =	vshll.u32 v6, $0x3  }
0x58: {  	v6 =	vand.u32 $0x7, v6;
	v7 =	vand.u32 $0xFFFFFFC0, v7  }
0x59: {  	v6 =	vor.u32 v6, v7  }
0x5a: {  	v7 =	vperm.xlane v6, v3;
	_ =	sdelay $0x1  }
0x5b: {  	v7 =	vadd.s32 v4, v7;
	_ =	sdelay $0x3  }
0x5c: {  	s0 =	simm.s32 $0x2300  }
0x5d: {  	[tilespmem:s0], [sflag:$0x2] =	stream.indirect_vreg.gather [hbm4b:s2+s3], $0x80, v7, vm0, $0xb8;
	[tilespmem:$0x1A300] =	vst v63  }
0x5e: {  	s23 =	simm.s32 $0x2B00;
	v6 =	vperm.xlane v6, v5  }
0x5f: {  	[tilespmem:s23], [sflag:$0x2] =	stream.indirect_vreg.gather [hbm4b:s26+s3], $0x80, v7, vm0, $0xb8;
	[tilespmem:$0x1A300] =	vst v63  }
0x60: {  	s24 =	simm.s32 $0x3300;
	v6 =	vadd.s32 v4, v6  }
0x61: {  	[tilespmem:s24], [sflag:$0x2] =	stream.indirect_vreg.gather [hbm4b:s28+s3], $0x80, v7, vm0, $0xb8;
	[tilespmem:$0x1A300] =	vst v63  }
0x62: {  	s25 =	simm.s32 $0x3B00  }
0x63: {  	[tilespmem:s25], [sflag:$0x2] =	stream.indirect_vreg.gather [hbm4b:s29+s3], $0x80, v7, vm0, $0xb8;
	[tilespmem:$0x1A300] =	vst v63  }
0x64: {  	s30 =	simm.s32 $0x4300  }
0x65: {  	[tilespmem:s30], [sflag:$0x2] =	stream.indirect_vreg.gather [hbm4b:s2+s3], $0x80, v6, vm0, $0xb8;
	[tilespmem:$0x1A300] =	vst v63  }
0x66: {  	s31 =	simm.s32 $0x4B00  }
0x67: {  	[tilespmem:s31], [sflag:$0x2] =	stream.indirect_vreg.gather [hbm4b:s26+s3], $0x80, v6, vm0, $0xb8;
	[tilespmem:$0x1A300] =	vst v63  }
0x68: {  	s4 =	simm.s32 $0x5300  }
0x69: {  	[tilespmem:s4], [sflag:$0x2] =	stream.indirect_vreg.gather [hbm4b:s28+s3], $0x80, v6, vm0, $0xb8;
	[tilespmem:$0x1A300] =	vst v63  }
0x6a: {  	s5 =	simm.s32 $0x5B00  }
0x6b: {  	[tilespmem:s5], [sflag:$0x2] =	stream.indirect_vreg.gather [hbm4b:s29+s3], $0x80, v6, vm0, $0xb8;
	[tilespmem:$0x1A300] =	vst v63  }
0x6c: {  	v6 =	vld [tilespmem:$0x2010];
	_ =	sdelay $0x4  }
0x6d: {  	v7 =	vshll.u32 v6, $0x3  }
0x6e: {  	v6 =	vand.u32 $0x7, v6;
	v7 =	vand.u32 $0xFFFFFFC0, v7  }
0x6f: {  	v6 =	vor.u32 v6, v7  }
0x70: {  	v7 =	vperm.xlane v6, v3;
	_ =	sdelay $0x1  }
0x71: {  	v7 =	vadd.s32 v4, v7;
	_ =	sdelay $0x3  }
0x72: {  	s8 =	simm.s32 $0x6300  }
0x73: {  	[tilespmem:s8], [sflag:$0x3] =	stream.indirect_vreg.gather [hbm4b:s2+s3], $0x80, v7, vm0, $0xb8;
	[tilespmem:$0x1A300] =	vst v63  }
0x74: {  	s12 =	simm.s32 $0x6B00;
	v6 =	vperm.xlane v6, v5  }
0x75: {  	[tilespmem:s12], [sflag:$0x3] =	stream.indirect_vreg.gather [hbm4b:s26+s3], $0x80, v7, vm0, $0xb8;
	[tilespmem:$0x1A300] =	vst v63  }
0x76: {  	s14 =	simm.s32 $0x7300;
	v6 =	vadd.s32 v4, v6  }
0x77: {  	[tilespmem:s14], [sflag:$0x3] =	stream.indirect_vreg.gather [hbm4b:s28+s3], $0x80, v7, vm0, $0xb8;
	[tilespmem:$0x1A300] =	vst v63  }
0x78: {  	s16 =	simm.s32 $0x7B00  }
0x79: {  	[tilespmem:s16], [sflag:$0x3] =	stream.indirect_vreg.gather [hbm4b:s29+s3], $0x80, v7, vm0, $0xb8;
	[tilespmem:$0x1A300] =	vst v63  }
0x7a: {  	s17 =	simm.s32 $0x8300  }
0x7b: {  	[tilespmem:s17], [sflag:$0x3] =	stream.indirect_vreg.gather [hbm4b:s2+s3], $0x80, v6, vm0, $0xb8;
	[tilespmem:$0x1A300] =	vst v63  }
0x7c: {  	s19 =	simm.s32 $0x8B00  }
0x7d: {  	[tilespmem:s19], [sflag:$0x3] =	stream.indirect_vreg.gather [hbm4b:s26+s3], $0x80, v6, vm0, $0xb8;
	[tilespmem:$0x1A300] =	vst v63  }
0x7e: {  	s23 =	simm.s32 $0x9300  }
0x7f: {  	[tilespmem:s23], [sflag:$0x3] =	stream.indirect_vreg.gather [hbm4b:s28+s3], $0x80, v6, vm0, $0xb8;
	[tilespmem:$0x1A300] =	vst v63  }
0x80: {  	s31 =	simm.s32 $0x9B00  }
0x81: {  	[tilespmem:s31], [sflag:$0x3] =	stream.indirect_vreg.gather [hbm4b:s29+s3], $0x80, v6, vm0, $0xb8;
	[tilespmem:$0x1A300] =	vst v63  }
0x82: {  	v6 =	vld [tilespmem:$0x2020];
	_ =	sdelay $0x4  }
0x83: {  	v7 =	vshll.u32 v6, $0x3  }
0x84: {  	v6 =	vand.u32 $0x7, v6;
	v7 =	vand.u32 $0xFFFFFFC0, v7  }
0x85: {  	v6 =	vor.u32 v6, v7  }
0x86: {  	v7 =	vperm.xlane v6, v3;
	_ =	sdelay $0x1  }
0x87: {  	v7 =	vadd.s32 v4, v7;
	_ =	sdelay $0x3  }
0x88: {  	s5 =	simm.s32 $0xA300  }
0x89: {  	[tilespmem:s5], [sflag:$0x4] =	stream.indirect_vreg.gather [hbm4b:s2+s3], $0x80, v7, vm0, $0xb8;
	[tilespmem:$0x1A300] =	vst v63  }
0x8a: {  	s8 =	simm.s32 $0xAB00;
	v6 =	vperm.xlane v6, v5  }
0x8b: {  	[tilespmem:s8], [sflag:$0x4] =	stream.indirect_vreg.gather [hbm4b:s26+s3], $0x80, v7, vm0, $0xb8;
	[tilespmem:$0x1A300] =	vst v63  }
0x8c: {  	s14 =	simm.s32 $0xB300;
	v6 =	vadd.s32 v4, v6  }
0x8d: {  	[tilespmem:s14], [sflag:$0x4] =	stream.indirect_vreg.gather [hbm4b:s28+s3], $0x80, v7, vm0, $0xb8;
	[tilespmem:$0x1A300] =	vst v63  }
0x8e: {  	s31 =	simm.s32 $0xBB00  }
0x8f: {  	[tilespmem:s31], [sflag:$0x4] =	stream.indirect_vreg.gather [hbm4b:s29+s3], $0x80, v7, vm0, $0xb8;
	[tilespmem:$0x1A300] =	vst v63  }
0x90: {  	s5 =	simm.s32 $0xC300  }
0x91: {  	[tilespmem:s5], [sflag:$0x4] =	stream.indirect_vreg.gather [hbm4b:s2+s3], $0x80, v6, vm0, $0xb8;
	[tilespmem:$0x1A300] =	vst v63  }
0x92: {  	s8 =	simm.s32 $0xCB00  }
0x93: {  	[tilespmem:s8], [sflag:$0x4] =	stream.indirect_vreg.gather [hbm4b:s26+s3], $0x80, v6, vm0, $0xb8;
	[tilespmem:$0x1A300] =	vst v63  }
0x94: {  	s14 =	simm.s32 $0xD300  }
0x95: {  	[tilespmem:s14], [sflag:$0x4] =	stream.indirect_vreg.gather [hbm4b:s28+s3], $0x80, v6, vm0, $0xb8;
	[tilespmem:$0x1A300] =	vst v63  }
0x96: {  	s31 =	simm.s32 $0xDB00  }
0x97: {  	[tilespmem:s31], [sflag:$0x4] =	stream.indirect_vreg.gather [hbm4b:s29+s3], $0x80, v6, vm0, $0xb8;
	[tilespmem:$0x1A300] =	vst v63  }
0x98: {  	v6 =	vld [tilespmem:$0x2030];
	_ =	sdelay $0x4  }
0x99: {  	v7 =	vshll.u32 v6, $0x3  }
0x9a: {  	v6 =	vand.u32 $0x7, v6;
	v7 =	vand.u32 $0xFFFFFFC0, v7  }
0x9b: {  	v6 =	vor.u32 v6, v7  }
0x9c: {  	v7 =	vperm.xlane v6, v3;
	_ =	sdelay $0x1  }
0x9d: {  	v7 =	vadd.s32 v4, v7;
	_ =	sdelay $0x3  }
0x9e: {  	s5 =	simm.s32 $0xE300  }
0x9f: {  	[tilespmem:s5], [sflag:$0x5] =	stream.indirect_vreg.gather [hbm4b:s2+s3], $0x80, v7, vm0, $0xb8;
	[tilespmem:$0x1A300] =	vst v63  }
0xa0: {  	s8 =	simm.s32 $0xEB00;
	v6 =	vperm.xlane v6, v5  }
0xa1: {  	[tilespmem:s8], [sflag:$0x5] =	stream.indirect_vreg.gather [hbm4b:s26+s3], $0x80, v7, vm0, $0xb8;
	[tilespmem:$0x1A300] =	vst v63  }
0xa2: {  	s14 =	simm.s32 $0xF300;
	v6 =	vadd.s32 v4, v6  }
0xa3: {  	[tilespmem:s14], [sflag:$0x5] =	stream.indirect_vreg.gather [hbm4b:s28+s3], $0x80, v7, vm0, $0xb8;
	[tilespmem:$0x1A300] =	vst v63  }
0xa4: {  	s5 =	simm.s32 $0xFB00  }
0xa5: {  	[tilespmem:s5], [sflag:$0x5] =	stream.indirect_vreg.gather [hbm4b:s29+s3], $0x80, v7, vm0, $0xb8;
	[tilespmem:$0x1A300] =	vst v63  }
0xa6: {  	s8 =	simm.s32 $0x10300  }
0xa7: {  	[tilespmem:s8], [sflag:$0x5] =	stream.indirect_vreg.gather [hbm4b:s2+s3], $0x80, v6, vm0, $0xb8;
	[tilespmem:$0x1A300] =	vst v63  }
0xa8: {  	s14 =	simm.s32 $0x10B00  }
0xa9: {  	[tilespmem:s14], [sflag:$0x5] =	stream.indirect_vreg.gather [hbm4b:s26+s3], $0x80, v6, vm0, $0xb8;
	[tilespmem:$0x1A300] =	vst v63  }
0xaa: {  	s5 =	simm.s32 $0x11300  }
0xab: {  	[tilespmem:s5], [sflag:$0x5] =	stream.indirect_vreg.gather [hbm4b:s28+s3], $0x80, v6, vm0, $0xb8;
	[tilespmem:$0x1A300] =	vst v63  }
0xac: {  	s8 =	simm.s32 $0x11B00  }
0xad: {  	[tilespmem:s8], [sflag:$0x5] =	stream.indirect_vreg.gather [hbm4b:s29+s3], $0x80, v6, vm0, $0xb8;
	[tilespmem:$0x1A300] =	vst v63  }
0xae: {  	v6 =	vld [tilespmem:$0x2040];
	_ =	sdelay $0x4  }
0xaf: {  	v7 =	vshll.u32 v6, $0x3  }
0xb0: {  	v6 =	vand.u32 $0x7, v6;
	v7 =	vand.u32 $0xFFFFFFC0, v7  }
0xb1: {  	v6 =	vor.u32 v6, v7  }
0xb2: {  	v7 =	vperm.xlane v6, v3;
	_ =	sdelay $0x1  }
0xb3: {  	v7 =	vadd.s32 v4, v7;
	_ =	sdelay $0x4  }
0xb4: {  	[tilespmem:s11], [sflag:$0x6] =	stream.indirect_vreg.gather [hbm4b:s2+s3], $0x80, v7, vm0, $0xb8;
	[tilespmem:$0x1A300] =	vst v63  }
0xb5: {  	s8 =	simm.s32 $0x12B00;
	v6 =	vperm.xlane v6, v5  }
0xb6: {  	[tilespmem:s8], [sflag:$0x6] =	stream.indirect_vreg.gather [hbm4b:s26+s3], $0x80, v7, vm0, $0xb8;
	[tilespmem:$0x1A300] =	vst v63  }
0xb7: {  	s14 =	simm.s32 $0x13300;
	v6 =	vadd.s32 v4, v6  }
0xb8: {  	[tilespmem:s14], [sflag:$0x6] =	stream.indirect_vreg.gather [hbm4b:s28+s3], $0x80, v7, vm0, $0xb8;
	[tilespmem:$0x1A300] =	vst v63  }
0xb9: {  	s0 =	simm.s32 $0x13B00  }
0xba: {  	[tilespmem:s0], [sflag:$0x6] =	stream.indirect_vreg.gather [hbm4b:s29+s3], $0x80, v7, vm0, $0xb8;
	[tilespmem:$0x1A300] =	vst v63  }
0xbb: {  	s5 =	simm.s32 $0x14300  }
0xbc: {  	[tilespmem:s5], [sflag:$0x6] =	stream.indirect_vreg.gather [hbm4b:s2+s3], $0x80, v6, vm0, $0xb8;
	[tilespmem:$0x1A300] =	vst v63  }
0xbd: {  	s14 =	simm.s32 $0x14B00  }
0xbe: {  	[tilespmem:s14], [sflag:$0x6] =	stream.indirect_vreg.gather [hbm4b:s26+s3], $0x80, v6, vm0, $0xb8;
	[tilespmem:$0x1A300] =	vst v63  }
0xbf: {  	s0 =	simm.s32 $0x15300  }
0xc0: {  	[tilespmem:s0], [sflag:$0x6] =	stream.indirect_vreg.gather [hbm4b:s28+s3], $0x80, v6, vm0, $0xb8;
	[tilespmem:$0x1A300] =	vst v63  }
0xc1: {  	s5 =	simm.s32 $0x15B00  }
0xc2: {  	[tilespmem:s5], [sflag:$0x6] =	stream.indirect_vreg.gather [hbm4b:s29+s3], $0x80, v6, vm0, $0xb8;
	[tilespmem:$0x1A300] =	vst v63  }
0xc3: {  	v6 =	vld [tilespmem:$0x2050];
	_ =	sdelay $0x4  }
0xc4: {  	v7 =	vshll.u32 v6, $0x3  }
0xc5: {  	v6 =	vand.u32 $0x7, v6;
	v7 =	vand.u32 $0xFFFFFFC0, v7  }
0xc6: {  	v6 =	vor.u32 v6, v7  }
0xc7: {  	v7 =	vperm.xlane v6, v3;
	_ =	sdelay $0x1  }
0xc8: {  	v7 =	vadd.s32 v4, v7;
	_ =	sdelay $0x4  }
0xc9: {  	[tilespmem:s13], [sflag:$0x7] =	stream.indirect_vreg.gather [hbm4b:s2+s3], $0x80, v7, vm0, $0xb8;
	[tilespmem:$0x1A300] =	vst v63  }
0xca: {  	s8 =	simm.s32 $0x16B00;
	v6 =	vperm.xlane v6, v5  }
0xcb: {  	[tilespmem:s8], [sflag:$0x7] =	stream.indirect_vreg.gather [hbm4b:s26+s3], $0x80, v7, vm0, $0xb8;
	[tilespmem:$0x1A300] =	vst v63  }
0xcc: {  	s0 =	simm.s32 $0x17300;
	v6 =	vadd.s32 v4, v6  }
0xcd: {  	[tilespmem:s0], [sflag:$0x7] =	stream.indirect_vreg.gather [hbm4b:s28+s3], $0x80, v7, vm0, $0xb8;
	[tilespmem:$0x1A300] =	vst v63  }
0xce: {  	s5 =	simm.s32 $0x17B00  }
0xcf: {  	[tilespmem:s5], [sflag:$0x7] =	stream.indirect_vreg.gather [hbm4b:s29+s3], $0x80, v7, vm0, $0xb8;
	[tilespmem:$0x1A300] =	vst v63  }
0xd0: {  	s8 =	simm.s32 $0x18300  }
0xd1: {  	[tilespmem:s8], [sflag:$0x7] =	stream.indirect_vreg.gather [hbm4b:s2+s3], $0x80, v6, vm0, $0xb8;
	[tilespmem:$0x1A300] =	vst v63  }
0xd2: {  	s0 =	simm.s32 $0x18B00  }
0xd3: {  	[tilespmem:s0], [sflag:$0x7] =	stream.indirect_vreg.gather [hbm4b:s26+s3], $0x80, v6, vm0, $0xb8;
	[tilespmem:$0x1A300] =	vst v63  }
0xd4: {  	s5 =	simm.s32 $0x19300  }
0xd5: {  	[tilespmem:s5], [sflag:$0x7] =	stream.indirect_vreg.gather [hbm4b:s28+s3], $0x80, v6, vm0, $0xb8;
	[tilespmem:$0x1A300] =	vst v63  }
0xd6: {  	s8 =	simm.s32 $0x19B00  }
0xd7: {  	[tilespmem:s8], [sflag:$0x7] =	stream.indirect_vreg.gather [hbm4b:s29+s3], $0x80, v6, vm0, $0xb8;
	[tilespmem:$0x1A300] =	vst v63  }
0xd8: {  	_ =	swait.ge [sflag:s20], $0x4000  }
0xd9: {  	[sflag:s20] =	ssyncset.done $0x0  }
0xda: {  	s5 =	simm.s32 $0x2300;
	s0 =	rddreg [dreg:$0x7];
	[sflag:s20] =	ssyncadd.s32 $0xFFFFC000  }
0xdb: {  	[hbm4b:s0+s3] =	stream.linear.scatter [tilespmem:s5], [sflag:$0x8], $0x4000, $0x38;
	[tilespmem:$0x1A300] =	vst v63  }
0xdc: {  	_ =	swait.ge [sflag:s22], $0x4000  }
0xdd: {  	[sflag:s22] =	ssyncset.done $0x0  }
0xde: {  	[sflag:s22] =	ssyncadd.s32 $0xFFFFC000  }
0xdf: {  	v6 =	vld [tilespmem:$0x2060];
	_ =	sdelay $0x4  }
0xe0: {  	v7 =	vshll.u32 v6, $0x3  }
0xe1: {  	v6 =	vand.u32 $0x7, v6;
	v7 =	vand.u32 $0xFFFFFFC0, v7  }
0xe2: {  	v6 =	vor.u32 v6, v7  }
0xe3: {  	v7 =	vperm.xlane v6, v3;
	_ =	sdelay $0x1  }
0xe4: {  	v7 =	vadd.s32 v4, v7;
	_ =	sdelay $0x4  }
0xe5: {  	[tilespmem:s5], [sflag:$0x2] =	stream.indirect_vreg.gather [hbm4b:s2+s3], $0x80, v7, vm0, $0xb8;
	[tilespmem:$0x1A300] =	vst v63  }
0xe6: {  	s1 =	simm.s32 $0x2B00;
	v6 =	vperm.xlane v6, v5  }
0xe7: {  	[tilespmem:s1], [sflag:$0x2] =	stream.indirect_vreg.gather [hbm4b:s26+s3], $0x80, v7, vm0, $0xb8;
	[tilespmem:$0x1A300] =	vst v63  }
0xe8: {  	s15 =	simm.s32 $0x3300;
	v6 =	vadd.s32 v4, v6  }
0xe9: {  	[tilespmem:s15], [sflag:$0x2] =	stream.indirect_vreg.gather [hbm4b:s28+s3], $0x80, v7, vm0, $0xb8;
	[tilespmem:$0x1A300] =	vst v63  }
0xea: {  	s24 =	simm.s32 $0x3B00  }
0xeb: {  	[tilespmem:s24], [sflag:$0x2] =	stream.indirect_vreg.gather [hbm4b:s29+s3], $0x80, v7, vm0, $0xb8;
	[tilespmem:$0x1A300] =	vst v63  }
0xec: {  	s25 =	simm.s32 $0x4300  }
0xed: {  	[tilespmem:s25], [sflag:$0x2] =	stream.indirect_vreg.gather [hbm4b:s2+s3], $0x80, v6, vm0, $0xb8;
	[tilespmem:$0x1A300] =	vst v63  }
0xee: {  	s6 =	simm.s32 $0x4B00  }
0xef: {  	[tilespmem:s6], [sflag:$0x2] =	stream.indirect_vreg.gather [hbm4b:s26+s3], $0x80, v6, vm0, $0xb8;
	[tilespmem:$0x1A300] =	vst v63  }
0xf0: {  	s7 =	simm.s32 $0x5300  }
0xf1: {  	[tilespmem:s7], [sflag:$0x2] =	stream.indirect_vreg.gather [hbm4b:s28+s3], $0x80, v6, vm0, $0xb8;
	[tilespmem:$0x1A300] =	vst v63  }
0xf2: {  	s4 =	simm.s32 $0x5B00;
	s24 =	simm.s32 $0x3  }
0xf3: {  	[tilespmem:s4], [sflag:$0x2] =	stream.indirect_vreg.gather [hbm4b:s29+s3], $0x80, v6, vm0, $0xb8;
	[tilespmem:$0x1A300] =	vst v63  }
0xf4: {  	_ =	swait.ge [sflag:s24], $0x4000  }
0xf5: {  	s8 =	simm.s32 $0x6300;
	[sflag:s24] =	ssyncset.done $0x0  }
0xf6: {  	s25 =	simm.s32 $0x9;
	s7 =	rddreg [dreg:$0x1a];
	[sflag:s24] =	ssyncadd.s32 $0xFFFFC000  }
0xf7: {  	[hbm4b:s7+s3] =	stream.linear.scatter [tilespmem:s8], [sflag:$0x9], $0x4000, $0x38;
	[tilespmem:$0x1A300] =	vst v63  }
0xf8: {  	_ =	swait.ge [sflag:s25], $0x4000  }
0xf9: {  	[sflag:s25] =	ssyncset.done $0x0  }
0xfa: {  	[sflag:s25] =	ssyncadd.s32 $0xFFFFC000  }
0xfb: {  	v6 =	vld [tilespmem:$0x2070];
	_ =	sdelay $0x4  }
0xfc: {  	v7 =	vshll.u32 v6, $0x3  }
0xfd: {  	v6 =	vand.u32 $0x7, v6;
	v7 =	vand.u32 $0xFFFFFFC0, v7  }
0xfe: {  	v6 =	vor.u32 v6, v7  }
0xff: {  	v7 =	vperm.xlane v6, v3;
	_ =	sdelay $0x1  }
0x100: {  	v7 =	vadd.s32 v4, v7;
	_ =	sdelay $0x4  }
0x101: {  	[tilespmem:s8], [sflag:$0x3] =	stream.indirect_vreg.gather [hbm4b:s2+s3], $0x80, v7, vm0, $0xb8;
	[tilespmem:$0x1A300] =	vst v63  }
0x102: {  	s12 =	simm.s32 $0x6B00;
	v6 =	vperm.xlane v6, v5  }
0x103: {  	[tilespmem:s12], [sflag:$0x3] =	stream.indirect_vreg.gather [hbm4b:s26+s3], $0x80, v7, vm0, $0xb8;
	[tilespmem:$0x1A300] =	vst v63  }
0x104: {  	s21 =	simm.s32 $0x7300;
	v6 =	vadd.s32 v4, v6  }
0x105: {  	[tilespmem:s21], [sflag:$0x3] =	stream.indirect_vreg.gather [hbm4b:s28+s3], $0x80, v7, vm0, $0xb8;
	[tilespmem:$0x1A300] =	vst v63  }
0x106: {  	s30 =	simm.s32 $0x7B00  }
0x107: {  	[tilespmem:s30], [sflag:$0x3] =	stream.indirect_vreg.gather [hbm4b:s29+s3], $0x80, v7, vm0, $0xb8;
	[tilespmem:$0x1A300] =	vst v63  }
0x108: {  	s17 =	simm.s32 $0x8300  }
0x109: {  	[tilespmem:s17], [sflag:$0x3] =	stream.indirect_vreg.gather [hbm4b:s2+s3], $0x80, v6, vm0, $0xb8;
	[tilespmem:$0x1A300] =	vst v63  }
0x10a: {  	s19 =	simm.s32 $0x8B00  }
0x10b: {  	[tilespmem:s19], [sflag:$0x3] =	stream.indirect_vreg.gather [hbm4b:s26+s3], $0x80, v6, vm0, $0xb8;
	[tilespmem:$0x1A300] =	vst v63  }
0x10c: {  	s23 =	simm.s32 $0x9300  }
0x10d: {  	[tilespmem:s23], [sflag:$0x3] =	stream.indirect_vreg.gather [hbm4b:s28+s3], $0x80, v6, vm0, $0xb8;
	[tilespmem:$0x1A300] =	vst v63  }
0x10e: {  	s16 =	simm.s32 $0x9B00;
	s21 =	simm.s32 $0x4  }
0x10f: {  	[tilespmem:s16], [sflag:$0x3] =	stream.indirect_vreg.gather [hbm4b:s29+s3], $0x80, v6, vm0, $0xb8;
	[tilespmem:$0x1A300] =	vst v63  }
0x110: {  	_ =	swait.ge [sflag:s21], $0x4000  }
0x111: {  	s30 =	simm.s32 $0xA;
	[sflag:s21] =	ssyncset.done $0x0  }
0x112: {  	s16 =	simm.s32 $0xA300;
	s12 =	rddreg [dreg:$0x1b];
	[sflag:s21] =	ssyncadd.s32 $0xFFFFC000  }
0x113: {  	[hbm4b:s12+s3] =	stream.linear.scatter [tilespmem:s16], [sflag:$0xA], $0x4000, $0x38;
	[tilespmem:$0x1A300] =	vst v63  }
0x114: {  	_ =	swait.ge [sflag:s30], $0x4000  }
0x115: {  	[sflag:s30] =	ssyncset.done $0x0  }
0x116: {  	[sflag:s30] =	ssyncadd.s32 $0xFFFFC000  }
0x117: {  	v6 =	vld [tilespmem:$0x2080];
	_ =	sdelay $0x4  }
0x118: {  	v7 =	vshll.u32 v6, $0x3  }
0x119: {  	v6 =	vand.u32 $0x7, v6;
	v7 =	vand.u32 $0xFFFFFFC0, v7  }
0x11a: {  	v6 =	vor.u32 v6, v7  }
0x11b: {  	v7 =	vperm.xlane v6, v3;
	_ =	sdelay $0x1  }
0x11c: {  	v7 =	vadd.s32 v4, v7;
	_ =	sdelay $0x4  }
0x11d: {  	[tilespmem:s16], [sflag:$0x4] =	stream.indirect_vreg.gather [hbm4b:s2+s3], $0x80, v7, vm0, $0xb8;
	[tilespmem:$0x1A300] =	vst v63  }
0x11e: {  	s17 =	simm.s32 $0xAB00;
	v6 =	vperm.xlane v6, v5  }
0x11f: {  	[tilespmem:s17], [sflag:$0x4] =	stream.indirect_vreg.gather [hbm4b:s26+s3], $0x80, v7, vm0, $0xb8;
	[tilespmem:$0x1A300] =	vst v63  }
0x120: {  	s19 =	simm.s32 $0xB300;
	v6 =	vadd.s32 v4, v6  }
0x121: {  	[tilespmem:s19], [sflag:$0x4] =	stream.indirect_vreg.gather [hbm4b:s28+s3], $0x80, v7, vm0, $0xb8;
	[tilespmem:$0x1A300] =	vst v63  }
0x122: {  	s17 =	simm.s32 $0xBB00  }
0x123: {  	[tilespmem:s17], [sflag:$0x4] =	stream.indirect_vreg.gather [hbm4b:s29+s3], $0x80, v7, vm0, $0xb8;
	[tilespmem:$0x1A300] =	vst v63  }
0x124: {  	s23 =	simm.s32 $0xC300  }
0x125: {  	[tilespmem:s23], [sflag:$0x4] =	stream.indirect_vreg.gather [hbm4b:s2+s3], $0x80, v6, vm0, $0xb8;
	[tilespmem:$0x1A300] =	vst v63  }
0x126: {  	s1 =	simm.s32 $0xCB00  }
0x127: {  	[tilespmem:s1], [sflag:$0x4] =	stream.indirect_vreg.gather [hbm4b:s26+s3], $0x80, v6, vm0, $0xb8;
	[tilespmem:$0x1A300] =	vst v63  }
0x128: {  	s4 =	simm.s32 $0xD300  }
0x129: {  	[tilespmem:s4], [sflag:$0x4] =	stream.indirect_vreg.gather [hbm4b:s28+s3], $0x80, v6, vm0, $0xb8;
	[tilespmem:$0x1A300] =	vst v63  }
0x12a: {  	s31 =	simm.s32 $0xDB00;
	s0 =	simm.s32 $0x5  }
0x12b: {  	[tilespmem:s31], [sflag:$0x4] =	stream.indirect_vreg.gather [hbm4b:s29+s3], $0x80, v6, vm0, $0xb8;
	[tilespmem:$0x1A300] =	vst v63  }
0x12c: {  	_ =	swait.ge [sflag:s0], $0x4000  }
0x12d: {  	s7 =	simm.s32 $0xE300;
	[sflag:s0] =	ssyncset.done $0x0  }
0x12e: {  	s1 =	simm.s32 $0xB;
	s6 =	rddreg [dreg:$0x1c];
	[sflag:s0] =	ssyncadd.s32 $0xFFFFC000  }
0x12f: {  	[hbm4b:s6+s3] =	stream.linear.scatter [tilespmem:s7], [sflag:$0xB], $0x4000, $0x38;
	[tilespmem:$0x1A300] =	vst v63  }
0x130: {  	_ =	swait.ge [sflag:s1], $0x4000  }
0x131: {  	[sflag:s1] =	ssyncset.done $0x0  }
0x132: {  	[sflag:s1] =	ssyncadd.s32 $0xFFFFC000  }
0x133: {  	v6 =	vld [tilespmem:$0x2090];
	_ =	sdelay $0x4  }
0x134: {  	v7 =	vshll.u32 v6, $0x3  }
0x135: {  	v6 =	vand.u32 $0x7, v6;
	v7 =	vand.u32 $0xFFFFFFC0, v7  }
0x136: {  	v6 =	vor.u32 v6, v7  }
0x137: {  	v7 =	vperm.xlane v6, v3;
	_ =	sdelay $0x1  }
0x138: {  	v7 =	vadd.s32 v4, v7;
	_ =	sdelay $0x4  }
0x139: {  	[tilespmem:s7], [sflag:$0x5] =	stream.indirect_vreg.gather [hbm4b:s2+s3], $0x80, v7, vm0, $0xb8;
	[tilespmem:$0x1A300] =	vst v63  }
0x13a: {  	s12 =	simm.s32 $0xEB00;
	v6 =	vperm.xlane v6, v5  }
0x13b: {  	[tilespmem:s12], [sflag:$0x5] =	stream.indirect_vreg.gather [hbm4b:s26+s3], $0x80, v7, vm0, $0xb8;
	[tilespmem:$0x1A300] =	vst v63  }
0x13c: {  	s14 =	simm.s32 $0xF300;
	v6 =	vadd.s32 v4, v6  }
0x13d: {  	[tilespmem:s14], [sflag:$0x5] =	stream.indirect_vreg.gather [hbm4b:s28+s3], $0x80, v7, vm0, $0xb8;
	[tilespmem:$0x1A300] =	vst v63  }
0x13e: {  	s19 =	simm.s32 $0xFB00  }
0x13f: {  	[tilespmem:s19], [sflag:$0x5] =	stream.indirect_vreg.gather [hbm4b:s29+s3], $0x80, v7, vm0, $0xb8;
	[tilespmem:$0x1A300] =	vst v63  }
0x140: {  	s23 =	simm.s32 $0x10300  }
0x141: {  	[tilespmem:s23], [sflag:$0x5] =	stream.indirect_vreg.gather [hbm4b:s2+s3], $0x80, v6, vm0, $0xb8;
	[tilespmem:$0x1A300] =	vst v63  }
0x142: {  	s31 =	simm.s32 $0x10B00  }
0x143: {  	[tilespmem:s31], [sflag:$0x5] =	stream.indirect_vreg.gather [hbm4b:s26+s3], $0x80, v6, vm0, $0xb8;
	[tilespmem:$0x1A300] =	vst v63  }
0x144: {  	s8 =	simm.s32 $0x11300  }
0x145: {  	[tilespmem:s8], [sflag:$0x5] =	stream.indirect_vreg.gather [hbm4b:s28+s3], $0x80, v6, vm0, $0xb8;
	[tilespmem:$0x1A300] =	vst v63  }
0x146: {  	s4 =	simm.s32 $0x6;
	s6 =	simm.s32 $0x11B00  }
0x147: {  	[tilespmem:s6], [sflag:$0x5] =	stream.indirect_vreg.gather [hbm4b:s29+s3], $0x80, v6, vm0, $0xb8;
	[tilespmem:$0x1A300] =	vst v63  }
0x148: {  	_ =	swait.ge [sflag:s4], $0x4000  }
0x149: {  	[sflag:s4] =	ssyncset.done $0x0  }
0x14a: {  	s6 =	simm.s32 $0xC;
	s7 =	rddreg [dreg:$0x1d];
	[sflag:s4] =	ssyncadd.s32 $0xFFFFC000  }
0x14b: {  	[hbm4b:s7+s3] =	stream.linear.scatter [tilespmem:s11], [sflag:$0xC], $0x4000, $0x38;
	[tilespmem:$0x1A300] =	vst v63  }
0x14c: {  	_ =	swait.ge [sflag:s6], $0x4000  }
0x14d: {  	[sflag:s6] =	ssyncset.done $0x0  }
0x14e: {  	[sflag:s6] =	ssyncadd.s32 $0xFFFFC000  }
0x14f: {  	v6 =	vld [tilespmem:$0x20A0];
	_ =	sdelay $0x4  }
0x150: {  	v7 =	vshll.u32 v6, $0x3  }
0x151: {  	v6 =	vand.u32 $0x7, v6;
	v7 =	vand.u32 $0xFFFFFFC0, v7  }
0x152: {  	v6 =	vor.u32 v6, v7  }
0x153: {  	v7 =	vperm.xlane v6, v3;
	_ =	sdelay $0x1  }
0x154: {  	v7 =	vadd.s32 v4, v7;
	_ =	sdelay $0x4  }
0x155: {  	[tilespmem:s11], [sflag:$0x6] =	stream.indirect_vreg.gather [hbm4b:s2+s3], $0x80, v7, vm0, $0xb8;
	[tilespmem:$0x1A300] =	vst v63  }
0x156: {  	s12 =	simm.s32 $0x12B00;
	v6 =	vperm.xlane v6, v5  }
0x157: {  	[tilespmem:s12], [sflag:$0x6] =	stream.indirect_vreg.gather [hbm4b:s26+s3], $0x80, v7, vm0, $0xb8;
	[tilespmem:$0x1A300] =	vst v63  }
0x158: {  	s31 =	simm.s32 $0x13300;
	v6 =	vadd.s32 v4, v6  }
0x159: {  	[tilespmem:s31], [sflag:$0x6] =	stream.indirect_vreg.gather [hbm4b:s28+s3], $0x80, v7, vm0, $0xb8;
	[tilespmem:$0x1A300] =	vst v63  }
0x15a: {  	s19 =	simm.s32 $0x13B00  }
0x15b: {  	[tilespmem:s19], [sflag:$0x6] =	stream.indirect_vreg.gather [hbm4b:s29+s3], $0x80, v7, vm0, $0xb8;
	[tilespmem:$0x1A300] =	vst v63  }
0x15c: {  	s23 =	simm.s32 $0x14300  }
0x15d: {  	[tilespmem:s23], [sflag:$0x6] =	stream.indirect_vreg.gather [hbm4b:s2+s3], $0x80, v6, vm0, $0xb8;
	[tilespmem:$0x1A300] =	vst v63  }
0x15e: {  	s14 =	simm.s32 $0x14B00  }
0x15f: {  	[tilespmem:s14], [sflag:$0x6] =	stream.indirect_vreg.gather [hbm4b:s26+s3], $0x80, v6, vm0, $0xb8;
	[tilespmem:$0x1A300] =	vst v63  }
0x160: {  	s12 =	simm.s32 $0x15300  }
0x161: {  	[tilespmem:s12], [sflag:$0x6] =	stream.indirect_vreg.gather [hbm4b:s28+s3], $0x80, v6, vm0, $0xb8;
	[tilespmem:$0x1A300] =	vst v63  }
0x162: {  	s7 =	simm.s32 $0x7;
	s14 =	simm.s32 $0x15B00  }
0x163: {  	[tilespmem:s14], [sflag:$0x6] =	stream.indirect_vreg.gather [hbm4b:s29+s3], $0x80, v6, vm0, $0xb8;
	[tilespmem:$0x1A300] =	vst v63  }
0x164: {  	_ =	swait.ge [sflag:s7], $0x4000  }
0x165: {  	[sflag:s7] =	ssyncset.done $0x0  }
0x166: {  	s12 =	rddreg [dreg:$0x1e];
	[sflag:s7] =	ssyncadd.s32 $0xFFFFC000  }
0x167: {  	[hbm4b:s12+s3] =	stream.linear.scatter [tilespmem:s13], [sflag:$0xD], $0x4000, $0x38;
	[tilespmem:$0x1A300] =	vst v63  }
0x168: {  	s12 =	simm.s32 $0xD  }
0x169: {  	_ =	swait.ge [sflag:s12], $0x4000  }
0x16a: {  	[sflag:s12] =	ssyncset.done $0x0  }
0x16b: {  	[sflag:s12] =	ssyncadd.s32 $0xFFFFC000  }
0x16c: {  	v6 =	vld [tilespmem:$0x20B0];
	_ =	sdelay $0x4  }
0x16d: {  	v7 =	vshll.u32 v6, $0x3  }
0x16e: {  	v6 =	vand.u32 $0x7, v6;
	v7 =	vand.u32 $0xFFFFFFC0, v7  }
0x16f: {  	v6 =	vor.u32 v6, v7  }
0x170: {  	v7 =	vperm.xlane v6, v3;
	_ =	sdelay $0x1  }
0x171: {  	v7 =	vadd.s32 v4, v7;
	_ =	sdelay $0x4  }
0x172: {  	[tilespmem:s13], [sflag:$0x7] =	stream.indirect_vreg.gather [hbm4b:s2+s3], $0x80, v7, vm0, $0xb8;
	[tilespmem:$0x1A300] =	vst v63  }
0x173: {  	s14 =	simm.s32 $0x16B00;
	v6 =	vperm.xlane v6, v5  }
0x174: {  	[tilespmem:s14], [sflag:$0x7] =	stream.indirect_vreg.gather [hbm4b:s26+s3], $0x80, v7, vm0, $0xb8;
	[tilespmem:$0x1A300] =	vst v63  }
0x175: {  	v6 =	vadd.s32 v4, v6;
	s14 =	simm.s32 $0x17300  }
0x176: {  	[tilespmem:s14], [sflag:$0x7] =	stream.indirect_vreg.gather [hbm4b:s28+s3], $0x80, v7, vm0, $0xb8;
	[tilespmem:$0x1A300] =	vst v63  }
0x177: {  	s14 =	simm.s32 $0x17B00  }
0x178: {  	[tilespmem:s14], [sflag:$0x7] =	stream.indirect_vreg.gather [hbm4b:s29+s3], $0x80, v7, vm0, $0xb8;
	[tilespmem:$0x1A300] =	vst v63  }
0x179: {  	s14 =	simm.s32 $0x18300  }
0x17a: {  	[tilespmem:s14], [sflag:$0x7] =	stream.indirect_vreg.gather [hbm4b:s2+s3], $0x80, v6, vm0, $0xb8;
	[tilespmem:$0x1A300] =	vst v63  }
0x17b: {  	s14 =	simm.s32 $0x18B00  }
0x17c: {  	[tilespmem:s14], [sflag:$0x7] =	stream.indirect_vreg.gather [hbm4b:s26+s3], $0x80, v6, vm0, $0xb8;
	[tilespmem:$0x1A300] =	vst v63  }
0x17d: {  	s14 =	simm.s32 $0x19300  }
0x17e: {  	[tilespmem:s14], [sflag:$0x7] =	stream.indirect_vreg.gather [hbm4b:s28+s3], $0x80, v6, vm0, $0xb8;
	[tilespmem:$0x1A300] =	vst v63  }
0x17f: {  	s14 =	simm.s32 $0x19B00  }
0x180: {  	[tilespmem:s14], [sflag:$0x7] =	stream.indirect_vreg.gather [hbm4b:s29+s3], $0x80, v6, vm0, $0xb8;
	[tilespmem:$0x1A300] =	vst v63  }
0x181: {  	_ =	swait.ge [sflag:s20], $0x4000  }
0x182: {  	[sflag:s20] =	ssyncset.done $0x0  }
0x183: {  	s5 =	simm.s32 $0x2300;
	s14 =	rddreg [dreg:$0x1f];
	[sflag:s20] =	ssyncadd.s32 $0xFFFFC000  }
0x184: {  	[hbm4b:s14+s3] =	stream.linear.scatter [tilespmem:s5], [sflag:$0x8], $0x4000, $0x38;
	[tilespmem:$0x1A300] =	vst v63  }
0x185: {  	_ =	swait.ge [sflag:s22], $0x4000  }
0x186: {  	[sflag:s22] =	ssyncset.done $0x0  }
0x187: {  	[sflag:s22] =	ssyncadd.s32 $0xFFFFC000  }
0x188: {  	v6 =	vld [tilespmem:$0x20C0];
	_ =	sdelay $0x4  }
0x189: {  	v7 =	vshll.u32 v6, $0x3  }
0x18a: {  	v6 =	vand.u32 $0x7, v6;
	v7 =	vand.u32 $0xFFFFFFC0, v7  }
0x18b: {  	v6 =	vor.u32 v6, v7  }
0x18c: {  	v7 =	vperm.xlane v6, v3;
	_ =	sdelay $0x1  }
0x18d: {  	v7 =	vadd.s32 v4, v7;
	_ =	sdelay $0x4  }
0x18e: {  	[tilespmem:s5], [sflag:$0x2] =	stream.indirect_vreg.gather [hbm4b:s2+s3], $0x80, v7, vm0, $0xb8;
	[tilespmem:$0x1A300] =	vst v63  }
0x18f: {  	s14 =	simm.s32 $0x2B00;
	v6 =	vperm.xlane v6, v5  }
0x190: {  	[tilespmem:s14], [sflag:$0x2] =	stream.indirect_vreg.gather [hbm4b:s26+s3], $0x80, v7, vm0, $0xb8;
	[tilespmem:$0x1A300] =	vst v63  }
0x191: {  	v6 =	vadd.s32 v4, v6;
	s14 =	simm.s32 $0x3300  }
0x192: {  	[tilespmem:s14], [sflag:$0x2] =	stream.indirect_vreg.gather [hbm4b:s28+s3], $0x80, v7, vm0, $0xb8;
	[tilespmem:$0x1A300] =	vst v63  }
0x193: {  	s14 =	simm.s32 $0x3B00  }
0x194: {  	[tilespmem:s14], [sflag:$0x2] =	stream.indirect_vreg.gather [hbm4b:s29+s3], $0x80, v7, vm0, $0xb8;
	[tilespmem:$0x1A300] =	vst v63  }
0x195: {  	s14 =	simm.s32 $0x4300  }
0x196: {  	[tilespmem:s14], [sflag:$0x2] =	stream.indirect_vreg.gather [hbm4b:s2+s3], $0x80, v6, vm0, $0xb8;
	[tilespmem:$0x1A300] =	vst v63  }
0x197: {  	s14 =	simm.s32 $0x4B00  }
0x198: {  	[tilespmem:s14], [sflag:$0x2] =	stream.indirect_vreg.gather [hbm4b:s26+s3], $0x80, v6, vm0, $0xb8;
	[tilespmem:$0x1A300] =	vst v63  }
0x199: {  	s14 =	simm.s32 $0x5300  }
0x19a: {  	[tilespmem:s14], [sflag:$0x2] =	stream.indirect_vreg.gather [hbm4b:s28+s3], $0x80, v6, vm0, $0xb8;
	[tilespmem:$0x1A300] =	vst v63  }
0x19b: {  	s14 =	simm.s32 $0x5B00  }
0x19c: {  	[tilespmem:s14], [sflag:$0x2] =	stream.indirect_vreg.gather [hbm4b:s29+s3], $0x80, v6, vm0, $0xb8;
	[tilespmem:$0x1A300] =	vst v63  }
0x19d: {  	_ =	swait.ge [sflag:s24], $0x4000  }
0x19e: {  	s5 =	sld [smem:$0x7FD]  }
0x19f: {  	[sflag:s24] =	ssyncset.done $0x0  }
0x1a0: {  	s15 =	simm.s32 $0x6300;
	[sflag:s24] =	ssyncadd.s32 $0xFFFFC000  }
0x1a1: {  	[hbm4b:s5+s3] =	stream.linear.scatter [tilespmem:s15], [sflag:$0x9], $0x4000, $0x38;
	[tilespmem:$0x1A300] =	vst v63  }
0x1a2: {  	_ =	swait.ge [sflag:s25], $0x4000  }
0x1a3: {  	[sflag:s25] =	ssyncset.done $0x0  }
0x1a4: {  	[sflag:s25] =	ssyncadd.s32 $0xFFFFC000  }
0x1a5: {  	v6 =	vld [tilespmem:$0x20D0];
	_ =	sdelay $0x4  }
0x1a6: {  	v7 =	vshll.u32 v6, $0x3  }
0x1a7: {  	v6 =	vand.u32 $0x7, v6;
	v7 =	vand.u32 $0xFFFFFFC0, v7  }
0x1a8: {  	v6 =	vor.u32 v6, v7  }
0x1a9: {  	v7 =	vperm.xlane v6, v3;
	_ =	sdelay $0x1  }
0x1aa: {  	v7 =	vadd.s32 v4, v7;
	_ =	sdelay $0x4  }
0x1ab: {  	[tilespmem:s15], [sflag:$0x3] =	stream.indirect_vreg.gather [hbm4b:s2+s3], $0x80, v7, vm0, $0xb8;
	[tilespmem:$0x1A300] =	vst v63  }
0x1ac: {  	v6 =	vperm.xlane v6, v5;
	s15 =	simm.s32 $0x6B00  }
0x1ad: {  	[tilespmem:s15], [sflag:$0x3] =	stream.indirect_vreg.gather [hbm4b:s26+s3], $0x80, v7, vm0, $0xb8;
	[tilespmem:$0x1A300] =	vst v63  }
0x1ae: {  	s14 =	simm.s32 $0x7300;
	v6 =	vadd.s32 v4, v6  }
0x1af: {  	[tilespmem:s14], [sflag:$0x3] =	stream.indirect_vreg.gather [hbm4b:s28+s3], $0x80, v7, vm0, $0xb8;
	[tilespmem:$0x1A300] =	vst v63  }
0x1b0: {  	s15 =	simm.s32 $0x7B00  }
0x1b1: {  	[tilespmem:s15], [sflag:$0x3] =	stream.indirect_vreg.gather [hbm4b:s29+s3], $0x80, v7, vm0, $0xb8;
	[tilespmem:$0x1A300] =	vst v63  }
0x1b2: {  	s14 =	simm.s32 $0x8300  }
0x1b3: {  	[tilespmem:s14], [sflag:$0x3] =	stream.indirect_vreg.gather [hbm4b:s2+s3], $0x80, v6, vm0, $0xb8;
	[tilespmem:$0x1A300] =	vst v63  }
0x1b4: {  	s15 =	simm.s32 $0x8B00  }
0x1b5: {  	[tilespmem:s15], [sflag:$0x3] =	stream.indirect_vreg.gather [hbm4b:s26+s3], $0x80, v6, vm0, $0xb8;
	[tilespmem:$0x1A300] =	vst v63  }
0x1b6: {  	s14 =	simm.s32 $0x9300  }
0x1b7: {  	[tilespmem:s14], [sflag:$0x3] =	stream.indirect_vreg.gather [hbm4b:s28+s3], $0x80, v6, vm0, $0xb8;
	[tilespmem:$0x1A300] =	vst v63  }
0x1b8: {  	s15 =	simm.s32 $0x9B00  }
0x1b9: {  	[tilespmem:s15], [sflag:$0x3] =	stream.indirect_vreg.gather [hbm4b:s29+s3], $0x80, v6, vm0, $0xb8;
	[tilespmem:$0x1A300] =	vst v63  }
0x1ba: {  	_ =	swait.ge [sflag:s21], $0x4000  }
0x1bb: {  	[sflag:s21] =	ssyncset.done $0x0  }
0x1bc: {  	s16 =	simm.s32 $0xA300;
	s5 =	rddreg [dreg:$0x8];
	[sflag:s21] =	ssyncadd.s32 $0xFFFFC000  }
0x1bd: {  	[hbm4b:s5+s3] =	stream.linear.scatter [tilespmem:s16], [sflag:$0xA], $0x4000, $0x38;
	[tilespmem:$0x1A300] =	vst v63  }
0x1be: {  	_ =	swait.ge [sflag:s30], $0x4000  }
0x1bf: {  	[sflag:s30] =	ssyncset.done $0x0  }
0x1c0: {  	[sflag:s30] =	ssyncadd.s32 $0xFFFFC000  }
0x1c1: {  	v6 =	vld [tilespmem:$0x20E0];
	_ =	sdelay $0x4  }
0x1c2: {  	v7 =	vshll.u32 v6, $0x3  }
0x1c3: {  	v6 =	vand.u32 $0x7, v6;
	v7 =	vand.u32 $0xFFFFFFC0, v7  }
0x1c4: {  	v6 =	vor.u32 v6, v7  }
0x1c5: {  	v7 =	vperm.xlane v6, v3;
	_ =	sdelay $0x1  }
0x1c6: {  	v7 =	vadd.s32 v4, v7;
	_ =	sdelay $0x4  }
0x1c7: {  	[tilespmem:s16], [sflag:$0x4] =	stream.indirect_vreg.gather [hbm4b:s2+s3], $0x80, v7, vm0, $0xb8;
	[tilespmem:$0x1A300] =	vst v63  }
0x1c8: {  	s14 =	simm.s32 $0xAB00;
	v6 =	vperm.xlane v6, v5  }
0x1c9: {  	[tilespmem:s14], [sflag:$0x4] =	stream.indirect_vreg.gather [hbm4b:s26+s3], $0x80, v7, vm0, $0xb8;
	[tilespmem:$0x1A300] =	vst v63  }
0x1ca: {  	s15 =	simm.s32 $0xB300;
	v6 =	vadd.s32 v4, v6  }
0x1cb: {  	[tilespmem:s15], [sflag:$0x4] =	stream.indirect_vreg.gather [hbm4b:s28+s3], $0x80, v7, vm0, $0xb8;
	[tilespmem:$0x1A300] =	vst v63  }
0x1cc: {  	_ = 	snop  }
0x1cd: {  	[tilespmem:s17], [sflag:$0x4] =	stream.indirect_vreg.gather [hbm4b:s29+s3], $0x80, v7, vm0, $0xb8;
	[tilespmem:$0x1A300] =	vst v63  }
0x1ce: {  	s16 =	simm.s32 $0xC300  }
0x1cf: {  	[tilespmem:s16], [sflag:$0x4] =	stream.indirect_vreg.gather [hbm4b:s2+s3], $0x80, v6, vm0, $0xb8;
	[tilespmem:$0x1A300] =	vst v63  }
0x1d0: {  	s17 =	simm.s32 $0xCB00  }
0x1d1: {  	[tilespmem:s17], [sflag:$0x4] =	stream.indirect_vreg.gather [hbm4b:s26+s3], $0x80, v6, vm0, $0xb8;
	[tilespmem:$0x1A300] =	vst v63  }
0x1d2: {  	s14 =	simm.s32 $0xD300  }
0x1d3: {  	[tilespmem:s14], [sflag:$0x4] =	stream.indirect_vreg.gather [hbm4b:s28+s3], $0x80, v6, vm0, $0xb8;
	[tilespmem:$0x1A300] =	vst v63  }
0x1d4: {  	s15 =	simm.s32 $0xDB00  }
0x1d5: {  	[tilespmem:s15], [sflag:$0x4] =	stream.indirect_vreg.gather [hbm4b:s29+s3], $0x80, v6, vm0, $0xb8;
	[tilespmem:$0x1A300] =	vst v63  }
0x1d6: {  	_ =	swait.ge [sflag:s0], $0x4000  }
0x1d7: {  	[sflag:s0] =	ssyncset.done $0x0  }
0x1d8: {  	s17 =	simm.s32 $0xE300;
	s16 =	rddreg [dreg:$0x9];
	[sflag:s0] =	ssyncadd.s32 $0xFFFFC000  }
0x1d9: {  	[hbm4b:s16+s3] =	stream.linear.scatter [tilespmem:s17], [sflag:$0xB], $0x4000, $0x38;
	[tilespmem:$0x1A300] =	vst v63  }
0x1da: {  	_ =	swait.ge [sflag:s1], $0x4000  }
0x1db: {  	[sflag:s1] =	ssyncset.done $0x0  }
0x1dc: {  	[sflag:s1] =	ssyncadd.s32 $0xFFFFC000  }
0x1dd: {  	v6 =	vld [tilespmem:$0x20F0];
	_ =	sdelay $0x4  }
0x1de: {  	v7 =	vshll.u32 v6, $0x3  }
0x1df: {  	v6 =	vand.u32 $0x7, v6;
	v7 =	vand.u32 $0xFFFFFFC0, v7  }
0x1e0: {  	v6 =	vor.u32 v6, v7  }
0x1e1: {  	v7 =	vperm.xlane v6, v3;
	_ =	sdelay $0x1  }
0x1e2: {  	v7 =	vadd.s32 v4, v7;
	_ =	sdelay $0x4  }
0x1e3: {  	[tilespmem:s17], [sflag:$0x5] =	stream.indirect_vreg.gather [hbm4b:s2+s3], $0x80, v7, vm0, $0xb8;
	[tilespmem:$0x1A300] =	vst v63  }
0x1e4: {  	s15 =	simm.s32 $0xEB00;
	v6 =	vperm.xlane v6, v5  }
0x1e5: {  	[tilespmem:s15], [sflag:$0x5] =	stream.indirect_vreg.gather [hbm4b:s26+s3], $0x80, v7, vm0, $0xb8;
	[tilespmem:$0x1A300] =	vst v63  }
0x1e6: {  	s16 =	simm.s32 $0xF300;
	v6 =	vadd.s32 v4, v6  }
0x1e7: {  	[tilespmem:s16], [sflag:$0x5] =	stream.indirect_vreg.gather [hbm4b:s28+s3], $0x80, v7, vm0, $0xb8;
	[tilespmem:$0x1A300] =	vst v63  }
0x1e8: {  	s14 =	simm.s32 $0xFB00  }
0x1e9: {  	[tilespmem:s14], [sflag:$0x5] =	stream.indirect_vreg.gather [hbm4b:s29+s3], $0x80, v7, vm0, $0xb8;
	[tilespmem:$0x1A300] =	vst v63  }
0x1ea: {  	s15 =	simm.s32 $0x10300  }
0x1eb: {  	[tilespmem:s15], [sflag:$0x5] =	stream.indirect_vreg.gather [hbm4b:s2+s3], $0x80, v6, vm0, $0xb8;
	[tilespmem:$0x1A300] =	vst v63  }
0x1ec: {  	s16 =	simm.s32 $0x10B00  }
0x1ed: {  	[tilespmem:s16], [sflag:$0x5] =	stream.indirect_vreg.gather [hbm4b:s26+s3], $0x80, v6, vm0, $0xb8;
	[tilespmem:$0x1A300] =	vst v63  }
0x1ee: {  	_ = 	snop  }
0x1ef: {  	[tilespmem:s8], [sflag:$0x5] =	stream.indirect_vreg.gather [hbm4b:s28+s3], $0x80, v6, vm0, $0xb8;
	[tilespmem:$0x1A300] =	vst v63  }
0x1f0: {  	s5 =	simm.s32 $0x11B00  }
0x1f1: {  	[tilespmem:s5], [sflag:$0x5] =	stream.indirect_vreg.gather [hbm4b:s29+s3], $0x80, v6, vm0, $0xb8;
	[tilespmem:$0x1A300] =	vst v63  }
0x1f2: {  	_ =	swait.ge [sflag:s4], $0x4000  }
0x1f3: {  	[sflag:s4] =	ssyncset.done $0x0  }
0x1f4: {  	s8 =	rddreg [dreg:$0xa];
	[sflag:s4] =	ssyncadd.s32 $0xFFFFC000  }
0x1f5: {  	[hbm4b:s8+s3] =	stream.linear.scatter [tilespmem:s11], [sflag:$0xC], $0x4000, $0x38;
	[tilespmem:$0x1A300] =	vst v63  }
0x1f6: {  	_ =	swait.ge [sflag:s6], $0x4000  }
0x1f7: {  	[sflag:s6] =	ssyncset.done $0x0  }
0x1f8: {  	[sflag:s6] =	ssyncadd.s32 $0xFFFFC000  }
0x1f9: {  	v6 =	vld [tilespmem:$0x2100];
	_ =	sdelay $0x4  }
0x1fa: {  	v7 =	vshll.u32 v6, $0x3  }
0x1fb: {  	v6 =	vand.u32 $0x7, v6;
	v7 =	vand.u32 $0xFFFFFFC0, v7  }
0x1fc: {  	v6 =	vor.u32 v6, v7  }
0x1fd: {  	v7 =	vperm.xlane v6, v3;
	_ =	sdelay $0x1  }
0x1fe: {  	v7 =	vadd.s32 v4, v7;
	_ =	sdelay $0x4  }
0x1ff: {  	[tilespmem:s11], [sflag:$0x6] =	stream.indirect_vreg.gather [hbm4b:s2+s3], $0x80, v7, vm0, $0xb8;
	[tilespmem:$0x1A300] =	vst v63  }
0x200: {  	s14 =	simm.s32 $0x12B00;
	v6 =	vperm.xlane v6, v5  }
0x201: {  	[tilespmem:s14], [sflag:$0x6] =	stream.indirect_vreg.gather [hbm4b:s26+s3], $0x80, v7, vm0, $0xb8;
	[tilespmem:$0x1A300] =	vst v63  }
0x202: {  	v6 =	vadd.s32 v4, v6  }
0x203: {  	[tilespmem:s31], [sflag:$0x6] =	stream.indirect_vreg.gather [hbm4b:s28+s3], $0x80, v7, vm0, $0xb8;
	[tilespmem:$0x1A300] =	vst v63  }
0x204: {  	_ = 	snop  }
0x205: {  	[tilespmem:s19], [sflag:$0x6] =	stream.indirect_vreg.gather [hbm4b:s29+s3], $0x80, v7, vm0, $0xb8;
	[tilespmem:$0x1A300] =	vst v63  }
0x206: {  	_ = 	snop  }
0x207: {  	[tilespmem:s23], [sflag:$0x6] =	stream.indirect_vreg.gather [hbm4b:s2+s3], $0x80, v6, vm0, $0xb8;
	[tilespmem:$0x1A300] =	vst v63  }
0x208: {  	s15 =	simm.s32 $0x14B00  }
0x209: {  	[tilespmem:s15], [sflag:$0x6] =	stream.indirect_vreg.gather [hbm4b:s26+s3], $0x80, v6, vm0, $0xb8;
	[tilespmem:$0x1A300] =	vst v63  }
0x20a: {  	s16 =	simm.s32 $0x15300  }
0x20b: {  	[tilespmem:s16], [sflag:$0x6] =	stream.indirect_vreg.gather [hbm4b:s28+s3], $0x80, v6, vm0, $0xb8;
	[tilespmem:$0x1A300] =	vst v63  }
0x20c: {  	s8 =	simm.s32 $0x15B00  }
0x20d: {  	[tilespmem:s8], [sflag:$0x6] =	stream.indirect_vreg.gather [hbm4b:s29+s3], $0x80, v6, vm0, $0xb8;
	[tilespmem:$0x1A300] =	vst v63  }
0x20e: {  	_ =	swait.ge [sflag:s7], $0x4000  }
0x20f: {  	[sflag:s7] =	ssyncset.done $0x0  }
0x210: {  	s5 =	rddreg [dreg:$0xb];
	[sflag:s7] =	ssyncadd.s32 $0xFFFFC000  }
0x211: {  	[hbm4b:s5+s3] =	stream.linear.scatter [tilespmem:s13], [sflag:$0xD], $0x4000, $0x38;
	[tilespmem:$0x1A300] =	vst v63  }
0x212: {  	_ =	swait.ge [sflag:s12], $0x4000  }
0x213: {  	[sflag:s12] =	ssyncset.done $0x0  }
0x214: {  	[sflag:s12] =	ssyncadd.s32 $0xFFFFC000  }
0x215: {  	v6 =	vld [tilespmem:$0x2110];
	_ =	sdelay $0x4  }
0x216: {  	v7 =	vshll.u32 v6, $0x3  }
0x217: {  	v6 =	vand.u32 $0x7, v6;
	v7 =	vand.u32 $0xFFFFFFC0, v7  }
0x218: {  	v6 =	vor.u32 v6, v7  }
0x219: {  	v7 =	vperm.xlane v6, v3;
	_ =	sdelay $0x1  }
0x21a: {  	v7 =	vadd.s32 v4, v7;
	_ =	sdelay $0x4  }
0x21b: {  	[tilespmem:s13], [sflag:$0x7] =	stream.indirect_vreg.gather [hbm4b:s2+s3], $0x80, v7, vm0, $0xb8;
	[tilespmem:$0x1A300] =	vst v63  }
0x21c: {  	s15 =	simm.s32 $0x16B00;
	v6 =	vperm.xlane v6, v5  }
0x21d: {  	[tilespmem:s15], [sflag:$0x7] =	stream.indirect_vreg.gather [hbm4b:s26+s3], $0x80, v7, vm0, $0xb8;
	[tilespmem:$0x1A300] =	vst v63  }
0x21e: {  	s16 =	simm.s32 $0x17300;
	v6 =	vadd.s32 v4, v6  }
0x21f: {  	[tilespmem:s16], [sflag:$0x7] =	stream.indirect_vreg.gather [hbm4b:s28+s3], $0x80, v7, vm0, $0xb8;
	[tilespmem:$0x1A300] =	vst v63  }
0x220: {  	s14 =	simm.s32 $0x17B00  }
0x221: {  	[tilespmem:s14], [sflag:$0x7] =	stream.indirect_vreg.gather [hbm4b:s29+s3], $0x80, v7, vm0, $0xb8;
	[tilespmem:$0x1A300] =	vst v63  }
0x222: {  	s15 =	simm.s32 $0x18300  }
0x223: {  	[tilespmem:s15], [sflag:$0x7] =	stream.indirect_vreg.gather [hbm4b:s2+s3], $0x80, v6, vm0, $0xb8;
	[tilespmem:$0x1A300] =	vst v63  }
0x224: {  	s16 =	simm.s32 $0x18B00  }
0x225: {  	[tilespmem:s16], [sflag:$0x7] =	stream.indirect_vreg.gather [hbm4b:s26+s3], $0x80, v6, vm0, $0xb8;
	[tilespmem:$0x1A300] =	vst v63  }
0x226: {  	s14 =	simm.s32 $0x19300  }
0x227: {  	[tilespmem:s14], [sflag:$0x7] =	stream.indirect_vreg.gather [hbm4b:s28+s3], $0x80, v6, vm0, $0xb8;
	[tilespmem:$0x1A300] =	vst v63  }
0x228: {  	s15 =	simm.s32 $0x19B00  }
0x229: {  	[tilespmem:s15], [sflag:$0x7] =	stream.indirect_vreg.gather [hbm4b:s29+s3], $0x80, v6, vm0, $0xb8;
	[tilespmem:$0x1A300] =	vst v63  }
0x22a: {  	_ =	swait.ge [sflag:s20], $0x4000  }
0x22b: {  	[sflag:s20] =	ssyncset.done $0x0  }
0x22c: {  	s5 =	simm.s32 $0x2300;
	s16 =	rddreg [dreg:$0xc];
	[sflag:s20] =	ssyncadd.s32 $0xFFFFC000  }
0x22d: {  	[hbm4b:s16+s3] =	stream.linear.scatter [tilespmem:s5], [sflag:$0x8], $0x4000, $0x38;
	[tilespmem:$0x1A300] =	vst v63  }
0x22e: {  	_ =	swait.ge [sflag:s22], $0x4000  }
0x22f: {  	[sflag:s22] =	ssyncset.done $0x0  }
0x230: {  	[sflag:s22] =	ssyncadd.s32 $0xFFFFC000  }
0x231: {  	v6 =	vld [tilespmem:$0x2120];
	_ =	sdelay $0x4  }
0x232: {  	v7 =	vshll.u32 v6, $0x3  }
0x233: {  	v6 =	vand.u32 $0x7, v6;
	v7 =	vand.u32 $0xFFFFFFC0, v7  }
0x234: {  	v6 =	vor.u32 v6, v7  }
0x235: {  	v7 =	vperm.xlane v6, v3;
	_ =	sdelay $0x1  }
0x236: {  	v7 =	vadd.s32 v4, v7;
	_ =	sdelay $0x4  }
0x237: {  	[tilespmem:s5], [sflag:$0x2] =	stream.indirect_vreg.gather [hbm4b:s2+s3], $0x80, v7, vm0, $0xb8;
	[tilespmem:$0x1A300] =	vst v63  }
0x238: {  	s14 =	simm.s32 $0x2B00;
	v6 =	vperm.xlane v6, v5  }
0x239: {  	[tilespmem:s14], [sflag:$0x2] =	stream.indirect_vreg.gather [hbm4b:s26+s3], $0x80, v7, vm0, $0xb8;
	[tilespmem:$0x1A300] =	vst v63  }
0x23a: {  	s16 =	simm.s32 $0x3300;
	v6 =	vadd.s32 v4, v6  }
0x23b: {  	[tilespmem:s16], [sflag:$0x2] =	stream.indirect_vreg.gather [hbm4b:s28+s3], $0x80, v7, vm0, $0xb8;
	[tilespmem:$0x1A300] =	vst v63  }
0x23c: {  	s14 =	simm.s32 $0x3B00  }
0x23d: {  	[tilespmem:s14], [sflag:$0x2] =	stream.indirect_vreg.gather [hbm4b:s29+s3], $0x80, v7, vm0, $0xb8;
	[tilespmem:$0x1A300] =	vst v63  }
0x23e: {  	s16 =	simm.s32 $0x4300  }
0x23f: {  	[tilespmem:s16], [sflag:$0x2] =	stream.indirect_vreg.gather [hbm4b:s2+s3], $0x80, v6, vm0, $0xb8;
	[tilespmem:$0x1A300] =	vst v63  }
0x240: {  	s14 =	simm.s32 $0x4B00  }
0x241: {  	[tilespmem:s14], [sflag:$0x2] =	stream.indirect_vreg.gather [hbm4b:s26+s3], $0x80, v6, vm0, $0xb8;
	[tilespmem:$0x1A300] =	vst v63  }
0x242: {  	s16 =	simm.s32 $0x5300  }
0x243: {  	[tilespmem:s16], [sflag:$0x2] =	stream.indirect_vreg.gather [hbm4b:s28+s3], $0x80, v6, vm0, $0xb8;
	[tilespmem:$0x1A300] =	vst v63  }
0x244: {  	s14 =	simm.s32 $0x5B00  }
0x245: {  	[tilespmem:s14], [sflag:$0x2] =	stream.indirect_vreg.gather [hbm4b:s29+s3], $0x80, v6, vm0, $0xb8;
	[tilespmem:$0x1A300] =	vst v63  }
0x246: {  	_ =	swait.ge [sflag:s24], $0x4000  }
0x247: {  	[sflag:s24] =	ssyncset.done $0x0  }
0x248: {  	s5 =	simm.s32 $0x6300;
	s16 =	rddreg [dreg:$0xd];
	[sflag:s24] =	ssyncadd.s32 $0xFFFFC000  }
0x249: {  	[hbm4b:s16+s3] =	stream.linear.scatter [tilespmem:s5], [sflag:$0x9], $0x4000, $0x38;
	[tilespmem:$0x1A300] =	vst v63  }
0x24a: {  	_ =	swait.ge [sflag:s25], $0x4000  }
0x24b: {  	[sflag:s25] =	ssyncset.done $0x0  }
0x24c: {  	[sflag:s25] =	ssyncadd.s32 $0xFFFFC000  }
0x24d: {  	v6 =	vld [tilespmem:$0x2130];
	_ =	sdelay $0x4  }
0x24e: {  	v7 =	vshll.u32 v6, $0x3  }
0x24f: {  	v6 =	vand.u32 $0x7, v6;
	v7 =	vand.u32 $0xFFFFFFC0, v7  }
0x250: {  	v6 =	vor.u32 v6, v7  }
0x251: {  	v7 =	vperm.xlane v6, v3;
	_ =	sdelay $0x1  }
0x252: {  	v7 =	vadd.s32 v4, v7;
	_ =	sdelay $0x4  }
0x253: {  	[tilespmem:s5], [sflag:$0x3] =	stream.indirect_vreg.gather [hbm4b:s2+s3], $0x80, v7, vm0, $0xb8;
	[tilespmem:$0x1A300] =	vst v63  }
0x254: {  	s14 =	simm.s32 $0x6B00;
	v6 =	vperm.xlane v6, v5  }
0x255: {  	[tilespmem:s14], [sflag:$0x3] =	stream.indirect_vreg.gather [hbm4b:s26+s3], $0x80, v7, vm0, $0xb8;
	[tilespmem:$0x1A300] =	vst v63  }
0x256: {  	v6 =	vadd.s32 v4, v6;
	s14 =	simm.s32 $0x7300  }
0x257: {  	[tilespmem:s14], [sflag:$0x3] =	stream.indirect_vreg.gather [hbm4b:s28+s3], $0x80, v7, vm0, $0xb8;
	[tilespmem:$0x1A300] =	vst v63  }
0x258: {  	s14 =	simm.s32 $0x7B00  }
0x259: {  	[tilespmem:s14], [sflag:$0x3] =	stream.indirect_vreg.gather [hbm4b:s29+s3], $0x80, v7, vm0, $0xb8;
	[tilespmem:$0x1A300] =	vst v63  }
0x25a: {  	s14 =	simm.s32 $0x8300  }
0x25b: {  	[tilespmem:s14], [sflag:$0x3] =	stream.indirect_vreg.gather [hbm4b:s2+s3], $0x80, v6, vm0, $0xb8;
	[tilespmem:$0x1A300] =	vst v63  }
0x25c: {  	s14 =	simm.s32 $0x8B00  }
0x25d: {  	[tilespmem:s14], [sflag:$0x3] =	stream.indirect_vreg.gather [hbm4b:s26+s3], $0x80, v6, vm0, $0xb8;
	[tilespmem:$0x1A300] =	vst v63  }
0x25e: {  	s14 =	simm.s32 $0x9300  }
0x25f: {  	[tilespmem:s14], [sflag:$0x3] =	stream.indirect_vreg.gather [hbm4b:s28+s3], $0x80, v6, vm0, $0xb8;
	[tilespmem:$0x1A300] =	vst v63  }
0x260: {  	s14 =	simm.s32 $0x9B00  }
0x261: {  	[tilespmem:s14], [sflag:$0x3] =	stream.indirect_vreg.gather [hbm4b:s29+s3], $0x80, v6, vm0, $0xb8;
	[tilespmem:$0x1A300] =	vst v63  }
0x262: {  	_ =	swait.ge [sflag:s21], $0x4000  }
0x263: {  	[sflag:s21] =	ssyncset.done $0x0  }
0x264: {  	s5 =	simm.s32 $0xA300;
	s14 =	rddreg [dreg:$0xe];
	[sflag:s21] =	ssyncadd.s32 $0xFFFFC000  }
0x265: {  	[hbm4b:s14+s3] =	stream.linear.scatter [tilespmem:s5], [sflag:$0xA], $0x4000, $0x38;
	[tilespmem:$0x1A300] =	vst v63  }
0x266: {  	_ =	swait.ge [sflag:s30], $0x4000  }
0x267: {  	[sflag:s30] =	ssyncset.done $0x0  }
0x268: {  	[sflag:s30] =	ssyncadd.s32 $0xFFFFC000  }
0x269: {  	v6 =	vld [tilespmem:$0x2140];
	_ =	sdelay $0x4  }
0x26a: {  	v7 =	vshll.u32 v6, $0x3  }
0x26b: {  	v6 =	vand.u32 $0x7, v6;
	v7 =	vand.u32 $0xFFFFFFC0, v7  }
0x26c: {  	v6 =	vor.u32 v6, v7  }
0x26d: {  	v7 =	vperm.xlane v6, v3;
	_ =	sdelay $0x1  }
0x26e: {  	v7 =	vadd.s32 v4, v7;
	_ =	sdelay $0x4  }
0x26f: {  	[tilespmem:s5], [sflag:$0x4] =	stream.indirect_vreg.gather [hbm4b:s2+s3], $0x80, v7, vm0, $0xb8;
	[tilespmem:$0x1A300] =	vst v63  }
0x270: {  	s14 =	simm.s32 $0xAB00;
	v6 =	vperm.xlane v6, v5  }
0x271: {  	[tilespmem:s14], [sflag:$0x4] =	stream.indirect_vreg.gather [hbm4b:s26+s3], $0x80, v7, vm0, $0xb8;
	[tilespmem:$0x1A300] =	vst v63  }
0x272: {  	v6 =	vadd.s32 v4, v6;
	s14 =	simm.s32 $0xB300  }
0x273: {  	[tilespmem:s14], [sflag:$0x4] =	stream.indirect_vreg.gather [hbm4b:s28+s3], $0x80, v7, vm0, $0xb8;
	[tilespmem:$0x1A300] =	vst v63  }
0x274: {  	s14 =	simm.s32 $0xBB00  }
0x275: {  	[tilespmem:s14], [sflag:$0x4] =	stream.indirect_vreg.gather [hbm4b:s29+s3], $0x80, v7, vm0, $0xb8;
	[tilespmem:$0x1A300] =	vst v63  }
0x276: {  	s14 =	simm.s32 $0xC300  }
0x277: {  	[tilespmem:s14], [sflag:$0x4] =	stream.indirect_vreg.gather [hbm4b:s2+s3], $0x80, v6, vm0, $0xb8;
	[tilespmem:$0x1A300] =	vst v63  }
0x278: {  	s14 =	simm.s32 $0xCB00  }
0x279: {  	[tilespmem:s14], [sflag:$0x4] =	stream.indirect_vreg.gather [hbm4b:s26+s3], $0x80, v6, vm0, $0xb8;
	[tilespmem:$0x1A300] =	vst v63  }
0x27a: {  	s14 =	simm.s32 $0xD300  }
0x27b: {  	[tilespmem:s14], [sflag:$0x4] =	stream.indirect_vreg.gather [hbm4b:s28+s3], $0x80, v6, vm0, $0xb8;
	[tilespmem:$0x1A300] =	vst v63  }
0x27c: {  	s14 =	simm.s32 $0xDB00  }
0x27d: {  	[tilespmem:s14], [sflag:$0x4] =	stream.indirect_vreg.gather [hbm4b:s29+s3], $0x80, v6, vm0, $0xb8;
	[tilespmem:$0x1A300] =	vst v63  }
0x27e: {  	_ =	swait.ge [sflag:s0], $0x4000  }
0x27f: {  	[sflag:s0] =	ssyncset.done $0x0  }
0x280: {  	s17 =	simm.s32 $0xE300;
	s14 =	rddreg [dreg:$0xf];
	[sflag:s0] =	ssyncadd.s32 $0xFFFFC000  }
0x281: {  	[hbm4b:s14+s3] =	stream.linear.scatter [tilespmem:s17], [sflag:$0xB], $0x4000, $0x38;
	[tilespmem:$0x1A300] =	vst v63  }
0x282: {  	_ =	swait.ge [sflag:s1], $0x4000  }
0x283: {  	[sflag:s1] =	ssyncset.done $0x0  }
0x284: {  	[sflag:s1] =	ssyncadd.s32 $0xFFFFC000  }
0x285: {  	v6 =	vld [tilespmem:$0x2150];
	_ =	sdelay $0x4  }
0x286: {  	v7 =	vshll.u32 v6, $0x3  }
0x287: {  	v6 =	vand.u32 $0x7, v6;
	v7 =	vand.u32 $0xFFFFFFC0, v7  }
0x288: {  	v6 =	vor.u32 v6, v7  }
0x289: {  	v7 =	vperm.xlane v6, v3;
	_ =	sdelay $0x1  }
0x28a: {  	v7 =	vadd.s32 v4, v7;
	_ =	sdelay $0x4  }
0x28b: {  	[tilespmem:s17], [sflag:$0x5] =	stream.indirect_vreg.gather [hbm4b:s2+s3], $0x80, v7, vm0, $0xb8;
	[tilespmem:$0x1A300] =	vst v63  }
0x28c: {  	s14 =	simm.s32 $0xEB00;
	v6 =	vperm.xlane v6, v5  }
0x28d: {  	[tilespmem:s14], [sflag:$0x5] =	stream.indirect_vreg.gather [hbm4b:s26+s3], $0x80, v7, vm0, $0xb8;
	[tilespmem:$0x1A300] =	vst v63  }
0x28e: {  	v6 =	vadd.s32 v4, v6;
	s14 =	simm.s32 $0xF300  }
0x28f: {  	[tilespmem:s14], [sflag:$0x5] =	stream.indirect_vreg.gather [hbm4b:s28+s3], $0x80, v7, vm0, $0xb8;
	[tilespmem:$0x1A300] =	vst v63  }
0x290: {  	s14 =	simm.s32 $0xFB00  }
0x291: {  	[tilespmem:s14], [sflag:$0x5] =	stream.indirect_vreg.gather [hbm4b:s29+s3], $0x80, v7, vm0, $0xb8;
	[tilespmem:$0x1A300] =	vst v63  }
0x292: {  	s14 =	simm.s32 $0x10300  }
0x293: {  	[tilespmem:s14], [sflag:$0x5] =	stream.indirect_vreg.gather [hbm4b:s2+s3], $0x80, v6, vm0, $0xb8;
	[tilespmem:$0x1A300] =	vst v63  }
0x294: {  	s14 =	simm.s32 $0x10B00  }
0x295: {  	[tilespmem:s14], [sflag:$0x5] =	stream.indirect_vreg.gather [hbm4b:s26+s3], $0x80, v6, vm0, $0xb8;
	[tilespmem:$0x1A300] =	vst v63  }
0x296: {  	s14 =	simm.s32 $0x11300  }
0x297: {  	[tilespmem:s14], [sflag:$0x5] =	stream.indirect_vreg.gather [hbm4b:s28+s3], $0x80, v6, vm0, $0xb8;
	[tilespmem:$0x1A300] =	vst v63  }
0x298: {  	s14 =	simm.s32 $0x11B00  }
0x299: {  	[tilespmem:s14], [sflag:$0x5] =	stream.indirect_vreg.gather [hbm4b:s29+s3], $0x80, v6, vm0, $0xb8;
	[tilespmem:$0x1A300] =	vst v63  }
0x29a: {  	_ =	swait.ge [sflag:s4], $0x4000  }
0x29b: {  	[sflag:s4] =	ssyncset.done $0x0  }
0x29c: {  	s14 =	rddreg [dreg:$0x10];
	[sflag:s4] =	ssyncadd.s32 $0xFFFFC000  }
0x29d: {  	[hbm4b:s14+s3] =	stream.linear.scatter [tilespmem:s11], [sflag:$0xC], $0x4000, $0x38;
	[tilespmem:$0x1A300] =	vst v63  }
0x29e: {  	_ =	swait.ge [sflag:s6], $0x4000  }
0x29f: {  	[sflag:s6] =	ssyncset.done $0x0  }
0x2a0: {  	[sflag:s6] =	ssyncadd.s32 $0xFFFFC000  }
0x2a1: {  	v6 =	vld [tilespmem:$0x2160];
	_ =	sdelay $0x4  }
0x2a2: {  	v7 =	vshll.u32 v6, $0x3  }
0x2a3: {  	v6 =	vand.u32 $0x7, v6;
	v7 =	vand.u32 $0xFFFFFFC0, v7  }
0x2a4: {  	v6 =	vor.u32 v6, v7  }
0x2a5: {  	v7 =	vperm.xlane v6, v3;
	_ =	sdelay $0x1  }
0x2a6: {  	v7 =	vadd.s32 v4, v7;
	_ =	sdelay $0x4  }
0x2a7: {  	[tilespmem:s11], [sflag:$0x6] =	stream.indirect_vreg.gather [hbm4b:s2+s3], $0x80, v7, vm0, $0xb8;
	[tilespmem:$0x1A300] =	vst v63  }
0x2a8: {  	s14 =	simm.s32 $0x12B00;
	v6 =	vperm.xlane v6, v5  }
0x2a9: {  	[tilespmem:s14], [sflag:$0x6] =	stream.indirect_vreg.gather [hbm4b:s26+s3], $0x80, v7, vm0, $0xb8;
	[tilespmem:$0x1A300] =	vst v63  }
0x2aa: {  	s31 =	simm.s32 $0x13300;
	v6 =	vadd.s32 v4, v6  }
0x2ab: {  	[tilespmem:s31], [sflag:$0x6] =	stream.indirect_vreg.gather [hbm4b:s28+s3], $0x80, v7, vm0, $0xb8;
	[tilespmem:$0x1A300] =	vst v63  }
0x2ac: {  	s19 =	simm.s32 $0x13B00  }
0x2ad: {  	[tilespmem:s19], [sflag:$0x6] =	stream.indirect_vreg.gather [hbm4b:s29+s3], $0x80, v7, vm0, $0xb8;
	[tilespmem:$0x1A300] =	vst v63  }
0x2ae: {  	s23 =	simm.s32 $0x14300  }
0x2af: {  	[tilespmem:s23], [sflag:$0x6] =	stream.indirect_vreg.gather [hbm4b:s2+s3], $0x80, v6, vm0, $0xb8;
	[tilespmem:$0x1A300] =	vst v63  }
0x2b0: {  	s23 =	simm.s32 $0x14B00  }
0x2b1: {  	[tilespmem:s23], [sflag:$0x6] =	stream.indirect_vreg.gather [hbm4b:s26+s3], $0x80, v6, vm0, $0xb8;
	[tilespmem:$0x1A300] =	vst v63  }
0x2b2: {  	s31 =	simm.s32 $0x15300  }
0x2b3: {  	[tilespmem:s31], [sflag:$0x6] =	stream.indirect_vreg.gather [hbm4b:s28+s3], $0x80, v6, vm0, $0xb8;
	[tilespmem:$0x1A300] =	vst v63  }
0x2b4: {  	_ = 	snop  }
0x2b5: {  	[tilespmem:s8], [sflag:$0x6] =	stream.indirect_vreg.gather [hbm4b:s29+s3], $0x80, v6, vm0, $0xb8;
	[tilespmem:$0x1A300] =	vst v63  }
0x2b6: {  	_ =	swait.ge [sflag:s7], $0x4000  }
0x2b7: {  	[sflag:s7] =	ssyncset.done $0x0  }
0x2b8: {  	s8 =	rddreg [dreg:$0x11];
	[sflag:s7] =	ssyncadd.s32 $0xFFFFC000  }
0x2b9: {  	[hbm4b:s8+s3] =	stream.linear.scatter [tilespmem:s13], [sflag:$0xD], $0x4000, $0x38;
	[tilespmem:$0x1A300] =	vst v63  }
0x2ba: {  	_ =	swait.ge [sflag:s12], $0x4000  }
0x2bb: {  	[sflag:s12] =	ssyncset.done $0x0  }
0x2bc: {  	[sflag:s12] =	ssyncadd.s32 $0xFFFFC000  }
0x2bd: {  	v6 =	vld [tilespmem:$0x2170];
	_ =	sdelay $0x4  }
0x2be: {  	v7 =	vshll.u32 v6, $0x3  }
0x2bf: {  	v6 =	vand.u32 $0x7, v6;
	v7 =	vand.u32 $0xFFFFFFC0, v7  }
0x2c0: {  	v6 =	vor.u32 v6, v7  }
0x2c1: {  	v7 =	vperm.xlane v6, v3;
	_ =	sdelay $0x1  }
0x2c2: {  	v7 =	vadd.s32 v4, v7;
	_ =	sdelay $0x4  }
0x2c3: {  	[tilespmem:s13], [sflag:$0x7] =	stream.indirect_vreg.gather [hbm4b:s2+s3], $0x80, v7, vm0, $0xb8;
	[tilespmem:$0x1A300] =	vst v63  }
0x2c4: {  	s19 =	simm.s32 $0x16B00;
	v6 =	vperm.xlane v6, v5  }
0x2c5: {  	[tilespmem:s19], [sflag:$0x7] =	stream.indirect_vreg.gather [hbm4b:s26+s3], $0x80, v7, vm0, $0xb8;
	[tilespmem:$0x1A300] =	vst v63  }
0x2c6: {  	s23 =	simm.s32 $0x17300;
	v6 =	vadd.s32 v4, v6  }
0x2c7: {  	[tilespmem:s23], [sflag:$0x7] =	stream.indirect_vreg.gather [hbm4b:s28+s3], $0x80, v7, vm0, $0xb8;
	[tilespmem:$0x1A300] =	vst v63  }
0x2c8: {  	s31 =	simm.s32 $0x17B00  }
0x2c9: {  	[tilespmem:s31], [sflag:$0x7] =	stream.indirect_vreg.gather [hbm4b:s29+s3], $0x80, v7, vm0, $0xb8;
	[tilespmem:$0x1A300] =	vst v63  }
0x2ca: {  	s14 =	simm.s32 $0x18300  }
0x2cb: {  	[tilespmem:s14], [sflag:$0x7] =	stream.indirect_vreg.gather [hbm4b:s2+s3], $0x80, v6, vm0, $0xb8;
	[tilespmem:$0x1A300] =	vst v63  }
0x2cc: {  	s19 =	simm.s32 $0x18B00  }
0x2cd: {  	[tilespmem:s19], [sflag:$0x7] =	stream.indirect_vreg.gather [hbm4b:s26+s3], $0x80, v6, vm0, $0xb8;
	[tilespmem:$0x1A300] =	vst v63  }
0x2ce: {  	s23 =	simm.s32 $0x19300  }
0x2cf: {  	[tilespmem:s23], [sflag:$0x7] =	stream.indirect_vreg.gather [hbm4b:s28+s3], $0x80, v6, vm0, $0xb8;
	[tilespmem:$0x1A300] =	vst v63  }
0x2d0: {  	s31 =	simm.s32 $0x19B00  }
0x2d1: {  	[tilespmem:s31], [sflag:$0x7] =	stream.indirect_vreg.gather [hbm4b:s29+s3], $0x80, v6, vm0, $0xb8;
	[tilespmem:$0x1A300] =	vst v63  }
0x2d2: {  	_ =	swait.ge [sflag:s20], $0x4000  }
0x2d3: {  	[sflag:s20] =	ssyncset.done $0x0  }
0x2d4: {  	s15 =	simm.s32 $0x2300;
	s8 =	rddreg [dreg:$0x12];
	[sflag:s20] =	ssyncadd.s32 $0xFFFFC000  }
0x2d5: {  	[hbm4b:s8+s3] =	stream.linear.scatter [tilespmem:s15], [sflag:$0x8], $0x4000, $0x38;
	[tilespmem:$0x1A300] =	vst v63  }
0x2d6: {  	_ =	swait.ge [sflag:s24], $0x4000  }
0x2d7: {  	[sflag:s24] =	ssyncset.done $0x0  }
0x2d8: {  	s16 =	simm.s32 $0x6300;
	s15 =	rddreg [dreg:$0x13];
	[sflag:s24] =	ssyncadd.s32 $0xFFFFC000  }
0x2d9: {  	[hbm4b:s15+s3] =	stream.linear.scatter [tilespmem:s16], [sflag:$0x9], $0x4000, $0x38;
	[tilespmem:$0x1A300] =	vst v63  }
0x2da: {  	_ =	swait.ge [sflag:s21], $0x4000  }
0x2db: {  	[sflag:s21] =	ssyncset.done $0x0  }
0x2dc: {  	s5 =	simm.s32 $0xA300;
	s19 =	rddreg [dreg:$0x14];
	[sflag:s21] =	ssyncadd.s32 $0xFFFFC000  }
0x2dd: {  	[hbm4b:s19+s3] =	stream.linear.scatter [tilespmem:s5], [sflag:$0xA], $0x4000, $0x38;
	[tilespmem:$0x1A300] =	vst v63  }
0x2de: {  	_ =	swait.ge [sflag:s0], $0x4000  }
0x2df: {  	[sflag:s0] =	ssyncset.done $0x0  }
0x2e0: {  	s21 =	rddreg [dreg:$0x16];
	[sflag:s0] =	ssyncadd.s32 $0xFFFFC000  }
0x2e1: {  	[hbm4b:s21+s3] =	stream.linear.scatter [tilespmem:s17], [sflag:$0xB], $0x4000, $0x38;
	[tilespmem:$0x1A300] =	vst v63  }
0x2e2: {  	_ =	swait.ge [sflag:s4], $0x4000  }
0x2e3: {  	[sflag:s4] =	ssyncset.done $0x0  }
0x2e4: {  	s23 =	rddreg [dreg:$0x17];
	[sflag:s4] =	ssyncadd.s32 $0xFFFFC000  }
0x2e5: {  	[hbm4b:s23+s3] =	stream.linear.scatter [tilespmem:s11], [sflag:$0xC], $0x4000, $0x38;
	[tilespmem:$0x1A300] =	vst v63  }
0x2e6: {  	_ =	swait.ge [sflag:s7], $0x4000  }
0x2e7: {  	[sflag:s7] =	ssyncset.done $0x0  }
0x2e8: {  	s24 =	rddreg [dreg:$0x18];
	[sflag:s7] =	ssyncadd.s32 $0xFFFFC000  }
0x2e9: {  	[hbm4b:s24+s3] =	stream.linear.scatter [tilespmem:s13], [sflag:$0xD], $0x4000, $0x38;
	[tilespmem:$0x1A300] =	vst v63  }
0x2ea: {  	_ =	swait.ge [sflag:s22], $0x4000  }
0x2eb: {  	[sflag:s22] =	ssyncset.done $0x0  }
0x2ec: {  	[sflag:s22] =	ssyncadd.s32 $0xFFFFC000  }
0x2ed: {  	_ =	swait.ge [sflag:s25], $0x4000  }
0x2ee: {  	[sflag:s25] =	ssyncset.done $0x0  }
0x2ef: {  	[sflag:s25] =	ssyncadd.s32 $0xFFFFC000  }
0x2f0: {  	_ =	swait.ge [sflag:s30], $0x4000  }
0x2f1: {  	[sflag:s30] =	ssyncset.done $0x0  }
0x2f2: {  	[sflag:s30] =	ssyncadd.s32 $0xFFFFC000  }
0x2f3: {  	_ =	swait.ge [sflag:s1], $0x4000  }
0x2f4: {  	[sflag:s1] =	ssyncset.done $0x0  }
0x2f5: {  	[sflag:s1] =	ssyncadd.s32 $0xFFFFC000  }
0x2f6: {  	_ =	swait.ge [sflag:s6], $0x4000  }
0x2f7: {  	[sflag:s6] =	ssyncset.done $0x0  }
0x2f8: {  	[sflag:s6] =	ssyncadd.s32 $0xFFFFC000  }
0x2f9: {  	_ =	swait.ge [sflag:s12], $0x4000  }
0x2fa: {  	[sflag:s12] =	ssyncset.done $0x0  }
0x2fb: {  	s30 =	simm.s32 $0x1;
	[sflag:s12] =	ssyncadd.s32 $0xFFFFC000  }
0x2fc: {  	_ =	swait.ge [sflag:s30], $0x180  }
0x2fd: {  	s18 =	sadd.s32 $0x1, s18;
	s31 =	rddreg [dreg:$0x19]  }
0x2fe: {  	p0 =	sne.s32 s18, s31  }
.Ltmp2:
0x2ff: {  	_ = 	snop;
	(pc) =	sbr.rel @p0 .LBB2_1-.Ltmp2, $3  }
0x300: {  	_ =	sdelay $0x1  }
0x301: {  	[sflag:s30] =	ssyncset.done $0x0  }
0x302: {  	[sflag:s30] =	ssyncadd.s32 $0xFFFFFE80  }
0x303: {  	_ =	sfence.sel $0x180000  }
0x304: {  	[bflag:$0x0] =	sbarrier.arrive $0xFFFF  }
0x305: {  	_ =	strace $0x90000047  }
0x306: {  	s0 =	stileid.u32;
	[bflag:$0x2] =	sbarrier.arrive $0xFFFF  }
0x307: {  	p0 =	sne.s32 s0, $0x0;
	s0 =	rddreg [dreg:$0x3]  }
0x308: {  	s0 =	sadd.s32 @!p0 $0x100000, s0  }
0x309: {  	[sflag:s0] =	ssyncadd.tile.s32 @!p0 $0x1;
	_ =	shalt  }
.Lfunc_end2:
_tile_overlayer_lowered:
.L_overlay_start_2:
0x30a: {  	(tag) =	ssettag $0x2  }
0x30b: {  	s0 =	rddreg [dreg:$0x0];
	s2 =	stileid.u32  }
0x30c: {  	s1 =	rddreg [dreg:$0x1];
	p0 =	sne.s32 s2, $0x0  }
0x30d: {  	s3 =	rddreg [dreg:$0x2];
	[bflag:$0x3] =	sbarrier.arrive $0xFFFF;
	s2 =	simm.s32 @!p0 $0x1C0E  }
0x30e: {  	[timem:s3], [sflag:s2] =	dma.local @!p0 [hbm:s0], s1  }
0x30f: {  	s0 =	simm.s32 @!p0 $0xE  }
0x310: {  	_ =	swait.ge @!p0 [sflag:s0], s1  }
0x311: {  	s1 =	ssub.s32 @!p0 $0x0, s1;
	[sflag:s0] =	ssyncset.done @!p0 $0x0  }
0x312: {  	[sflag:s0] =	ssyncadd.s32 @!p0 s1  }
0x313: {  	[bflag:$0x3] =	sbarrier.arrive $0xFFFF  }
0x314: {  	_ =	shalt  }

</sc_bundles>
